<compile_context>
chip_gen: v7x
topology: tpu7x:2x2x1
jax: 0.10.2.dev20260603
libtpu: 0.0.44.dev20260713+nightly
codegen_flags: <defaults>
</compile_context>

<pallas_src>
import dataclasses
import functools

import jax
import jax.numpy as jnp
from jax import lax
from jax.experimental import pallas as pl
from jax.experimental.pallas import tpu as pltpu
from jax.experimental.pallas import tpu_sc as plsc

VOCAB = 30522
HID = 768
MAX_POS = 512
TYPE_VOCAB = 2
EPS = 1e-12
B, L = 128, 512

NUM_CORES = 2
NUM_SUBCORES = 16
NUM_WORKERS = NUM_CORES * NUM_SUBCORES
TOK = B * L
TOK_PER_W = TOK // NUM_WORKERS
CHUNK = 16
NCHUNK = TOK_PER_W // CHUNK
NVREG = HID // 16


def _sc_embed_ln(ids, cidx, w_word, comb, gamma, beta):
    mesh = plsc.VectorSubcoreMesh(core_axis_name="c", subcore_axis_name="s")
    cp = pltpu.CompilerParams()
    if "needs_layout_passes" in pltpu.CompilerParams.__dataclass_fields__:
        cp = dataclasses.replace(cp, needs_layout_passes=False)

    @functools.partial(
        pl.kernel,
        out_type=jax.ShapeDtypeStruct((TOK, HID), jnp.float32),
        mesh=mesh,
        compiler_params=cp,
        scratch_types=[
            pltpu.VMEM((TOK_PER_W,), jnp.int32),
            pltpu.VMEM((TOK_PER_W,), jnp.int32),
            pltpu.VMEM((HID,), jnp.float32),
            pltpu.VMEM((HID,), jnp.float32),
            pltpu.VMEM((CHUNK, HID), jnp.float32),
            pltpu.VMEM((CHUNK, HID), jnp.float32),
            pltpu.VMEM((CHUNK, HID), jnp.float32),
            pltpu.VMEM((CHUNK, HID), jnp.float32),
            pltpu.VMEM((CHUNK, HID), jnp.float32),
            pltpu.VMEM((CHUNK, HID), jnp.float32),
            pltpu.SemaphoreType.DMA,
            pltpu.SemaphoreType.DMA,
            pltpu.SemaphoreType.DMA,
            pltpu.SemaphoreType.DMA,
            pltpu.SemaphoreType.DMA,
            pltpu.SemaphoreType.DMA,
        ],
    )
    def kern(ids_hbm, cidx_hbm, ww_hbm, comb_hbm, gam_hbm, bet_hbm, out_hbm,
             idx_v, cidx_v, gam_v, bet_v,
             bw0, bw1, bc0, bc1, bo0, bo1,
             sw0, sw1, scm0, scm1, so0, so1):
        wid = lax.axis_index("s") * NUM_CORES + lax.axis_index("c")
        base = wid * TOK_PER_W

        pltpu.sync_copy(ids_hbm.at[pl.ds(base, TOK_PER_W)], idx_v)
        pltpu.sync_copy(cidx_hbm.at[pl.ds(base, TOK_PER_W)], cidx_v)
        pltpu.sync_copy(gam_hbm, gam_v)
        pltpu.sync_copy(bet_hbm, bet_v)

        bw = [bw0, bw1]
        bc = [bc0, bc1]
        bo = [bo0, bo1]
        sw = [sw0, sw1]
        sc = [scm0, scm1]
        so = [so0, so1]

        def start_gathers(chunk, slot):
            off = chunk * CHUNK
            pltpu.make_async_copy(
                ww_hbm.at[idx_v.at[pl.ds(off, CHUNK)]], bw[slot], sw[slot]
            ).start()
            pltpu.make_async_copy(
                comb_hbm.at[cidx_v.at[pl.ds(off, CHUNK)]], bc[slot], sc[slot]
            ).start()

        def wait_gathers(chunk, slot):
            off = chunk * CHUNK
            pltpu.make_async_copy(
                ww_hbm.at[idx_v.at[pl.ds(off, CHUNK)]], bw[slot], sw[slot]
            ).wait()
            pltpu.make_async_copy(
                comb_hbm.at[cidx_v.at[pl.ds(off, CHUNK)]], bc[slot], sc[slot]
            ).wait()

        def start_store(chunk, slot):
            pltpu.make_async_copy(
                bo[slot], out_hbm.at[pl.ds(base + chunk * CHUNK, CHUNK)],
                so[slot],
            ).start()

        def wait_store(chunk, slot):
            pltpu.make_async_copy(
                bo[slot], out_hbm.at[pl.ds(base + chunk * CHUNK, CHUNK)],
                so[slot],
            ).wait()

        def compute(slot):
            bwr, bcr, bor = bw[slot], bc[slot], bo[slot]

            @pl.loop(0, CHUNK)
            def _(t):
                nacc = 2
                sa = [None] * nacc
                qa = [None] * nacc
                es = []
                for j in range(NVREG):
                    sl = pl.ds(j * 16, 16)
                    e = bwr[t, sl] + bcr[t, sl]
                    es.append(e)
                    e2 = e * e
                    k = j % nacc
                    sa[k] = e if sa[k] is None else sa[k] + e
                    qa[k] = e2 if qa[k] is None else qa[k] + e2
                s = sa[0] + sa[1]
                q = qa[0] + qa[1]
                mean = jnp.sum(s) * (1.0 / HID)
                var = jnp.sum(q) * (1.0 / HID) - mean * mean
                x = var + EPS
                i0 = lax.bitcast_convert_type(x, jnp.int32)
                i0 = 0x5F3759DF - lax.shift_right_arithmetic(i0, 1)
                y = lax.bitcast_convert_type(i0, jnp.float32)
                y = y * (1.5 - 0.5 * x * y * y)
                y = y * (1.5 - 0.5 * x * y * y)
                y = y * (1.5 - 0.5 * x * y * y)

                for j in range(NVREG):
                    sl = pl.ds(j * 16, 16)
                    bor[t, sl] = (es[j] - mean) * y * gam_v[sl] + bet_v[sl]

        start_gathers(0, 0)

        @pl.loop(0, NCHUNK, step=2)
        def _(g):
            for b in range(2):
                cur = g + b

                @pl.when(cur + 1 < NCHUNK)
                def _():
                    start_gathers(cur + 1, 1 - b)

                wait_gathers(cur, b)

                @pl.when(cur >= 2)
                def _():
                    wait_store(cur - 2, b)

                compute(b)
                start_store(cur, b)

        wait_store(NCHUNK - 2, 0)
        wait_store(NCHUNK - 1, 1)

    return kern(ids, cidx, w_word, comb, gamma, beta)


def kernel(input_ids, token_type_ids, W_word, W_pos, W_type, gamma, beta):
    ids = input_ids.reshape(-1).astype(jnp.int32)
    pos = jnp.arange(L, dtype=jnp.int32)
    cidx = (token_type_ids.astype(jnp.int32) * MAX_POS + pos[None, :]).reshape(-1)
    comb = (W_type[:, None, :] + W_pos[None, :, :]).reshape(TYPE_VOCAB * MAX_POS, HID)
    out = _sc_embed_ln(ids, cidx, W_word, comb, gamma, beta)
    return out.reshape(B, L, HID)

# --- scband reference (transcript-rebuilt; emitter-appended) ---
"""Pipeline reference for scband-bert-embeddings-24318104830153 (READ-ONLY COPY).

The authoritative reference and input builder live on the scoring server;
editing this copy changes nothing except your own understanding.
"""

import jax, jax.numpy as jnp
import numpy as np

VOCAB = 30522
HID = 768
MAX_POS = 512
TYPE_VOCAB = 2
EPS = 1e-12
B, L = 128, 512


def setup_inputs(seed: int = 0) -> dict:
    key = jax.random.key(seed)
    k1, k2, k3, k4, k5, k6, k7 = jax.random.split(key, 7)
    input_ids = jax.random.randint(k1, (B, L), 0, VOCAB, dtype=jnp.int64 if jax.config.jax_enable_x64 else jnp.int32)
    token_type_ids = jax.random.randint(k2, (B, L), 0, TYPE_VOCAB, dtype=input_ids.dtype)
    W_word = jax.random.normal(k3, (VOCAB, HID), dtype=jnp.float32) * 0.02
    # padding_idx=0 -> zero row
    W_word = W_word.at[0].set(0.0)
    W_pos = jax.random.normal(k4, (MAX_POS, HID), dtype=jnp.float32) * 0.02
    W_type = jax.random.normal(k5, (TYPE_VOCAB, HID), dtype=jnp.float32) * 0.02
    gamma = jnp.ones((HID,), dtype=jnp.float32)
    beta = jnp.zeros((HID,), dtype=jnp.float32)
    return {
        "input_ids": input_ids,
        "token_type_ids": token_type_ids,
        "W_word": W_word,
        "W_pos": W_pos,
        "W_type": W_type,
        "gamma": gamma,
        "beta": beta,
    }


def reference(input_ids, token_type_ids, W_word, W_pos, W_type, gamma, beta):
    seq_length = input_ids.shape[1]
    position_ids = jnp.broadcast_to(jnp.arange(seq_length, dtype=input_ids.dtype)[None, :], input_ids.shape)
    words_embeddings = jnp.take(W_word, input_ids, axis=0)
    position_embeddings = jnp.take(W_pos, position_ids, axis=0)
    token_type_embeddings = jnp.take(W_type, token_type_ids, axis=0)
    embeddings = words_embeddings + position_embeddings + token_type_embeddings
    # LayerNorm over last dim (BertLayerNorm)
    mean = jnp.mean(embeddings, axis=-1, keepdims=True)
    var = jnp.mean(jnp.square(embeddings - mean), axis=-1, keepdims=True)
    normed = (embeddings - mean) / jnp.sqrt(var + EPS)
    out = normed * gamma + beta
    # dropout is identity in eval mode
    return out

if __name__ == "__main__":
    import jax
    _d = setup_inputs()
    print(jax.jit(kernel)(*tuple(_d.values())))

</pallas_src>

<mosaic_0001>
#map = affine_map<(d0, d1) -> (0)>
#map1 = affine_map<(d0, d1) -> (0, 0)>
module attributes {stable_mosaic.version = 14 : i64} {
  func.func @kern(%arg0: i32, %arg1: i32, %arg2: memref<65536xi32, #tpu.memory_space<hbm>>, %arg3: memref<65536xi32, #tpu.memory_space<hbm>>, %arg4: memref<30522x768xf32, #tpu.memory_space<hbm>>, %arg5: memref<1024x768xf32, #tpu.memory_space<hbm>>, %arg6: memref<768xf32, #tpu.memory_space<hbm>>, %arg7: memref<768xf32, #tpu.memory_space<hbm>>, %arg8: memref<65536x768xf32, #tpu.memory_space<hbm>>, %arg9: memref<2048xi32, #tpu.memory_space<vmem>>, %arg10: memref<2048xi32, #tpu.memory_space<vmem>>, %arg11: memref<768xf32, #tpu.memory_space<vmem>>, %arg12: memref<768xf32, #tpu.memory_space<vmem>>, %arg13: memref<16x768xf32, #tpu.memory_space<vmem>>, %arg14: memref<16x768xf32, #tpu.memory_space<vmem>>, %arg15: memref<16x768xf32, #tpu.memory_space<vmem>>, %arg16: memref<16x768xf32, #tpu.memory_space<vmem>>, %arg17: memref<16x768xf32, #tpu.memory_space<vmem>>, %arg18: memref<16x768xf32, #tpu.memory_space<vmem>>, %arg19: memref<!tpu.dma_semaphore, #tpu.memory_space<semaphore_mem>>, %arg20: memref<!tpu.dma_semaphore, #tpu.memory_space<semaphore_mem>>, %arg21: memref<!tpu.dma_semaphore, #tpu.memory_space<semaphore_mem>>, %arg22: memref<!tpu.dma_semaphore, #tpu.memory_space<semaphore_mem>>, %arg23: memref<!tpu.dma_semaphore, #tpu.memory_space<semaphore_mem>>, %arg24: memref<!tpu.dma_semaphore, #tpu.memory_space<semaphore_mem>>) attributes {dimension_semantics = [#tpu.dimension_semantics<core_parallel>, #tpu.dimension_semantics<subcore_parallel>], iteration_bounds = array<i64: 2, 16>, scalar_prefetch = 0 : i64, scratch_operands = 16 : i64, tpu.core_type = #tpu.core_type<sc_vector_subcore>, window_params = [{transform_indices = #map}, {transform_indices = #map}, {transform_indices = #map1}, {transform_indices = #map1}, {transform_indices = #map}, {transform_indices = #map}, {transform_indices = #map1}]} {
    %mul3A = arith.constant 2 : i32
    %mul3A_0 = arith.muli %arg1, %mul3A : i32
    %add3A = arith.addi %mul3A_0, %arg0 : i32
    %mul3A_1 = arith.constant 2048 : i32
    %mul3A_2 = arith.muli %add3A, %mul3A_1 : i32
    "tpu.region"() ({
      %run_scoped3A = tpu.sem_alloc : memref<!tpu.dma_semaphore, #tpu.memory_space<semaphore_mem>>
      %dma_start3A_27 = tpu.memref_slice %arg2[%mul3A_2] : memref<65536xi32, #tpu.memory_space<hbm>> -> memref<2048xi32, #tpu.memory_space<hbm>>
      %dma_start3A_28 = tpu.memref_slice %arg2[%mul3A_2] : memref<65536xi32, #tpu.memory_space<hbm>> -> memref<2048xi32, #tpu.memory_space<hbm>>
      tpu.enqueue_dma source(%dma_start3A_28 : memref<2048xi32, #tpu.memory_space<hbm>>) target(%arg9 : memref<2048xi32, #tpu.memory_space<vmem>>) target_semaphore(%run_scoped3A : memref<!tpu.dma_semaphore, #tpu.memory_space<semaphore_mem>>)
      %dma_wait3A_29 = tpu.memref_slice %arg2[%mul3A_2] : memref<65536xi32, #tpu.memory_space<hbm>> -> memref<2048xi32, #tpu.memory_space<hbm>>
      %dma_wait3A_30 = tpu.memref_slice %arg2[%mul3A_2] : memref<65536xi32, #tpu.memory_space<hbm>> -> memref<2048xi32, #tpu.memory_space<hbm>>
      tpu.wait_dma2 semaphore(%run_scoped3A : memref<!tpu.dma_semaphore, #tpu.memory_space<semaphore_mem>>) src(%dma_wait3A_30 : memref<2048xi32, #tpu.memory_space<hbm>>) dst(%arg9 : memref<2048xi32, #tpu.memory_space<vmem>>)
      tpu.yield
    }) : () -> ()
    "tpu.region"() ({
      %run_scoped3A = tpu.sem_alloc : memref<!tpu.dma_semaphore, #tpu.memory_space<semaphore_mem>>
      %dma_start3A_27 = tpu.memref_slice %arg3[%mul3A_2] : memref<65536xi32, #tpu.memory_space<hbm>> -> memref<2048xi32, #tpu.memory_space<hbm>>
      %dma_start3A_28 = tpu.memref_slice %arg3[%mul3A_2] : memref<65536xi32, #tpu.memory_space<hbm>> -> memref<2048xi32, #tpu.memory_space<hbm>>
      tpu.enqueue_dma source(%dma_start3A_28 : memref<2048xi32, #tpu.memory_space<hbm>>) target(%arg10 : memref<2048xi32, #tpu.memory_space<vmem>>) target_semaphore(%run_scoped3A : memref<!tpu.dma_semaphore, #tpu.memory_space<semaphore_mem>>)
      %dma_wait3A_29 = tpu.memref_slice %arg3[%mul3A_2] : memref<65536xi32, #tpu.memory_space<hbm>> -> memref<2048xi32, #tpu.memory_space<hbm>>
      %dma_wait3A_30 = tpu.memref_slice %arg3[%mul3A_2] : memref<65536xi32, #tpu.memory_space<hbm>> -> memref<2048xi32, #tpu.memory_space<hbm>>
      tpu.wait_dma2 semaphore(%run_scoped3A : memref<!tpu.dma_semaphore, #tpu.memory_space<semaphore_mem>>) src(%dma_wait3A_30 : memref<2048xi32, #tpu.memory_space<hbm>>) dst(%arg10 : memref<2048xi32, #tpu.memory_space<vmem>>)
      tpu.yield
    }) : () -> ()
    "tpu.region"() ({
      %run_scoped3A = tpu.sem_alloc : memref<!tpu.dma_semaphore, #tpu.memory_space<semaphore_mem>>
      tpu.enqueue_dma source(%arg6 : memref<768xf32, #tpu.memory_space<hbm>>) target(%arg11 : memref<768xf32, #tpu.memory_space<vmem>>) target_semaphore(%run_scoped3A : memref<!tpu.dma_semaphore, #tpu.memory_space<semaphore_mem>>)
      tpu.wait_dma2 semaphore(%run_scoped3A : memref<!tpu.dma_semaphore, #tpu.memory_space<semaphore_mem>>) src(%arg6 : memref<768xf32, #tpu.memory_space<hbm>>) dst(%arg11 : memref<768xf32, #tpu.memory_space<vmem>>)
      tpu.yield
    }) : () -> ()
    "tpu.region"() ({
      %run_scoped3A = tpu.sem_alloc : memref<!tpu.dma_semaphore, #tpu.memory_space<semaphore_mem>>
      tpu.enqueue_dma source(%arg7 : memref<768xf32, #tpu.memory_space<hbm>>) target(%arg12 : memref<768xf32, #tpu.memory_space<vmem>>) target_semaphore(%run_scoped3A : memref<!tpu.dma_semaphore, #tpu.memory_space<semaphore_mem>>)
      tpu.wait_dma2 semaphore(%run_scoped3A : memref<!tpu.dma_semaphore, #tpu.memory_space<semaphore_mem>>) src(%arg7 : memref<768xf32, #tpu.memory_space<hbm>>) dst(%arg12 : memref<768xf32, #tpu.memory_space<vmem>>)
      tpu.yield
    }) : () -> ()
    %dma_start3A = arith.constant 0 : i32
    %dma_start3A_3 = tpu.memref_slice %arg9[%dma_start3A] : memref<2048xi32, #tpu.memory_space<vmem>> -> memref<16xi32, #tpu.memory_space<vmem>>
    %dma_start3A_4 = arith.constant 0 : i32
    %dma_start3A_5 = arith.constant 0 : i32
    %dma_start3A_6 = tpu.memref_slice %arg4[%dma_start3A_4, %dma_start3A_5] : memref<30522x768xf32, #tpu.memory_space<hbm>> -> memref<30522x768xf32, #tpu.memory_space<hbm>>
    tpu.enqueue_indirect_dma source(%dma_start3A_6 : memref<30522x768xf32, #tpu.memory_space<hbm>>) target(%arg13 : memref<16x768xf32, #tpu.memory_space<vmem>>) offsets(%dma_start3A_3 : memref<16xi32, #tpu.memory_space<vmem>>) semaphore(%arg19 : memref<!tpu.dma_semaphore, #tpu.memory_space<semaphore_mem>>)
    %dma_start3A_7 = arith.constant 0 : i32
    %dma_start3A_8 = tpu.memref_slice %arg10[%dma_start3A_7] : memref<2048xi32, #tpu.memory_space<vmem>> -> memref<16xi32, #tpu.memory_space<vmem>>
    %dma_start3A_9 = arith.constant 0 : i32
    %dma_start3A_10 = arith.constant 0 : i32
    %dma_start3A_11 = tpu.memref_slice %arg5[%dma_start3A_9, %dma_start3A_10] : memref<1024x768xf32, #tpu.memory_space<hbm>> -> memref<1024x768xf32, #tpu.memory_space<hbm>>
    tpu.enqueue_indirect_dma source(%dma_start3A_11 : memref<1024x768xf32, #tpu.memory_space<hbm>>) target(%arg15 : memref<16x768xf32, #tpu.memory_space<vmem>>) offsets(%dma_start3A_8 : memref<16xi32, #tpu.memory_space<vmem>>) semaphore(%arg21 : memref<!tpu.dma_semaphore, #tpu.memory_space<semaphore_mem>>)
    %scan3A = arith.constant 0 : i32
    %scan3A_12 = arith.constant 64 : i32
    %scan3A_13 = arith.addi %scan3A, %scan3A_12 : i32
    %scan3A_14 = arith.constant 1 : i32
    scf.for %scan3A_27 = %scan3A to %scan3A_13 step %scan3A_14  : i32 {
      %mul3A_28 = arith.constant 2 : i32
      %mul3A_29 = arith.muli %scan3A_27, %mul3A_28 : i32
      %add3A_30 = arith.constant 0 : i32
      %add3A_31 = arith.addi %add3A_30, %mul3A_29 : i32
      %add3A_32 = arith.constant 0 : i32
      %add3A_33 = arith.addi %add3A_31, %add3A_32 : i32
      %add3A_34 = arith.constant 1 : i32
      %add3A_35 = arith.addi %add3A_33, %add3A_34 : i32
      %lt3A = arith.constant 128 : i32
      %lt3A_36 = arith.cmpi slt, %add3A_35, %lt3A : i32
      %convert_element_type3A = arith.extui %lt3A_36 : i1 to i32
      %cond3A = arith.constant 0 : i32
      %cond3A_37 = arith.cmpi ne, %convert_element_type3A, %cond3A : i32
      scf.if %cond3A_37 {
        %add3A_100 = arith.constant 1 : i32
        %add3A_101 = arith.addi %add3A_33, %add3A_100 : i32
        %mul3A_102 = arith.constant 16 : i32
        %mul3A_103 = arith.muli %add3A_101, %mul3A_102 : i32
        %dma_start3A_104 = tpu.memref_slice %arg9[%mul3A_103] : memref<2048xi32, #tpu.memory_space<vmem>> -> memref<16xi32, #tpu.memory_space<vmem>>
        %dma_start3A_105 = arith.constant 0 : i32
        %dma_start3A_106 = arith.constant 0 : i32
        %dma_start3A_107 = tpu.memref_slice %arg4[%dma_start3A_105, %dma_start3A_106] : memref<30522x768xf32, #tpu.memory_space<hbm>> -> memref<30522x768xf32, #tpu.memory_space<hbm>>
        tpu.enqueue_indirect_dma source(%dma_start3A_107 : memref<30522x768xf32, #tpu.memory_space<hbm>>) target(%arg14 : memref<16x768xf32, #tpu.memory_space<vmem>>) offsets(%dma_start3A_104 : memref<16xi32, #tpu.memory_space<vmem>>) semaphore(%arg20 : memref<!tpu.dma_semaphore, #tpu.memory_space<semaphore_mem>>)
        %dma_start3A_108 = tpu.memref_slice %arg10[%mul3A_103] : memref<2048xi32, #tpu.memory_space<vmem>> -> memref<16xi32, #tpu.memory_space<vmem>>
        %dma_start3A_109 = arith.constant 0 : i32
        %dma_start3A_110 = arith.constant 0 : i32
        %dma_start3A_111 = tpu.memref_slice %arg5[%dma_start3A_109, %dma_start3A_110] : memref<1024x768xf32, #tpu.memory_space<hbm>> -> memref<1024x768xf32, #tpu.memory_space<hbm>>
        tpu.enqueue_indirect_dma source(%dma_start3A_111 : memref<1024x768xf32, #tpu.memory_space<hbm>>) target(%arg16 : memref<16x768xf32, #tpu.memory_space<vmem>>) offsets(%dma_start3A_108 : memref<16xi32, #tpu.memory_space<vmem>>) semaphore(%arg22 : memref<!tpu.dma_semaphore, #tpu.memory_space<semaphore_mem>>)
      } else {
      }
      %mul3A_38 = arith.constant 16 : i32
      %mul3A_39 = arith.muli %add3A_33, %mul3A_38 : i32
      %dma_wait3A_40 = tpu.memref_slice %arg9[%mul3A_39] : memref<2048xi32, #tpu.memory_space<vmem>> -> memref<16xi32, #tpu.memory_space<vmem>>
      %dma_wait3A_41 = arith.constant 0 : i32
      %dma_wait3A_42 = arith.constant 0 : i32
      %dma_wait3A_43 = tpu.memref_slice %arg4[%dma_wait3A_41, %dma_wait3A_42] : memref<30522x768xf32, #tpu.memory_space<hbm>> -> memref<30522x768xf32, #tpu.memory_space<hbm>>
      tpu.wait_indirect_dma semaphore(%arg19 : memref<!tpu.dma_semaphore, #tpu.memory_space<semaphore_mem>>) src(%dma_wait3A_43 : memref<30522x768xf32, #tpu.memory_space<hbm>>) dst(%arg13 : memref<16x768xf32, #tpu.memory_space<vmem>>)
      %dma_wait3A_44 = tpu.memref_slice %arg10[%mul3A_39] : memref<2048xi32, #tpu.memory_space<vmem>> -> memref<16xi32, #tpu.memory_space<vmem>>
      %dma_wait3A_45 = arith.constant 0 : i32
      %dma_wait3A_46 = arith.constant 0 : i32
      %dma_wait3A_47 = tpu.memref_slice %arg5[%dma_wait3A_45, %dma_wait3A_46] : memref<1024x768xf32, #tpu.memory_space<hbm>> -> memref<1024x768xf32, #tpu.memory_space<hbm>>
      tpu.wait_indirect_dma semaphore(%arg21 : memref<!tpu.dma_semaphore, #tpu.memory_space<semaphore_mem>>) src(%dma_wait3A_47 : memref<1024x768xf32, #tpu.memory_space<hbm>>) dst(%arg15 : memref<16x768xf32, #tpu.memory_space<vmem>>)
      %ge3A = arith.constant 2 : i32
      %ge3A_48 = arith.cmpi sge, %add3A_33, %ge3A : i32
      %convert_element_type3A_49 = arith.extui %ge3A_48 : i1 to i32
      %cond3A_50 = arith.constant 0 : i32
      %cond3A_51 = arith.cmpi ne, %convert_element_type3A_49, %cond3A_50 : i32
      scf.if %cond3A_51 {
        %sub3A = arith.constant 2 : i32
        %sub3A_100 = arith.subi %add3A_33, %sub3A : i32
        %mul3A_101 = arith.constant 16 : i32
        %mul3A_102 = arith.muli %sub3A_100, %mul3A_101 : i32
        %add3A_103 = arith.addi %mul3A_2, %mul3A_102 : i32
        %dma_wait3A_104 = arith.constant 0 : i32
        %dma_wait3A_105 = tpu.memref_slice %arg8[%add3A_103, %dma_wait3A_104] : memref<65536x768xf32, #tpu.memory_space<hbm>> -> memref<16x768xf32, #tpu.memory_space<hbm>>
        %dma_wait3A_106 = arith.constant 0 : i32
        %dma_wait3A_107 = tpu.memref_slice %arg8[%add3A_103, %dma_wait3A_106] : memref<65536x768xf32, #tpu.memory_space<hbm>> -> memref<16x768xf32, #tpu.memory_space<hbm>>
        tpu.wait_dma2 semaphore(%arg23 : memref<!tpu.dma_semaphore, #tpu.memory_space<semaphore_mem>>) src(%arg17 : memref<16x768xf32, #tpu.memory_space<vmem>>) dst(%dma_wait3A_107 : memref<16x768xf32, #tpu.memory_space<hbm>>)
      } else {
      }
      %scan3A_52 = arith.constant 0 : i32
      %scan3A_53 = arith.constant 16 : i32
      %scan3A_54 = arith.addi %scan3A_52, %scan3A_53 : i32
      %scan3A_55 = arith.constant 1 : i32
      scf.for %scan3A_100 = %scan3A_52 to %scan3A_54 step %scan3A_55  : i32 {
        %mul3A_101 = arith.constant 1 : i32
        %mul3A_102 = arith.muli %scan3A_100, %mul3A_101 : i32
        %add3A_103 = arith.constant 0 : i32
        %add3A_104 = arith.addi %add3A_103, %mul3A_102 : i32
        %get3A = arith.index_cast %add3A_104 : i32 to index
        %get3A_105 = arith.constant 0 : index
        %get3A_106 = tpu.vector_load %arg13[%get3A, %get3A_105] {strides = array<i32>} : memref<16x768xf32, #tpu.memory_space<vmem>>, vector<16xf32>,
        %get3A_107 = arith.index_cast %add3A_104 : i32 to index
        %get3A_108 = arith.constant 0 : index
        %get3A_109 = tpu.vector_load %arg15[%get3A_107, %get3A_108] {strides = array<i32>} : memref<16x768xf32, #tpu.memory_space<vmem>>, vector<16xf32>,
        %add3A_110 = arith.addf %get3A_106, %get3A_109 : vector<16xf32>
        %mul3A_111 = arith.mulf %add3A_110, %add3A_110 : vector<16xf32>
        %get3A_112 = arith.index_cast %add3A_104 : i32 to index
        %get3A_113 = arith.constant 16 : index
        %get3A_114 = tpu.vector_load %arg13[%get3A_112, %get3A_113] {strides = array<i32>} : memref<16x768xf32, #tpu.memory_space<vmem>>, vector<16xf32>,
        %get3A_115 = arith.index_cast %add3A_104 : i32 to index
        %get3A_116 = arith.constant 16 : index
        %get3A_117 = tpu.vector_load %arg15[%get3A_115, %get3A_116] {strides = array<i32>} : memref<16x768xf32, #tpu.memory_space<vmem>>, vector<16xf32>,
        %add3A_118 = arith.addf %get3A_114, %get3A_117 : vector<16xf32>
        %mul3A_119 = arith.mulf %add3A_118, %add3A_118 : vector<16xf32>
        %get3A_120 = arith.index_cast %add3A_104 : i32 to index
        %get3A_121 = arith.constant 32 : index
        %get3A_122 = tpu.vector_load %arg13[%get3A_120, %get3A_121] {strides = array<i32>} : memref<16x768xf32, #tpu.memory_space<vmem>>, vector<16xf32>,
        %get3A_123 = arith.index_cast %add3A_104 : i32 to index
        %get3A_124 = arith.constant 32 : index
        %get3A_125 = tpu.vector_load %arg15[%get3A_123, %get3A_124] {strides = array<i32>} : memref<16x768xf32, #tpu.memory_space<vmem>>, vector<16xf32>,
        %add3A_126 = arith.addf %get3A_122, %get3A_125 : vector<16xf32>
        %mul3A_127 = arith.mulf %add3A_126, %add3A_126 : vector<16xf32>
        %add3A_128 = arith.addf %add3A_110, %add3A_126 : vector<16xf32>
        %add3A_129 = arith.addf %mul3A_111, %mul3A_127 : vector<16xf32>
        %get3A_130 = arith.index_cast %add3A_104 : i32 to index
        %get3A_131 = arith.constant 48 : index
        %get3A_132 = tpu.vector_load %arg13[%get3A_130, %get3A_131] {strides = array<i32>} : memref<16x768xf32, #tpu.memory_space<vmem>>, vector<16xf32>,
        %get3A_133 = arith.index_cast %add3A_104 : i32 to index
        %get3A_134 = arith.constant 48 : index
        %get3A_135 = tpu.vector_load %arg15[%get3A_133, %get3A_134] {strides = array<i32>} : memref<16x768xf32, #tpu.memory_space<vmem>>, vector<16xf32>,
        %add3A_136 = arith.addf %get3A_132, %get3A_135 : vector<16xf32>
        %mul3A_137 = arith.mulf %add3A_136, %add3A_136 : vector<16xf32>
        %add3A_138 = arith.addf %add3A_118, %add3A_136 : vector<16xf32>
        %add3A_139 = arith.addf %mul3A_119, %mul3A_137 : vector<16xf32>
        %get3A_140 = arith.index_cast %add3A_104 : i32 to index
        %get3A_141 = arith.constant 64 : index
        %get3A_142 = tpu.vector_load %arg13[%get3A_140, %get3A_141] {strides = array<i32>} : memref<16x768xf32, #tpu.memory_space<vmem>>, vector<16xf32>,
        %get3A_143 = arith.index_cast %add3A_104 : i32 to index
        %get3A_144 = arith.constant 64 : index
        %get3A_145 = tpu.vector_load %arg15[%get3A_143, %get3A_144] {strides = array<i32>} : memref<16x768xf32, #tpu.memory_space<vmem>>, vector<16xf32>,
        %add3A_146 = arith.addf %get3A_142, %get3A_145 : vector<16xf32>
        %mul3A_147 = arith.mulf %add3A_146, %add3A_146 : vector<16xf32>
        %add3A_148 = arith.addf %add3A_128, %add3A_146 : vector<16xf32>
        %add3A_149 = arith.addf %add3A_129, %mul3A_147 : vector<16xf32>
        %get3A_150 = arith.index_cast %add3A_104 : i32 to index
        %get3A_151 = arith.constant 80 : index
        %get3A_152 = tpu.vector_load %arg13[%get3A_150, %get3A_151] {strides = array<i32>} : memref<16x768xf32, #tpu.memory_space<vmem>>, vector<16xf32>,
        %get3A_153 = arith.index_cast %add3A_104 : i32 to index
        %get3A_154 = arith.constant 80 : index
        %get3A_155 = tpu.vector_load %arg15[%get3A_153, %get3A_154] {strides = array<i32>} : memref<16x768xf32, #tpu.memory_space<vmem>>, vector<16xf32>,
        %add3A_156 = arith.addf %get3A_152, %get3A_155 : vector<16xf32>
        %mul3A_157 = arith.mulf %add3A_156, %add3A_156 : vector<16xf32>
        %add3A_158 = arith.addf %add3A_138, %add3A_156 : vector<16xf32>
        %add3A_159 = arith.addf %add3A_139, %mul3A_157 : vector<16xf32>
        %get3A_160 = arith.index_cast %add3A_104 : i32 to index
        %get3A_161 = arith.constant 96 : index
        %get3A_162 = tpu.vector_load %arg13[%get3A_160, %get3A_161] {strides = array<i32>} : memref<16x768xf32, #tpu.memory_space<vmem>>, vector<16xf32>,
        %get3A_163 = arith.index_cast %add3A_104 : i32 to index
        %get3A_164 = arith.constant 96 : index
        %get3A_165 = tpu.vector_load %arg15[%get3A_163, %get3A_164] {strides = array<i32>} : memref<16x768xf32, #tpu.memory_space<vmem>>, vector<16xf32>,
        %add3A_166 = arith.addf %get3A_162, %get3A_165 : vector<16xf32>
        %mul3A_167 = arith.mulf %add3A_166, %add3A_166 : vector<16xf32>
        %add3A_168 = arith.addf %add3A_148, %add3A_166 : vector<16xf32>
        %add3A_169 = arith.addf %add3A_149, %mul3A_167 : vector<16xf32>
        %get3A_170 = arith.index_cast %add3A_104 : i32 to index
        %get3A_171 = arith.constant 112 : index
        %get3A_172 = tpu.vector_load %arg13[%get3A_170, %get3A_171] {strides = array<i32>} : memref<16x768xf32, #tpu.memory_space<vmem>>, vector<16xf32>,
        %get3A_173 = arith.index_cast %add3A_104 : i32 to index
        %get3A_174 = arith.constant 112 : index
        %get3A_175 = tpu.vector_load %arg15[%get3A_173, %get3A_174] {strides = array<i32>} : memref<16x768xf32, #tpu.memory_space<vmem>>, vector<16xf32>,
        %add3A_176 = arith.addf %get3A_172, %get3A_175 : vector<16xf32>
        %mul3A_177 = arith.mulf %add3A_176, %add3A_176 : vector<16xf32>
        %add3A_178 = arith.addf %add3A_158, %add3A_176 : vector<16xf32>
        %add3A_179 = arith.addf %add3A_159, %mul3A_177 : vector<16xf32>
        %get3A_180 = arith.index_cast %add3A_104 : i32 to index
        %get3A_181 = arith.constant 128 : index
        %get3A_182 = tpu.vector_load %arg13[%get3A_180, %get3A_181] {strides = array<i32>} : memref<16x768xf32, #tpu.memory_space<vmem>>, vector<16xf32>,
        %get3A_183 = arith.index_cast %add3A_104 : i32 to index
        %get3A_184 = arith.constant 128 : index
        %get3A_185 = tpu.vector_load %arg15[%get3A_183, %get3A_184] {strides = array<i32>} : memref<16x768xf32, #tpu.memory_space<vmem>>, vector<16xf32>,
        %add3A_186 = arith.addf %get3A_182, %get3A_185 : vector<16xf32>
        %mul3A_187 = arith.mulf %add3A_186, %add3A_186 : vector<16xf32>
        %add3A_188 = arith.addf %add3A_168, %add3A_186 : vector<16xf32>
        %add3A_189 = arith.addf %add3A_169, %mul3A_187 : vector<16xf32>
        %get3A_190 = arith.index_cast %add3A_104 : i32 to index
        %get3A_191 = arith.constant 144 : index
        %get3A_192 = tpu.vector_load %arg13[%get3A_190, %get3A_191] {strides = array<i32>} : memref<16x768xf32, #tpu.memory_space<vmem>>, vector<16xf32>,
        %get3A_193 = arith.index_cast %add3A_104 : i32 to index
        %get3A_194 = arith.constant 144 : index
        %get3A_195 = tpu.vector_load %arg15[%get3A_193, %get3A_194] {strides = array<i32>} : memref<16x768xf32, #tpu.memory_space<vmem>>, vector<16xf32>,
        %add3A_196 = arith.addf %get3A_192, %get3A_195 : vector<16xf32>
        %mul3A_197 = arith.mulf %add3A_196, %add3A_196 : vector<16xf32>
        %add3A_198 = arith.addf %add3A_178, %add3A_196 : vector<16xf32>
        %add3A_199 = arith.addf %add3A_179, %mul3A_197 : vector<16xf32>
        %get3A_200 = arith.index_cast %add3A_104 : i32 to index
        %get3A_201 = arith.constant 160 : index
        %get3A_202 = tpu.vector_load %arg13[%get3A_200, %get3A_201] {strides = array<i32>} : memref<16x768xf32, #tpu.memory_space<vmem>>, vector<16xf32>,
        %get3A_203 = arith.index_cast %add3A_104 : i32 to index
        %get3A_204 = arith.constant 160 : index
        %get3A_205 = tpu.vector_load %arg15[%get3A_203, %get3A_204] {strides = array<i32>} : memref<16x768xf32, #tpu.memory_space<vmem>>, vector<16xf32>,
        %add3A_206 = arith.addf %get3A_202, %get3A_205 : vector<16xf32>
        %mul3A_207 = arith.mulf %add3A_206, %add3A_206 : vector<16xf32>
        %add3A_208 = arith.addf %add3A_188, %add3A_206 : vector<16xf32>
        %add3A_209 = arith.addf %add3A_189, %mul3A_207 : vector<16xf32>
        %get3A_210 = arith.index_cast %add3A_104 : i32 to index
        %get3A_211 = arith.constant 176 : index
        %get3A_212 = tpu.vector_load %arg13[%get3A_210, %get3A_211] {strides = array<i32>} : memref<16x768xf32, #tpu.memory_space<vmem>>, vector<16xf32>,
        %get3A_213 = arith.index_cast %add3A_104 : i32 to index
        %get3A_214 = arith.constant 176 : index
        %get3A_215 = tpu.vector_load %arg15[%get3A_213, %get3A_214] {strides = array<i32>} : memref<16x768xf32, #tpu.memory_space<vmem>>, vector<16xf32>,
        %add3A_216 = arith.addf %get3A_212, %get3A_215 : vector<16xf32>
        %mul3A_217 = arith.mulf %add3A_216, %add3A_216 : vector<16xf32>
        %add3A_218 = arith.addf %add3A_198, %add3A_216 : vector<16xf32>
        %add3A_219 = arith.addf %add3A_199, %mul3A_217 : vector<16xf32>
        %get3A_220 = arith.index_cast %add3A_104 : i32 to index
        %get3A_221 = arith.constant 192 : index
        %get3A_222 = tpu.vector_load %arg13[%get3A_220, %get3A_221] {strides = array<i32>} : memref<16x768xf32, #tpu.memory_space<vmem>>, vector<16xf32>,
        %get3A_223 = arith.index_cast %add3A_104 : i32 to index
        %get3A_224 = arith.constant 192 : index
        %get3A_225 = tpu.vector_load %arg15[%get3A_223, %get3A_224] {strides = array<i32>} : memref<16x768xf32, #tpu.memory_space<vmem>>, vector<16xf32>,
        %add3A_226 = arith.addf %get3A_222, %get3A_225 : vector<16xf32>
        %mul3A_227 = arith.mulf %add3A_226, %add3A_226 : vector<16xf32>
        %add3A_228 = arith.addf %add3A_208, %add3A_226 : vector<16xf32>
        %add3A_229 = arith.addf %add3A_209, %mul3A_227 : vector<16xf32>
        %get3A_230 = arith.index_cast %add3A_104 : i32 to index
        %get3A_231 = arith.constant 208 : index
        %get3A_232 = tpu.vector_load %arg13[%get3A_230, %get3A_231] {strides = array<i32>} : memref<16x768xf32, #tpu.memory_space<vmem>>, vector<16xf32>,
        %get3A_233 = arith.index_cast %add3A_104 : i32 to index
        %get3A_234 = arith.constant 208 : index
        %get3A_235 = tpu.vector_load %arg15[%get3A_233, %get3A_234] {strides = array<i32>} : memref<16x768xf32, #tpu.memory_space<vmem>>, vector<16xf32>,
        %add3A_236 = arith.addf %get3A_232, %get3A_235 : vector<16xf32>
        %mul3A_237 = arith.mulf %add3A_236, %add3A_236 : vector<16xf32>
        %add3A_238 = arith.addf %add3A_218, %add3A_236 : vector<16xf32>
        %add3A_239 = arith.addf %add3A_219, %mul3A_237 : vector<16xf32>
        %get3A_240 = arith.index_cast %add3A_104 : i32 to index
        %get3A_241 = arith.constant 224 : index
        %get3A_242 = tpu.vector_load %arg13[%get3A_240, %get3A_241] {strides = array<i32>} : memref<16x768xf32, #tpu.memory_space<vmem>>, vector<16xf32>,
        %get3A_243 = arith.index_cast %add3A_104 : i32 to index
        %get3A_244 = arith.constant 224 : index
        %get3A_245 = tpu.vector_load %arg15[%get3A_243, %get3A_244] {strides = array<i32>} : memref<16x768xf32, #tpu.memory_space<vmem>>, vector<16xf32>,
        %add3A_246 = arith.addf %get3A_242, %get3A_245 : vector<16xf32>
        %mul3A_247 = arith.mulf %add3A_246, %add3A_246 : vector<16xf32>
        %add3A_248 = arith.addf %add3A_228, %add3A_246 : vector<16xf32>
        %add3A_249 = arith.addf %add3A_229, %mul3A_247 : vector<16xf32>
        %get3A_250 = arith.index_cast %add3A_104 : i32 to index
        %get3A_251 = arith.constant 240 : index
        %get3A_252 = tpu.vector_load %arg13[%get3A_250, %get3A_251] {strides = array<i32>} : memref<16x768xf32, #tpu.memory_space<vmem>>, vector<16xf32>,
        %get3A_253 = arith.index_cast %add3A_104 : i32 to index
        %get3A_254 = arith.constant 240 : index
        %get3A_255 = tpu.vector_load %arg15[%get3A_253, %get3A_254] {strides = array<i32>} : memref<16x768xf32, #tpu.memory_space<vmem>>, vector<16xf32>,
        %add3A_256 = arith.addf %get3A_252, %get3A_255 : vector<16xf32>
        %mul3A_257 = arith.mulf %add3A_256, %add3A_256 : vector<16xf32>
        %add3A_258 = arith.addf %add3A_238, %add3A_256 : vector<16xf32>
        %add3A_259 = arith.addf %add3A_239, %mul3A_257 : vector<16xf32>
        %get3A_260 = arith.index_cast %add3A_104 : i32 to index
        %get3A_261 = arith.constant 256 : index
        %get3A_262 = tpu.vector_load %arg13[%get3A_260, %get3A_261] {strides = array<i32>} : memref<16x768xf32, #tpu.memory_space<vmem>>, vector<16xf32>,
        %get3A_263 = arith.index_cast %add3A_104 : i32 to index
        %get3A_264 = arith.constant 256 : index
        %get3A_265 = tpu.vector_load %arg15[%get3A_263, %get3A_264] {strides = array<i32>} : memref<16x768xf32, #tpu.memory_space<vmem>>, vector<16xf32>,
        %add3A_266 = arith.addf %get3A_262, %get3A_265 : vector<16xf32>
        %mul3A_267 = arith.mulf %add3A_266, %add3A_266 : vector<16xf32>
        %add3A_268 = arith.addf %add3A_248, %add3A_266 : vector<16xf32>
        %add3A_269 = arith.addf %add3A_249, %mul3A_267 : vector<16xf32>
        %get3A_270 = arith.index_cast %add3A_104 : i32 to index
        %get3A_271 = arith.constant 272 : index
        %get3A_272 = tpu.vector_load %arg13[%get3A_270, %get3A_271] {strides = array<i32>} : memref<16x768xf32, #tpu.memory_space<vmem>>, vector<16xf32>,
        %get3A_273 = arith.index_cast %add3A_104 : i32 to index
        %get3A_274 = arith.constant 272 : index
        %get3A_275 = tpu.vector_load %arg15[%get3A_273, %get3A_274] {strides = array<i32>} : memref<16x768xf32, #tpu.memory_space<vmem>>, vector<16xf32>,
        %add3A_276 = arith.addf %get3A_272, %get3A_275 : vector<16xf32>
        %mul3A_277 = arith.mulf %add3A_276, %add3A_276 : vector<16xf32>
        %add3A_278 = arith.addf %add3A_258, %add3A_276 : vector<16xf32>
        %add3A_279 = arith.addf %add3A_259, %mul3A_277 : vector<16xf32>
        %get3A_280 = arith.index_cast %add3A_104 : i32 to index
        %get3A_281 = arith.constant 288 : index
        %get3A_282 = tpu.vector_load %arg13[%get3A_280, %get3A_281] {strides = array<i32>} : memref<16x768xf32, #tpu.memory_space<vmem>>, vector<16xf32>,
        %get3A_283 = arith.index_cast %add3A_104 : i32 to index
        %get3A_284 = arith.constant 288 : index
        %get3A_285 = tpu.vector_load %arg15[%get3A_283, %get3A_284] {strides = array<i32>} : memref<16x768xf32, #tpu.memory_space<vmem>>, vector<16xf32>,
        %add3A_286 = arith.addf %get3A_282, %get3A_285 : vector<16xf32>
        %mul3A_287 = arith.mulf %add3A_286, %add3A_286 : vector<16xf32>
        %add3A_288 = arith.addf %add3A_268, %add3A_286 : vector<16xf32>
        %add3A_289 = arith.addf %add3A_269, %mul3A_287 : vector<16xf32>
        %get3A_290 = arith.index_cast %add3A_104 : i32 to index
        %get3A_291 = arith.constant 304 : index
        %get3A_292 = tpu.vector_load %arg13[%get3A_290, %get3A_291] {strides = array<i32>} : memref<16x768xf32, #tpu.memory_space<vmem>>, vector<16xf32>,
        %get3A_293 = arith.index_cast %add3A_104 : i32 to index
        %get3A_294 = arith.constant 304 : index
        %get3A_295 = tpu.vector_load %arg15[%get3A_293, %get3A_294] {strides = array<i32>} : memref<16x768xf32, #tpu.memory_space<vmem>>, vector<16xf32>,
        %add3A_296 = arith.addf %get3A_292, %get3A_295 : vector<16xf32>
        %mul3A_297 = arith.mulf %add3A_296, %add3A_296 : vector<16xf32>
        %add3A_298 = arith.addf %add3A_278, %add3A_296 : vector<16xf32>
        %add3A_299 = arith.addf %add3A_279, %mul3A_297 : vector<16xf32>
        %get3A_300 = arith.index_cast %add3A_104 : i32 to index
        %get3A_301 = arith.constant 320 : index
        %get3A_302 = tpu.vector_load %arg13[%get3A_300, %get3A_301] {strides = array<i32>} : memref<16x768xf32, #tpu.memory_space<vmem>>, vector<16xf32>,
        %get3A_303 = arith.index_cast %add3A_104 : i32 to index
        %get3A_304 = arith.constant 320 : index
        %get3A_305 = tpu.vector_load %arg15[%get3A_303, %get3A_304] {strides = array<i32>} : memref<16x768xf32, #tpu.memory_space<vmem>>, vector<16xf32>,
        %add3A_306 = arith.addf %get3A_302, %get3A_305 : vector<16xf32>
        %mul3A_307 = arith.mulf %add3A_306, %add3A_306 : vector<16xf32>
        %add3A_308 = arith.addf %add3A_288, %add3A_306 : vector<16xf32>
        %add3A_309 = arith.addf %add3A_289, %mul3A_307 : vector<16xf32>
        %get3A_310 = arith.index_cast %add3A_104 : i32 to index
        %get3A_311 = arith.constant 336 : index
        %get3A_312 = tpu.vector_load %arg13[%get3A_310, %get3A_311] {strides = array<i32>} : memref<16x768xf32, #tpu.memory_space<vmem>>, vector<16xf32>,
        %get3A_313 = arith.index_cast %add3A_104 : i32 to index
        %get3A_314 = arith.constant 336 : index
        %get3A_315 = tpu.vector_load %arg15[%get3A_313, %get3A_314] {strides = array<i32>} : memref<16x768xf32, #tpu.memory_space<vmem>>, vector<16xf32>,
        %add3A_316 = arith.addf %get3A_312, %get3A_315 : vector<16xf32>
        %mul3A_317 = arith.mulf %add3A_316, %add3A_316 : vector<16xf32>
        %add3A_318 = arith.addf %add3A_298, %add3A_316 : vector<16xf32>
        %add3A_319 = arith.addf %add3A_299, %mul3A_317 : vector<16xf32>
        %get3A_320 = arith.index_cast %add3A_104 : i32 to index
        %get3A_321 = arith.constant 352 : index
        %get3A_322 = tpu.vector_load %arg13[%get3A_320, %get3A_321] {strides = array<i32>} : memref<16x768xf32, #tpu.memory_space<vmem>>, vector<16xf32>,
        %get3A_323 = arith.index_cast %add3A_104 : i32 to index
        %get3A_324 = arith.constant 352 : index
        %get3A_325 = tpu.vector_load %arg15[%get3A_323, %get3A_324] {strides = array<i32>} : memref<16x768xf32, #tpu.memory_space<vmem>>, vector<16xf32>,
        %add3A_326 = arith.addf %get3A_322, %get3A_325 : vector<16xf32>
        %mul3A_327 = arith.mulf %add3A_326, %add3A_326 : vector<16xf32>
        %add3A_328 = arith.addf %add3A_308, %add3A_326 : vector<16xf32>
        %add3A_329 = arith.addf %add3A_309, %mul3A_327 : vector<16xf32>
        %get3A_330 = arith.index_cast %add3A_104 : i32 to index
        %get3A_331 = arith.constant 368 : index
        %get3A_332 = tpu.vector_load %arg13[%get3A_330, %get3A_331] {strides = array<i32>} : memref<16x768xf32, #tpu.memory_space<vmem>>, vector<16xf32>,
        %get3A_333 = arith.index_cast %add3A_104 : i32 to index
        %get3A_334 = arith.constant 368 : index
        %get3A_335 = tpu.vector_load %arg15[%get3A_333, %get3A_334] {strides = array<i32>} : memref<16x768xf32, #tpu.memory_space<vmem>>, vector<16xf32>,
        %add3A_336 = arith.addf %get3A_332, %get3A_335 : vector<16xf32>
        %mul3A_337 = arith.mulf %add3A_336, %add3A_336 : vector<16xf32>
        %add3A_338 = arith.addf %add3A_318, %add3A_336 : vector<16xf32>
        %add3A_339 = arith.addf %add3A_319, %mul3A_337 : vector<16xf32>
        %get3A_340 = arith.index_cast %add3A_104 : i32 to index
        %get3A_341 = arith.constant 384 : index
        %get3A_342 = tpu.vector_load %arg13[%get3A_340, %get3A_341] {strides = array<i32>} : memref<16x768xf32, #tpu.memory_space<vmem>>, vector<16xf32>,
        %get3A_343 = arith.index_cast %add3A_104 : i32 to index
        %get3A_344 = arith.constant 384 : index
        %get3A_345 = tpu.vector_load %arg15[%get3A_343, %get3A_344] {strides = array<i32>} : memref<16x768xf32, #tpu.memory_space<vmem>>, vector<16xf32>,
        %add3A_346 = arith.addf %get3A_342, %get3A_345 : vector<16xf32>
        %mul3A_347 = arith.mulf %add3A_346, %add3A_346 : vector<16xf32>
        %add3A_348 = arith.addf %add3A_328, %add3A_346 : vector<16xf32>
        %add3A_349 = arith.addf %add3A_329, %mul3A_347 : vector<16xf32>
        %get3A_350 = arith.index_cast %add3A_104 : i32 to index
        %get3A_351 = arith.constant 400 : index
        %get3A_352 = tpu.vector_load %arg13[%get3A_350, %get3A_351] {strides = array<i32>} : memref<16x768xf32, #tpu.memory_space<vmem>>, vector<16xf32>,
        %get3A_353 = arith.index_cast %add3A_104 : i32 to index
        %get3A_354 = arith.constant 400 : index
        %get3A_355 = tpu.vector_load %arg15[%get3A_353, %get3A_354] {strides = array<i32>} : memref<16x768xf32, #tpu.memory_space<vmem>>, vector<16xf32>,
        %add3A_356 = arith.addf %get3A_352, %get3A_355 : vector<16xf32>
        %mul3A_357 = arith.mulf %add3A_356, %add3A_356 : vector<16xf32>
        %add3A_358 = arith.addf %add3A_338, %add3A_356 : vector<16xf32>
        %add3A_359 = arith.addf %add3A_339, %mul3A_357 : vector<16xf32>
        %get3A_360 = arith.index_cast %add3A_104 : i32 to index
        %get3A_361 = arith.constant 416 : index
        %get3A_362 = tpu.vector_load %arg13[%get3A_360, %get3A_361] {strides = array<i32>} : memref<16x768xf32, #tpu.memory_space<vmem>>, vector<16xf32>,
        %get3A_363 = arith.index_cast %add3A_104 : i32 to index
        %get3A_364 = arith.constant 416 : index
        %get3A_365 = tpu.vector_load %arg15[%get3A_363, %get3A_364] {strides = array<i32>} : memref<16x768xf32, #tpu.memory_space<vmem>>, vector<16xf32>,
        %add3A_366 = arith.addf %get3A_362, %get3A_365 : vector<16xf32>
        %mul3A_367 = arith.mulf %add3A_366, %add3A_366 : vector<16xf32>
        %add3A_368 = arith.addf %add3A_348, %add3A_366 : vector<16xf32>
        %add3A_369 = arith.addf %add3A_349, %mul3A_367 : vector<16xf32>
        %get3A_370 = arith.index_cast %add3A_104 : i32 to index
        %get3A_371 = arith.constant 432 : index
        %get3A_372 = tpu.vector_load %arg13[%get3A_370, %get3A_371] {strides = array<i32>} : memref<16x768xf32, #tpu.memory_space<vmem>>, vector<16xf32>,
        %get3A_373 = arith.index_cast %add3A_104 : i32 to index
        %get3A_374 = arith.constant 432 : index
        %get3A_375 = tpu.vector_load %arg15[%get3A_373, %get3A_374] {strides = array<i32>} : memref<16x768xf32, #tpu.memory_space<vmem>>, vector<16xf32>,
        %add3A_376 = arith.addf %get3A_372, %get3A_375 : vector<16xf32>
        %mul3A_377 = arith.mulf %add3A_376, %add3A_376 : vector<16xf32>
        %add3A_378 = arith.addf %add3A_358, %add3A_376 : vector<16xf32>
        %add3A_379 = arith.addf %add3A_359, %mul3A_377 : vector<16xf32>
        %get3A_380 = arith.index_cast %add3A_104 : i32 to index
        %get3A_381 = arith.constant 448 : index
        %get3A_382 = tpu.vector_load %arg13[%get3A_380, %get3A_381] {strides = array<i32>} : memref<16x768xf32, #tpu.memory_space<vmem>>, vector<16xf32>,
        %get3A_383 = arith.index_cast %add3A_104 : i32 to index
        %get3A_384 = arith.constant 448 : index
        %get3A_385 = tpu.vector_load %arg15[%get3A_383, %get3A_384] {strides = array<i32>} : memref<16x768xf32, #tpu.memory_space<vmem>>, vector<16xf32>,
        %add3A_386 = arith.addf %get3A_382, %get3A_385 : vector<16xf32>
        %mul3A_387 = arith.mulf %add3A_386, %add3A_386 : vector<16xf32>
        %add3A_388 = arith.addf %add3A_368, %add3A_386 : vector<16xf32>
        %add3A_389 = arith.addf %add3A_369, %mul3A_387 : vector<16xf32>
        %get3A_390 = arith.index_cast %add3A_104 : i32 to index
        %get3A_391 = arith.constant 464 : index
        %get3A_392 = tpu.vector_load %arg13[%get3A_390, %get3A_391] {strides = array<i32>} : memref<16x768xf32, #tpu.memory_space<vmem>>, vector<16xf32>,
        %get3A_393 = arith.index_cast %add3A_104 : i32 to index
        %get3A_394 = arith.constant 464 : index
        %get3A_395 = tpu.vector_load %arg15[%get3A_393, %get3A_394] {strides = array<i32>} : memref<16x768xf32, #tpu.memory_space<vmem>>, vector<16xf32>,
        %add3A_396 = arith.addf %get3A_392, %get3A_395 : vector<16xf32>
        %mul3A_397 = arith.mulf %add3A_396, %add3A_396 : vector<16xf32>
        %add3A_398 = arith.addf %add3A_378, %add3A_396 : vector<16xf32>
        %add3A_399 = arith.addf %add3A_379, %mul3A_397 : vector<16xf32>
        %get3A_400 = arith.index_cast %add3A_104 : i32 to index
        %get3A_401 = arith.constant 480 : index
        %get3A_402 = tpu.vector_load %arg13[%get3A_400, %get3A_401] {strides = array<i32>} : memref<16x768xf32, #tpu.memory_space<vmem>>, vector<16xf32>,
        %get3A_403 = arith.index_cast %add3A_104 : i32 to index
        %get3A_404 = arith.constant 480 : index
        %get3A_405 = tpu.vector_load %arg15[%get3A_403, %get3A_404] {strides = array<i32>} : memref<16x768xf32, #tpu.memory_space<vmem>>, vector<16xf32>,
        %add3A_406 = arith.addf %get3A_402, %get3A_405 : vector<16xf32>
        %mul3A_407 = arith.mulf %add3A_406, %add3A_406 : vector<16xf32>
        %add3A_408 = arith.addf %add3A_388, %add3A_406 : vector<16xf32>
        %add3A_409 = arith.addf %add3A_389, %mul3A_407 : vector<16xf32>
        %get3A_410 = arith.index_cast %add3A_104 : i32 to index
        %get3A_411 = arith.constant 496 : index
        %get3A_412 = tpu.vector_load %arg13[%get3A_410, %get3A_411] {strides = array<i32>} : memref<16x768xf32, #tpu.memory_space<vmem>>, vector<16xf32>,
        %get3A_413 = arith.index_cast %add3A_104 : i32 to index
        %get3A_414 = arith.constant 496 : index
        %get3A_415 = tpu.vector_load %arg15[%get3A_413, %get3A_414] {strides = array<i32>} : memref<16x768xf32, #tpu.memory_space<vmem>>, vector<16xf32>,
        %add3A_416 = arith.addf %get3A_412, %get3A_415 : vector<16xf32>
        %mul3A_417 = arith.mulf %add3A_416, %add3A_416 : vector<16xf32>
        %add3A_418 = arith.addf %add3A_398, %add3A_416 : vector<16xf32>
        %add3A_419 = arith.addf %add3A_399, %mul3A_417 : vector<16xf32>
        %get3A_420 = arith.index_cast %add3A_104 : i32 to index
        %get3A_421 = arith.constant 512 : index
        %get3A_422 = tpu.vector_load %arg13[%get3A_420, %get3A_421] {strides = array<i32>} : memref<16x768xf32, #tpu.memory_space<vmem>>, vector<16xf32>,
        %get3A_423 = arith.index_cast %add3A_104 : i32 to index
        %get3A_424 = arith.constant 512 : index
        %get3A_425 = tpu.vector_load %arg15[%get3A_423, %get3A_424] {strides = array<i32>} : memref<16x768xf32, #tpu.memory_space<vmem>>, vector<16xf32>,
        %add3A_426 = arith.addf %get3A_422, %get3A_425 : vector<16xf32>
        %mul3A_427 = arith.mulf %add3A_426, %add3A_426 : vector<16xf32>
        %add3A_428 = arith.addf %add3A_408, %add3A_426 : vector<16xf32>
        %add3A_429 = arith.addf %add3A_409, %mul3A_427 : vector<16xf32>
        %get3A_430 = arith.index_cast %add3A_104 : i32 to index
        %get3A_431 = arith.constant 528 : index
        %get3A_432 = tpu.vector_load %arg13[%get3A_430, %get3A_431] {strides = array<i32>} : memref<16x768xf32, #tpu.memory_space<vmem>>, vector<16xf32>,
        %get3A_433 = arith.index_cast %add3A_104 : i32 to index
        %get3A_434 = arith.constant 528 : index
        %get3A_435 = tpu.vector_load %arg15[%get3A_433, %get3A_434] {strides = array<i32>} : memref<16x768xf32, #tpu.memory_space<vmem>>, vector<16xf32>,
        %add3A_436 = arith.addf %get3A_432, %get3A_435 : vector<16xf32>
        %mul3A_437 = arith.mulf %add3A_436, %add3A_436 : vector<16xf32>
        %add3A_438 = arith.addf %add3A_418, %add3A_436 : vector<16xf32>
        %add3A_439 = arith.addf %add3A_419, %mul3A_437 : vector<16xf32>
        %get3A_440 = arith.index_cast %add3A_104 : i32 to index
        %get3A_441 = arith.constant 544 : index
        %get3A_442 = tpu.vector_load %arg13[%get3A_440, %get3A_441] {strides = array<i32>} : memref<16x768xf32, #tpu.memory_space<vmem>>, vector<16xf32>,
        %get3A_443 = arith.index_cast %add3A_104 : i32 to index
        %get3A_444 = arith.constant 544 : index
        %get3A_445 = tpu.vector_load %arg15[%get3A_443, %get3A_444] {strides = array<i32>} : memref<16x768xf32, #tpu.memory_space<vmem>>, vector<16xf32>,
        %add3A_446 = arith.addf %get3A_442, %get3A_445 : vector<16xf32>
        %mul3A_447 = arith.mulf %add3A_446, %add3A_446 : vector<16xf32>
        %add3A_448 = arith.addf %add3A_428, %add3A_446 : vector<16xf32>
        %add3A_449 = arith.addf %add3A_429, %mul3A_447 : vector<16xf32>
        %get3A_450 = arith.index_cast %add3A_104 : i32 to index
        %get3A_451 = arith.constant 560 : index
        %get3A_452 = tpu.vector_load %arg13[%get3A_450, %get3A_451] {strides = array<i32>} : memref<16x768xf32, #tpu.memory_space<vmem>>, vector<16xf32>,
        %get3A_453 = arith.index_cast %add3A_104 : i32 to index
        %get3A_454 = arith.constant 560 : index
        %get3A_455 = tpu.vector_load %arg15[%get3A_453, %get3A_454] {strides = array<i32>} : memref<16x768xf32, #tpu.memory_space<vmem>>, vector<16xf32>,
        %add3A_456 = arith.addf %get3A_452, %get3A_455 : vector<16xf32>
        %mul3A_457 = arith.mulf %add3A_456, %add3A_456 : vector<16xf32>
        %add3A_458 = arith.addf %add3A_438, %add3A_456 : vector<16xf32>
        %add3A_459 = arith.addf %add3A_439, %mul3A_457 : vector<16xf32>
        %get3A_460 = arith.index_cast %add3A_104 : i32 to index
        %get3A_461 = arith.constant 576 : index
        %get3A_462 = tpu.vector_load %arg13[%get3A_460, %get3A_461] {strides = array<i32>} : memref<16x768xf32, #tpu.memory_space<vmem>>, vector<16xf32>,
        %get3A_463 = arith.index_cast %add3A_104 : i32 to index
        %get3A_464 = arith.constant 576 : index
        %get3A_465 = tpu.vector_load %arg15[%get3A_463, %get3A_464] {strides = array<i32>} : memref<16x768xf32, #tpu.memory_space<vmem>>, vector<16xf32>,
        %add3A_466 = arith.addf %get3A_462, %get3A_465 : vector<16xf32>
        %mul3A_467 = arith.mulf %add3A_466, %add3A_466 : vector<16xf32>
        %add3A_468 = arith.addf %add3A_448, %add3A_466 : vector<16xf32>
        %add3A_469 = arith.addf %add3A_449, %mul3A_467 : vector<16xf32>
        %get3A_470 = arith.index_cast %add3A_104 : i32 to index
        %get3A_471 = arith.constant 592 : index
        %get3A_472 = tpu.vector_load %arg13[%get3A_470, %get3A_471] {strides = array<i32>} : memref<16x768xf32, #tpu.memory_space<vmem>>, vector<16xf32>,
        %get3A_473 = arith.index_cast %add3A_104 : i32 to index
        %get3A_474 = arith.constant 592 : index
        %get3A_475 = tpu.vector_load %arg15[%get3A_473, %get3A_474] {strides = array<i32>} : memref<16x768xf32, #tpu.memory_space<vmem>>, vector<16xf32>,
        %add3A_476 = arith.addf %get3A_472, %get3A_475 : vector<16xf32>
        %mul3A_477 = arith.mulf %add3A_476, %add3A_476 : vector<16xf32>
        %add3A_478 = arith.addf %add3A_458, %add3A_476 : vector<16xf32>
        %add3A_479 = arith.addf %add3A_459, %mul3A_477 : vector<16xf32>
        %get3A_480 = arith.index_cast %add3A_104 : i32 to index
        %get3A_481 = arith.constant 608 : index
        %get3A_482 = tpu.vector_load %arg13[%get3A_480, %get3A_481] {strides = array<i32>} : memref<16x768xf32, #tpu.memory_space<vmem>>, vector<16xf32>,
        %get3A_483 = arith.index_cast %add3A_104 : i32 to index
        %get3A_484 = arith.constant 608 : index
        %get3A_485 = tpu.vector_load %arg15[%get3A_483, %get3A_484] {strides = array<i32>} : memref<16x768xf32, #tpu.memory_space<vmem>>, vector<16xf32>,
        %add3A_486 = arith.addf %get3A_482, %get3A_485 : vector<16xf32>
        %mul3A_487 = arith.mulf %add3A_486, %add3A_486 : vector<16xf32>
        %add3A_488 = arith.addf %add3A_468, %add3A_486 : vector<16xf32>
        %add3A_489 = arith.addf %add3A_469, %mul3A_487 : vector<16xf32>
        %get3A_490 = arith.index_cast %add3A_104 : i32 to index
        %get3A_491 = arith.constant 624 : index
        %get3A_492 = tpu.vector_load %arg13[%get3A_490, %get3A_491] {strides = array<i32>} : memref<16x768xf32, #tpu.memory_space<vmem>>, vector<16xf32>,
        %get3A_493 = arith.index_cast %add3A_104 : i32 to index
        %get3A_494 = arith.constant 624 : index
        %get3A_495 = tpu.vector_load %arg15[%get3A_493, %get3A_494] {strides = array<i32>} : memref<16x768xf32, #tpu.memory_space<vmem>>, vector<16xf32>,
        %add3A_496 = arith.addf %get3A_492, %get3A_495 : vector<16xf32>
        %mul3A_497 = arith.mulf %add3A_496, %add3A_496 : vector<16xf32>
        %add3A_498 = arith.addf %add3A_478, %add3A_496 : vector<16xf32>
        %add3A_499 = arith.addf %add3A_479, %mul3A_497 : vector<16xf32>
        %get3A_500 = arith.index_cast %add3A_104 : i32 to index
        %get3A_501 = arith.constant 640 : index
        %get3A_502 = tpu.vector_load %arg13[%get3A_500, %get3A_501] {strides = array<i32>} : memref<16x768xf32, #tpu.memory_space<vmem>>, vector<16xf32>,
        %get3A_503 = arith.index_cast %add3A_104 : i32 to index
        %get3A_504 = arith.constant 640 : index
        %get3A_505 = tpu.vector_load %arg15[%get3A_503, %get3A_504] {strides = array<i32>} : memref<16x768xf32, #tpu.memory_space<vmem>>, vector<16xf32>,
        %add3A_506 = arith.addf %get3A_502, %get3A_505 : vector<16xf32>
        %mul3A_507 = arith.mulf %add3A_506, %add3A_506 : vector<16xf32>
        %add3A_508 = arith.addf %add3A_488, %add3A_506 : vector<16xf32>
        %add3A_509 = arith.addf %add3A_489, %mul3A_507 : vector<16xf32>
        %get3A_510 = arith.index_cast %add3A_104 : i32 to index
        %get3A_511 = arith.constant 656 : index
        %get3A_512 = tpu.vector_load %arg13[%get3A_510, %get3A_511] {strides = array<i32>} : memref<16x768xf32, #tpu.memory_space<vmem>>, vector<16xf32>,
        %get3A_513 = arith.index_cast %add3A_104 : i32 to index
        %get3A_514 = arith.constant 656 : index
        %get3A_515 = tpu.vector_load %arg15[%get3A_513, %get3A_514] {strides = array<i32>} : memref<16x768xf32, #tpu.memory_space<vmem>>, vector<16xf32>,
        %add3A_516 = arith.addf %get3A_512, %get3A_515 : vector<16xf32>
        %mul3A_517 = arith.mulf %add3A_516, %add3A_516 : vector<16xf32>
        %add3A_518 = arith.addf %add3A_498, %add3A_516 : vector<16xf32>
        %add3A_519 = arith.addf %add3A_499, %mul3A_517 : vector<16xf32>
        %get3A_520 = arith.index_cast %add3A_104 : i32 to index
        %get3A_521 = arith.constant 672 : index
        %get3A_522 = tpu.vector_load %arg13[%get3A_520, %get3A_521] {strides = array<i32>} : memref<16x768xf32, #tpu.memory_space<vmem>>, vector<16xf32>,
        %get3A_523 = arith.index_cast %add3A_104 : i32 to index
        %get3A_524 = arith.constant 672 : index
        %get3A_525 = tpu.vector_load %arg15[%get3A_523, %get3A_524] {strides = array<i32>} : memref<16x768xf32, #tpu.memory_space<vmem>>, vector<16xf32>,
        %add3A_526 = arith.addf %get3A_522, %get3A_525 : vector<16xf32>
        %mul3A_527 = arith.mulf %add3A_526, %add3A_526 : vector<16xf32>
        %add3A_528 = arith.addf %add3A_508, %add3A_526 : vector<16xf32>
        %add3A_529 = arith.addf %add3A_509, %mul3A_527 : vector<16xf32>
        %get3A_530 = arith.index_cast %add3A_104 : i32 to index
        %get3A_531 = arith.constant 688 : index
        %get3A_532 = tpu.vector_load %arg13[%get3A_530, %get3A_531] {strides = array<i32>} : memref<16x768xf32, #tpu.memory_space<vmem>>, vector<16xf32>,
        %get3A_533 = arith.index_cast %add3A_104 : i32 to index
        %get3A_534 = arith.constant 688 : index
        %get3A_535 = tpu.vector_load %arg15[%get3A_533, %get3A_534] {strides = array<i32>} : memref<16x768xf32, #tpu.memory_space<vmem>>, vector<16xf32>,
        %add3A_536 = arith.addf %get3A_532, %get3A_535 : vector<16xf32>
        %mul3A_537 = arith.mulf %add3A_536, %add3A_536 : vector<16xf32>
        %add3A_538 = arith.addf %add3A_518, %add3A_536 : vector<16xf32>
        %add3A_539 = arith.addf %add3A_519, %mul3A_537 : vector<16xf32>
        %get3A_540 = arith.index_cast %add3A_104 : i32 to index
        %get3A_541 = arith.constant 704 : index
        %get3A_542 = tpu.vector_load %arg13[%get3A_540, %get3A_541] {strides = array<i32>} : memref<16x768xf32, #tpu.memory_space<vmem>>, vector<16xf32>,
        %get3A_543 = arith.index_cast %add3A_104 : i32 to index
        %get3A_544 = arith.constant 704 : index
        %get3A_545 = tpu.vector_load %arg15[%get3A_543, %get3A_544] {strides = array<i32>} : memref<16x768xf32, #tpu.memory_space<vmem>>, vector<16xf32>,
        %add3A_546 = arith.addf %get3A_542, %get3A_545 : vector<16xf32>
        %mul3A_547 = arith.mulf %add3A_546, %add3A_546 : vector<16xf32>
        %add3A_548 = arith.addf %add3A_528, %add3A_546 : vector<16xf32>
        %add3A_549 = arith.addf %add3A_529, %mul3A_547 : vector<16xf32>
        %get3A_550 = arith.index_cast %add3A_104 : i32 to index
        %get3A_551 = arith.constant 720 : index
        %get3A_552 = tpu.vector_load %arg13[%get3A_550, %get3A_551] {strides = array<i32>} : memref<16x768xf32, #tpu.memory_space<vmem>>, vector<16xf32>,
        %get3A_553 = arith.index_cast %add3A_104 : i32 to index
        %get3A_554 = arith.constant 720 : index
        %get3A_555 = tpu.vector_load %arg15[%get3A_553, %get3A_554] {strides = array<i32>} : memref<16x768xf32, #tpu.memory_space<vmem>>, vector<16xf32>,
        %add3A_556 = arith.addf %get3A_552, %get3A_555 : vector<16xf32>
        %mul3A_557 = arith.mulf %add3A_556, %add3A_556 : vector<16xf32>
        %add3A_558 = arith.addf %add3A_538, %add3A_556 : vector<16xf32>
        %add3A_559 = arith.addf %add3A_539, %mul3A_557 : vector<16xf32>
        %get3A_560 = arith.index_cast %add3A_104 : i32 to index
        %get3A_561 = arith.constant 736 : index
        %get3A_562 = tpu.vector_load %arg13[%get3A_560, %get3A_561] {strides = array<i32>} : memref<16x768xf32, #tpu.memory_space<vmem>>, vector<16xf32>,
        %get3A_563 = arith.index_cast %add3A_104 : i32 to index
        %get3A_564 = arith.constant 736 : index
        %get3A_565 = tpu.vector_load %arg15[%get3A_563, %get3A_564] {strides = array<i32>} : memref<16x768xf32, #tpu.memory_space<vmem>>, vector<16xf32>,
        %add3A_566 = arith.addf %get3A_562, %get3A_565 : vector<16xf32>
        %mul3A_567 = arith.mulf %add3A_566, %add3A_566 : vector<16xf32>
        %add3A_568 = arith.addf %add3A_548, %add3A_566 : vector<16xf32>
        %add3A_569 = arith.addf %add3A_549, %mul3A_567 : vector<16xf32>
        %get3A_570 = arith.index_cast %add3A_104 : i32 to index
        %get3A_571 = arith.constant 752 : index
        %get3A_572 = tpu.vector_load %arg13[%get3A_570, %get3A_571] {strides = array<i32>} : memref<16x768xf32, #tpu.memory_space<vmem>>, vector<16xf32>,
        %get3A_573 = arith.index_cast %add3A_104 : i32 to index
        %get3A_574 = arith.constant 752 : index
        %get3A_575 = tpu.vector_load %arg15[%get3A_573, %get3A_574] {strides = array<i32>} : memref<16x768xf32, #tpu.memory_space<vmem>>, vector<16xf32>,
        %add3A_576 = arith.addf %get3A_572, %get3A_575 : vector<16xf32>
        %mul3A_577 = arith.mulf %add3A_576, %add3A_576 : vector<16xf32>
        %add3A_578 = arith.addf %add3A_558, %add3A_576 : vector<16xf32>
        %add3A_579 = arith.addf %add3A_559, %mul3A_577 : vector<16xf32>
        %add3A_580 = arith.addf %add3A_568, %add3A_578 : vector<16xf32>
        %add3A_581 = arith.addf %add3A_569, %add3A_579 : vector<16xf32>
        %reduce_sum3A = arith.constant true
        %reduce_sum3A_582 = vector.broadcast %reduce_sum3A : i1 to vector<16xi1>
        %reduce_sum3A_583 = tpu.scan <sum>, %add3A_580 masked %reduce_sum3A_582 : vector<16xf32>, vector<16xi1> -> vector<16xf32>
        %reduce_sum3A_584 = vector.extract %reduce_sum3A_583[15] : f32 from vector<16xf32>
        %mul3A_585 = arith.constant 0.00130208337 : f32
        %mul3A_586 = arith.mulf %reduce_sum3A_584, %mul3A_585 : f32
        %reduce_sum3A_587 = arith.constant true
        %reduce_sum3A_588 = vector.broadcast %reduce_sum3A_587 : i1 to vector<16xi1>
        %reduce_sum3A_589 = tpu.scan <sum>, %add3A_581 masked %reduce_sum3A_588 : vector<16xf32>, vector<16xi1> -> vector<16xf32>
        %reduce_sum3A_590 = vector.extract %reduce_sum3A_589[15] : f32 from vector<16xf32>
        %mul3A_591 = arith.constant 0.00130208337 : f32
        %mul3A_592 = arith.mulf %reduce_sum3A_590, %mul3A_591 : f32
        %mul3A_593 = arith.mulf %mul3A_586, %mul3A_586 : f32
        %sub3A = arith.subf %mul3A_592, %mul3A_593 : f32
        %add3A_594 = arith.constant 9.99999996E-13 : f32
        %add3A_595 = arith.addf %sub3A, %add3A_594 : f32
        %bitcast_convert_type3A = arith.bitcast %add3A_595 : f32 to i32
        %shift_right_arithmetic3A = arith.constant 1 : i32
        %shift_right_arithmetic3A_596 = arith.shrsi %bitcast_convert_type3A, %shift_right_arithmetic3A : i32
        %sub3A_597 = arith.constant 1597463007 : i32
        %sub3A_598 = arith.subi %sub3A_597, %shift_right_arithmetic3A_596 : i32
        %bitcast_convert_type3A_599 = arith.bitcast %sub3A_598 : i32 to f32
        %mul3A_600 = arith.constant 5.000000e-01 : f32
        %mul3A_601 = arith.mulf %mul3A_600, %add3A_595 : f32
        %mul3A_602 = arith.mulf %mul3A_601, %bitcast_convert_type3A_599 : f32
        %mul3A_603 = arith.mulf %mul3A_602, %bitcast_convert_type3A_599 : f32
        %sub3A_604 = arith.constant 1.500000e+00 : f32
        %sub3A_605 = arith.subf %sub3A_604, %mul3A_603 : f32
        %mul3A_606 = arith.mulf %bitcast_convert_type3A_599, %sub3A_605 : f32
        %mul3A_607 = arith.constant 5.000000e-01 : f32
        %mul3A_608 = arith.mulf %mul3A_607, %add3A_595 : f32
        %mul3A_609 = arith.mulf %mul3A_608, %mul3A_606 : f32
        %mul3A_610 = arith.mulf %mul3A_609, %mul3A_606 : f32
        %sub3A_611 = arith.constant 1.500000e+00 : f32
        %sub3A_612 = arith.subf %sub3A_611, %mul3A_610 : f32
        %mul3A_613 = arith.mulf %mul3A_606, %sub3A_612 : f32
        %mul3A_614 = arith.constant 5.000000e-01 : f32
        %mul3A_615 = arith.mulf %mul3A_614, %add3A_595 : f32
        %mul3A_616 = arith.mulf %mul3A_615, %mul3A_613 : f32
        %mul3A_617 = arith.mulf %mul3A_616, %mul3A_613 : f32
        %sub3A_618 = arith.constant 1.500000e+00 : f32
        %sub3A_619 = arith.subf %sub3A_618, %mul3A_617 : f32
        %mul3A_620 = arith.mulf %mul3A_613, %sub3A_619 : f32
        %sub3A_621 = vector.broadcast %mul3A_586 : f32 to vector<16xf32>
        %sub3A_622 = arith.subf %add3A_110, %sub3A_621 : vector<16xf32>
        %mul3A_623 = vector.broadcast %mul3A_620 : f32 to vector<16xf32>
        %mul3A_624 = arith.mulf %sub3A_622, %mul3A_623 : vector<16xf32>
        %get3A_625 = arith.constant 0 : index
        %get3A_626 = tpu.vector_load %arg11[%get3A_625] {strides = array<i32>} : memref<768xf32, #tpu.memory_space<vmem>>, vector<16xf32>,
        %mul3A_627 = arith.mulf %mul3A_624, %get3A_626 : vector<16xf32>
        %get3A_628 = arith.constant 0 : index
        %get3A_629 = tpu.vector_load %arg12[%get3A_628] {strides = array<i32>} : memref<768xf32, #tpu.memory_space<vmem>>, vector<16xf32>,
        %add3A_630 = arith.addf %mul3A_627, %get3A_629 : vector<16xf32>
        %swap3A = arith.index_cast %add3A_104 : i32 to index
        %swap3A_631 = arith.constant 0 : index
        %swap3A_632 = tpu.vector_load %arg17[%swap3A, %swap3A_631] {strides = array<i32>} : memref<16x768xf32, #tpu.memory_space<vmem>>, vector<16xf32>,
        tpu.vector_store %arg17[%swap3A, %swap3A_631], %add3A_630 {strides = array<i32>} : memref<16x768xf32, #tpu.memory_space<vmem>>, vector<16xf32>,
        %sub3A_633 = vector.broadcast %mul3A_586 : f32 to vector<16xf32>
        %sub3A_634 = arith.subf %add3A_118, %sub3A_633 : vector<16xf32>
        %mul3A_635 = vector.broadcast %mul3A_620 : f32 to vector<16xf32>
        %mul3A_636 = arith.mulf %sub3A_634, %mul3A_635 : vector<16xf32>
        %get3A_637 = arith.constant 16 : index
        %get3A_638 = tpu.vector_load %arg11[%get3A_637] {strides = array<i32>} : memref<768xf32, #tpu.memory_space<vmem>>, vector<16xf32>,
        %mul3A_639 = arith.mulf %mul3A_636, %get3A_638 : vector<16xf32>
        %get3A_640 = arith.constant 16 : index
        %get3A_641 = tpu.vector_load %arg12[%get3A_640] {strides = array<i32>} : memref<768xf32, #tpu.memory_space<vmem>>, vector<16xf32>,
        %add3A_642 = arith.addf %mul3A_639, %get3A_641 : vector<16xf32>
        %swap3A_643 = arith.index_cast %add3A_104 : i32 to index
        %swap3A_644 = arith.constant 16 : index
        %swap3A_645 = tpu.vector_load %arg17[%swap3A_643, %swap3A_644] {strides = array<i32>} : memref<16x768xf32, #tpu.memory_space<vmem>>, vector<16xf32>,
        tpu.vector_store %arg17[%swap3A_643, %swap3A_644], %add3A_642 {strides = array<i32>} : memref<16x768xf32, #tpu.memory_space<vmem>>, vector<16xf32>,
        %sub3A_646 = vector.broadcast %mul3A_586 : f32 to vector<16xf32>
        %sub3A_647 = arith.subf %add3A_126, %sub3A_646 : vector<16xf32>
        %mul3A_648 = vector.broadcast %mul3A_620 : f32 to vector<16xf32>
        %mul3A_649 = arith.mulf %sub3A_647, %mul3A_648 : vector<16xf32>
        %get3A_650 = arith.constant 32 : index
        %get3A_651 = tpu.vector_load %arg11[%get3A_650] {strides = array<i32>} : memref<768xf32, #tpu.memory_space<vmem>>, vector<16xf32>,
        %mul3A_652 = arith.mulf %mul3A_649, %get3A_651 : vector<16xf32>
        %get3A_653 = arith.constant 32 : index
        %get3A_654 = tpu.vector_load %arg12[%get3A_653] {strides = array<i32>} : memref<768xf32, #tpu.memory_space<vmem>>, vector<16xf32>,
        %add3A_655 = arith.addf %mul3A_652, %get3A_654 : vector<16xf32>
        %swap3A_656 = arith.index_cast %add3A_104 : i32 to index
        %swap3A_657 = arith.constant 32 : index
        %swap3A_658 = tpu.vector_load %arg17[%swap3A_656, %swap3A_657] {strides = array<i32>} : memref<16x768xf32, #tpu.memory_space<vmem>>, vector<16xf32>,
        tpu.vector_store %arg17[%swap3A_656, %swap3A_657], %add3A_655 {strides = array<i32>} : memref<16x768xf32, #tpu.memory_space<vmem>>, vector<16xf32>,
        %sub3A_659 = vector.broadcast %mul3A_586 : f32 to vector<16xf32>
        %sub3A_660 = arith.subf %add3A_136, %sub3A_659 : vector<16xf32>
        %mul3A_661 = vector.broadcast %mul3A_620 : f32 to vector<16xf32>
        %mul3A_662 = arith.mulf %sub3A_660, %mul3A_661 : vector<16xf32>
        %get3A_663 = arith.constant 48 : index
        %get3A_664 = tpu.vector_load %arg11[%get3A_663] {strides = array<i32>} : memref<768xf32, #tpu.memory_space<vmem>>, vector<16xf32>,
        %mul3A_665 = arith.mulf %mul3A_662, %get3A_664 : vector<16xf32>
        %get3A_666 = arith.constant 48 : index
        %get3A_667 = tpu.vector_load %arg12[%get3A_666] {strides = array<i32>} : memref<768xf32, #tpu.memory_space<vmem>>, vector<16xf32>,
        %add3A_668 = arith.addf %mul3A_665, %get3A_667 : vector<16xf32>
        %swap3A_669 = arith.index_cast %add3A_104 : i32 to index
        %swap3A_670 = arith.constant 48 : index
        %swap3A_671 = tpu.vector_load %arg17[%swap3A_669, %swap3A_670] {strides = array<i32>} : memref<16x768xf32, #tpu.memory_space<vmem>>, vector<16xf32>,
        tpu.vector_store %arg17[%swap3A_669, %swap3A_670], %add3A_668 {strides = array<i32>} : memref<16x768xf32, #tpu.memory_space<vmem>>, vector<16xf32>,
        %sub3A_672 = vector.broadcast %mul3A_586 : f32 to vector<16xf32>
        %sub3A_673 = arith.subf %add3A_146, %sub3A_672 : vector<16xf32>
        %mul3A_674 = vector.broadcast %mul3A_620 : f32 to vector<16xf32>
        %mul3A_675 = arith.mulf %sub3A_673, %mul3A_674 : vector<16xf32>
        %get3A_676 = arith.constant 64 : index
        %get3A_677 = tpu.vector_load %arg11[%get3A_676] {strides = array<i32>} : memref<768xf32, #tpu.memory_space<vmem>>, vector<16xf32>,
        %mul3A_678 = arith.mulf %mul3A_675, %get3A_677 : vector<16xf32>
        %get3A_679 = arith.constant 64 : index
        %get3A_680 = tpu.vector_load %arg12[%get3A_679] {strides = array<i32>} : memref<768xf32, #tpu.memory_space<vmem>>, vector<16xf32>,
        %add3A_681 = arith.addf %mul3A_678, %get3A_680 : vector<16xf32>
        %swap3A_682 = arith.index_cast %add3A_104 : i32 to index
        %swap3A_683 = arith.constant 64 : index
        %swap3A_684 = tpu.vector_load %arg17[%swap3A_682, %swap3A_683] {strides = array<i32>} : memref<16x768xf32, #tpu.memory_space<vmem>>, vector<16xf32>,
        tpu.vector_store %arg17[%swap3A_682, %swap3A_683], %add3A_681 {strides = array<i32>} : memref<16x768xf32, #tpu.memory_space<vmem>>, vector<16xf32>,
        %sub3A_685 = vector.broadcast %mul3A_586 : f32 to vector<16xf32>
        %sub3A_686 = arith.subf %add3A_156, %sub3A_685 : vector<16xf32>
        %mul3A_687 = vector.broadcast %mul3A_620 : f32 to vector<16xf32>
        %mul3A_688 = arith.mulf %sub3A_686, %mul3A_687 : vector<16xf32>
        %get3A_689 = arith.constant 80 : index
        %get3A_690 = tpu.vector_load %arg11[%get3A_689] {strides = array<i32>} : memref<768xf32, #tpu.memory_space<vmem>>, vector<16xf32>,
        %mul3A_691 = arith.mulf %mul3A_688, %get3A_690 : vector<16xf32>
        %get3A_692 = arith.constant 80 : index
        %get3A_693 = tpu.vector_load %arg12[%get3A_692] {strides = array<i32>} : memref<768xf32, #tpu.memory_space<vmem>>, vector<16xf32>,
        %add3A_694 = arith.addf %mul3A_691, %get3A_693 : vector<16xf32>
        %swap3A_695 = arith.index_cast %add3A_104 : i32 to index
        %swap3A_696 = arith.constant 80 : index
        %swap3A_697 = tpu.vector_load %arg17[%swap3A_695, %swap3A_696] {strides = array<i32>} : memref<16x768xf32, #tpu.memory_space<vmem>>, vector<16xf32>,
        tpu.vector_store %arg17[%swap3A_695, %swap3A_696], %add3A_694 {strides = array<i32>} : memref<16x768xf32, #tpu.memory_space<vmem>>, vector<16xf32>,
        %sub3A_698 = vector.broadcast %mul3A_586 : f32 to vector<16xf32>
        %sub3A_699 = arith.subf %add3A_166, %sub3A_698 : vector<16xf32>
        %mul3A_700 = vector.broadcast %mul3A_620 : f32 to vector<16xf32>
        %mul3A_701 = arith.mulf %sub3A_699, %mul3A_700 : vector<16xf32>
        %get3A_702 = arith.constant 96 : index
        %get3A_703 = tpu.vector_load %arg11[%get3A_702] {strides = array<i32>} : memref<768xf32, #tpu.memory_space<vmem>>, vector<16xf32>,
        %mul3A_704 = arith.mulf %mul3A_701, %get3A_703 : vector<16xf32>
        %get3A_705 = arith.constant 96 : index
        %get3A_706 = tpu.vector_load %arg12[%get3A_705] {strides = array<i32>} : memref<768xf32, #tpu.memory_space<vmem>>, vector<16xf32>,
        %add3A_707 = arith.addf %mul3A_704, %get3A_706 : vector<16xf32>
        %swap3A_708 = arith.index_cast %add3A_104 : i32 to index
        %swap3A_709 = arith.constant 96 : index
        %swap3A_710 = tpu.vector_load %arg17[%swap3A_708, %swap3A_709] {strides = array<i32>} : memref<16x768xf32, #tpu.memory_space<vmem>>, vector<16xf32>,
        tpu.vector_store %arg17[%swap3A_708, %swap3A_709], %add3A_707 {strides = array<i32>} : memref<16x768xf32, #tpu.memory_space<vmem>>, vector<16xf32>,
        %sub3A_711 = vector.broadcast %mul3A_586 : f32 to vector<16xf32>
        %sub3A_712 = arith.subf %add3A_176, %sub3A_711 : vector<16xf32>
        %mul3A_713 = vector.broadcast %mul3A_620 : f32 to vector<16xf32>
        %mul3A_714 = arith.mulf %sub3A_712, %mul3A_713 : vector<16xf32>
        %get3A_715 = arith.constant 112 : index
        %get3A_716 = tpu.vector_load %arg11[%get3A_715] {strides = array<i32>} : memref<768xf32, #tpu.memory_space<vmem>>, vector<16xf32>,
        %mul3A_717 = arith.mulf %mul3A_714, %get3A_716 : vector<16xf32>
        %get3A_718 = arith.constant 112 : index
        %get3A_719 = tpu.vector_load %arg12[%get3A_718] {strides = array<i32>} : memref<768xf32, #tpu.memory_space<vmem>>, vector<16xf32>,
        %add3A_720 = arith.addf %mul3A_717, %get3A_719 : vector<16xf32>
        %swap3A_721 = arith.index_cast %add3A_104 : i32 to index
        %swap3A_722 = arith.constant 112 : index
        %swap3A_723 = tpu.vector_load %arg17[%swap3A_721, %swap3A_722] {strides = array<i32>} : memref<16x768xf32, #tpu.memory_space<vmem>>, vector<16xf32>,
        tpu.vector_store %arg17[%swap3A_721, %swap3A_722], %add3A_720 {strides = array<i32>} : memref<16x768xf32, #tpu.memory_space<vmem>>, vector<16xf32>,
        %sub3A_724 = vector.broadcast %mul3A_586 : f32 to vector<16xf32>
        %sub3A_725 = arith.subf %add3A_186, %sub3A_724 : vector<16xf32>
        %mul3A_726 = vector.broadcast %mul3A_620 : f32 to vector<16xf32>
        %mul3A_727 = arith.mulf %sub3A_725, %mul3A_726 : vector<16xf32>
        %get3A_728 = arith.constant 128 : index
        %get3A_729 = tpu.vector_load %arg11[%get3A_728] {strides = array<i32>} : memref<768xf32, #tpu.memory_space<vmem>>, vector<16xf32>,
        %mul3A_730 = arith.mulf %mul3A_727, %get3A_729 : vector<16xf32>
        %get3A_731 = arith.constant 128 : index
        %get3A_732 = tpu.vector_load %arg12[%get3A_731] {strides = array<i32>} : memref<768xf32, #tpu.memory_space<vmem>>, vector<16xf32>,
        %add3A_733 = arith.addf %mul3A_730, %get3A_732 : vector<16xf32>
        %swap3A_734 = arith.index_cast %add3A_104 : i32 to index
        %swap3A_735 = arith.constant 128 : index
        %swap3A_736 = tpu.vector_load %arg17[%swap3A_734, %swap3A_735] {strides = array<i32>} : memref<16x768xf32, #tpu.memory_space<vmem>>, vector<16xf32>,
        tpu.vector_store %arg17[%swap3A_734, %swap3A_735], %add3A_733 {strides = array<i32>} : memref<16x768xf32, #tpu.memory_space<vmem>>, vector<16xf32>,
        %sub3A_737 = vector.broadcast %mul3A_586 : f32 to vector<16xf32>
        %sub3A_738 = arith.subf %add3A_196, %sub3A_737 : vector<16xf32>
        %mul3A_739 = vector.broadcast %mul3A_620 : f32 to vector<16xf32>
        %mul3A_740 = arith.mulf %sub3A_738, %mul3A_739 : vector<16xf32>
        %get3A_741 = arith.constant 144 : index
        %get3A_742 = tpu.vector_load %arg11[%get3A_741] {strides = array<i32>} : memref<768xf32, #tpu.memory_space<vmem>>, vector<16xf32>,
        %mul3A_743 = arith.mulf %mul3A_740, %get3A_742 : vector<16xf32>
        %get3A_744 = arith.constant 144 : index
        %get3A_745 = tpu.vector_load %arg12[%get3A_744] {strides = array<i32>} : memref<768xf32, #tpu.memory_space<vmem>>, vector<16xf32>,
        %add3A_746 = arith.addf %mul3A_743, %get3A_745 : vector<16xf32>
        %swap3A_747 = arith.index_cast %add3A_104 : i32 to index
        %swap3A_748 = arith.constant 144 : index
        %swap3A_749 = tpu.vector_load %arg17[%swap3A_747, %swap3A_748] {strides = array<i32>} : memref<16x768xf32, #tpu.memory_space<vmem>>, vector<16xf32>,
        tpu.vector_store %arg17[%swap3A_747, %swap3A_748], %add3A_746 {strides = array<i32>} : memref<16x768xf32, #tpu.memory_space<vmem>>, vector<16xf32>,
        %sub3A_750 = vector.broadcast %mul3A_586 : f32 to vector<16xf32>
        %sub3A_751 = arith.subf %add3A_206, %sub3A_750 : vector<16xf32>
        %mul3A_752 = vector.broadcast %mul3A_620 : f32 to vector<16xf32>
        %mul3A_753 = arith.mulf %sub3A_751, %mul3A_752 : vector<16xf32>
        %get3A_754 = arith.constant 160 : index
        %get3A_755 = tpu.vector_load %arg11[%get3A_754] {strides = array<i32>} : memref<768xf32, #tpu.memory_space<vmem>>, vector<16xf32>,
        %mul3A_756 = arith.mulf %mul3A_753, %get3A_755 : vector<16xf32>
        %get3A_757 = arith.constant 160 : index
        %get3A_758 = tpu.vector_load %arg12[%get3A_757] {strides = array<i32>} : memref<768xf32, #tpu.memory_space<vmem>>, vector<16xf32>,
        %add3A_759 = arith.addf %mul3A_756, %get3A_758 : vector<16xf32>
        %swap3A_760 = arith.index_cast %add3A_104 : i32 to index
        %swap3A_761 = arith.constant 160 : index
        %swap3A_762 = tpu.vector_load %arg17[%swap3A_760, %swap3A_761] {strides = array<i32>} : memref<16x768xf32, #tpu.memory_space<vmem>>, vector<16xf32>,
        tpu.vector_store %arg17[%swap3A_760, %swap3A_761], %add3A_759 {strides = array<i32>} : memref<16x768xf32, #tpu.memory_space<vmem>>, vector<16xf32>,
        %sub3A_763 = vector.broadcast %mul3A_586 : f32 to vector<16xf32>
        %sub3A_764 = arith.subf %add3A_216, %sub3A_763 : vector<16xf32>
        %mul3A_765 = vector.broadcast %mul3A_620 : f32 to vector<16xf32>
        %mul3A_766 = arith.mulf %sub3A_764, %mul3A_765 : vector<16xf32>
        %get3A_767 = arith.constant 176 : index
        %get3A_768 = tpu.vector_load %arg11[%get3A_767] {strides = array<i32>} : memref<768xf32, #tpu.memory_space<vmem>>, vector<16xf32>,
        %mul3A_769 = arith.mulf %mul3A_766, %get3A_768 : vector<16xf32>
        %get3A_770 = arith.constant 176 : index
        %get3A_771 = tpu.vector_load %arg12[%get3A_770] {strides = array<i32>} : memref<768xf32, #tpu.memory_space<vmem>>, vector<16xf32>,
        %add3A_772 = arith.addf %mul3A_769, %get3A_771 : vector<16xf32>
        %swap3A_773 = arith.index_cast %add3A_104 : i32 to index
        %swap3A_774 = arith.constant 176 : index
        %swap3A_775 = tpu.vector_load %arg17[%swap3A_773, %swap3A_774] {strides = array<i32>} : memref<16x768xf32, #tpu.memory_space<vmem>>, vector<16xf32>,
        tpu.vector_store %arg17[%swap3A_773, %swap3A_774], %add3A_772 {strides = array<i32>} : memref<16x768xf32, #tpu.memory_space<vmem>>, vector<16xf32>,
        %sub3A_776 = vector.broadcast %mul3A_586 : f32 to vector<16xf32>
        %sub3A_777 = arith.subf %add3A_226, %sub3A_776 : vector<16xf32>
        %mul3A_778 = vector.broadcast %mul3A_620 : f32 to vector<16xf32>
        %mul3A_779 = arith.mulf %sub3A_777, %mul3A_778 : vector<16xf32>
        %get3A_780 = arith.constant 192 : index
        %get3A_781 = tpu.vector_load %arg11[%get3A_780] {strides = array<i32>} : memref<768xf32, #tpu.memory_space<vmem>>, vector<16xf32>,
        %mul3A_782 = arith.mulf %mul3A_779, %get3A_781 : vector<16xf32>
        %get3A_783 = arith.constant 192 : index
        %get3A_784 = tpu.vector_load %arg12[%get3A_783] {strides = array<i32>} : memref<768xf32, #tpu.memory_space<vmem>>, vector<16xf32>,
        %add3A_785 = arith.addf %mul3A_782, %get3A_784 : vector<16xf32>
        %swap3A_786 = arith.index_cast %add3A_104 : i32 to index
        %swap3A_787 = arith.constant 192 : index
        %swap3A_788 = tpu.vector_load %arg17[%swap3A_786, %swap3A_787] {strides = array<i32>} : memref<16x768xf32, #tpu.memory_space<vmem>>, vector<16xf32>,
        tpu.vector_store %arg17[%swap3A_786, %swap3A_787], %add3A_785 {strides = array<i32>} : memref<16x768xf32, #tpu.memory_space<vmem>>, vector<16xf32>,
        %sub3A_789 = vector.broadcast %mul3A_586 : f32 to vector<16xf32>
        %sub3A_790 = arith.subf %add3A_236, %sub3A_789 : vector<16xf32>
        %mul3A_791 = vector.broadcast %mul3A_620 : f32 to vector<16xf32>
        %mul3A_792 = arith.mulf %sub3A_790, %mul3A_791 : vector<16xf32>
        %get3A_793 = arith.constant 208 : index
        %get3A_794 = tpu.vector_load %arg11[%get3A_793] {strides = array<i32>} : memref<768xf32, #tpu.memory_space<vmem>>, vector<16xf32>,
        %mul3A_795 = arith.mulf %mul3A_792, %get3A_794 : vector<16xf32>
        %get3A_796 = arith.constant 208 : index
        %get3A_797 = tpu.vector_load %arg12[%get3A_796] {strides = array<i32>} : memref<768xf32, #tpu.memory_space<vmem>>, vector<16xf32>,
        %add3A_798 = arith.addf %mul3A_795, %get3A_797 : vector<16xf32>
        %swap3A_799 = arith.index_cast %add3A_104 : i32 to index
        %swap3A_800 = arith.constant 208 : index
        %swap3A_801 = tpu.vector_load %arg17[%swap3A_799, %swap3A_800] {strides = array<i32>} : memref<16x768xf32, #tpu.memory_space<vmem>>, vector<16xf32>,
        tpu.vector_store %arg17[%swap3A_799, %swap3A_800], %add3A_798 {strides = array<i32>} : memref<16x768xf32, #tpu.memory_space<vmem>>, vector<16xf32>,
        %sub3A_802 = vector.broadcast %mul3A_586 : f32 to vector<16xf32>
        %sub3A_803 = arith.subf %add3A_246, %sub3A_802 : vector<16xf32>
        %mul3A_804 = vector.broadcast %mul3A_620 : f32 to vector<16xf32>
        %mul3A_805 = arith.mulf %sub3A_803, %mul3A_804 : vector<16xf32>
        %get3A_806 = arith.constant 224 : index
        %get3A_807 = tpu.vector_load %arg11[%get3A_806] {strides = array<i32>} : memref<768xf32, #tpu.memory_space<vmem>>, vector<16xf32>,
        %mul3A_808 = arith.mulf %mul3A_805, %get3A_807 : vector<16xf32>
        %get3A_809 = arith.constant 224 : index
        %get3A_810 = tpu.vector_load %arg12[%get3A_809] {strides = array<i32>} : memref<768xf32, #tpu.memory_space<vmem>>, vector<16xf32>,
        %add3A_811 = arith.addf %mul3A_808, %get3A_810 : vector<16xf32>
        %swap3A_812 = arith.index_cast %add3A_104 : i32 to index
        %swap3A_813 = arith.constant 224 : index
        %swap3A_814 = tpu.vector_load %arg17[%swap3A_812, %swap3A_813] {strides = array<i32>} : memref<16x768xf32, #tpu.memory_space<vmem>>, vector<16xf32>,
        tpu.vector_store %arg17[%swap3A_812, %swap3A_813], %add3A_811 {strides = array<i32>} : memref<16x768xf32, #tpu.memory_space<vmem>>, vector<16xf32>,
        %sub3A_815 = vector.broadcast %mul3A_586 : f32 to vector<16xf32>
        %sub3A_816 = arith.subf %add3A_256, %sub3A_815 : vector<16xf32>
        %mul3A_817 = vector.broadcast %mul3A_620 : f32 to vector<16xf32>
        %mul3A_818 = arith.mulf %sub3A_816, %mul3A_817 : vector<16xf32>
        %get3A_819 = arith.constant 240 : index
        %get3A_820 = tpu.vector_load %arg11[%get3A_819] {strides = array<i32>} : memref<768xf32, #tpu.memory_space<vmem>>, vector<16xf32>,
        %mul3A_821 = arith.mulf %mul3A_818, %get3A_820 : vector<16xf32>
        %get3A_822 = arith.constant 240 : index
        %get3A_823 = tpu.vector_load %arg12[%get3A_822] {strides = array<i32>} : memref<768xf32, #tpu.memory_space<vmem>>, vector<16xf32>,
        %add3A_824 = arith.addf %mul3A_821, %get3A_823 : vector<16xf32>
        %swap3A_825 = arith.index_cast %add3A_104 : i32 to index
        %swap3A_826 = arith.constant 240 : index
        %swap3A_827 = tpu.vector_load %arg17[%swap3A_825, %swap3A_826] {strides = array<i32>} : memref<16x768xf32, #tpu.memory_space<vmem>>, vector<16xf32>,
        tpu.vector_store %arg17[%swap3A_825, %swap3A_826], %add3A_824 {strides = array<i32>} : memref<16x768xf32, #tpu.memory_space<vmem>>, vector<16xf32>,
        %sub3A_828 = vector.broadcast %mul3A_586 : f32 to vector<16xf32>
        %sub3A_829 = arith.subf %add3A_266, %sub3A_828 : vector<16xf32>
        %mul3A_830 = vector.broadcast %mul3A_620 : f32 to vector<16xf32>
        %mul3A_831 = arith.mulf %sub3A_829, %mul3A_830 : vector<16xf32>
        %get3A_832 = arith.constant 256 : index
        %get3A_833 = tpu.vector_load %arg11[%get3A_832] {strides = array<i32>} : memref<768xf32, #tpu.memory_space<vmem>>, vector<16xf32>,
        %mul3A_834 = arith.mulf %mul3A_831, %get3A_833 : vector<16xf32>
        %get3A_835 = arith.constant 256 : index
        %get3A_836 = tpu.vector_load %arg12[%get3A_835] {strides = array<i32>} : memref<768xf32, #tpu.memory_space<vmem>>, vector<16xf32>,
        %add3A_837 = arith.addf %mul3A_834, %get3A_836 : vector<16xf32>
        %swap3A_838 = arith.index_cast %add3A_104 : i32 to index
        %swap3A_839 = arith.constant 256 : index
        %swap3A_840 = tpu.vector_load %arg17[%swap3A_838, %swap3A_839] {strides = array<i32>} : memref<16x768xf32, #tpu.memory_space<vmem>>, vector<16xf32>,
        tpu.vector_store %arg17[%swap3A_838, %swap3A_839], %add3A_837 {strides = array<i32>} : memref<16x768xf32, #tpu.memory_space<vmem>>, vector<16xf32>,
        %sub3A_841 = vector.broadcast %mul3A_586 : f32 to vector<16xf32>
        %sub3A_842 = arith.subf %add3A_276, %sub3A_841 : vector<16xf32>
        %mul3A_843 = vector.broadcast %mul3A_620 : f32 to vector<16xf32>
        %mul3A_844 = arith.mulf %sub3A_842, %mul3A_843 : vector<16xf32>
        %get3A_845 = arith.constant 272 : index
        %get3A_846 = tpu.vector_load %arg11[%get3A_845] {strides = array<i32>} : memref<768xf32, #tpu.memory_space<vmem>>, vector<16xf32>,
        %mul3A_847 = arith.mulf %mul3A_844, %get3A_846 : vector<16xf32>
        %get3A_848 = arith.constant 272 : index
        %get3A_849 = tpu.vector_load %arg12[%get3A_848] {strides = array<i32>} : memref<768xf32, #tpu.memory_space<vmem>>, vector<16xf32>,
        %add3A_850 = arith.addf %mul3A_847, %get3A_849 : vector<16xf32>
        %swap3A_851 = arith.index_cast %add3A_104 : i32 to index
        %swap3A_852 = arith.constant 272 : index
        %swap3A_853 = tpu.vector_load %arg17[%swap3A_851, %swap3A_852] {strides = array<i32>} : memref<16x768xf32, #tpu.memory_space<vmem>>, vector<16xf32>,
        tpu.vector_store %arg17[%swap3A_851, %swap3A_852], %add3A_850 {strides = array<i32>} : memref<16x768xf32, #tpu.memory_space<vmem>>, vector<16xf32>,
        %sub3A_854 = vector.broadcast %mul3A_586 : f32 to vector<16xf32>
        %sub3A_855 = arith.subf %add3A_286, %sub3A_854 : vector<16xf32>
        %mul3A_856 = vector.broadcast %mul3A_620 : f32 to vector<16xf32>
        %mul3A_857 = arith.mulf %sub3A_855, %mul3A_856 : vector<16xf32>
        %get3A_858 = arith.constant 288 : index
        %get3A_859 = tpu.vector_load %arg11[%get3A_858] {strides = array<i32>} : memref<768xf32, #tpu.memory_space<vmem>>, vector<16xf32>,
        %mul3A_860 = arith.mulf %mul3A_857, %get3A_859 : vector<16xf32>
        %get3A_861 = arith.constant 288 : index
        %get3A_862 = tpu.vector_load %arg12[%get3A_861] {strides = array<i32>} : memref<768xf32, #tpu.memory_space<vmem>>, vector<16xf32>,
        %add3A_863 = arith.addf %mul3A_860, %get3A_862 : vector<16xf32>
        %swap3A_864 = arith.index_cast %add3A_104 : i32 to index
        %swap3A_865 = arith.constant 288 : index
        %swap3A_866 = tpu.vector_load %arg17[%swap3A_864, %swap3A_865] {strides = array<i32>} : memref<16x768xf32, #tpu.memory_space<vmem>>, vector<16xf32>,
        tpu.vector_store %arg17[%swap3A_864, %swap3A_865], %add3A_863 {strides = array<i32>} : memref<16x768xf32, #tpu.memory_space<vmem>>, vector<16xf32>,
        %sub3A_867 = vector.broadcast %mul3A_586 : f32 to vector<16xf32>
        %sub3A_868 = arith.subf %add3A_296, %sub3A_867 : vector<16xf32>
        %mul3A_869 = vector.broadcast %mul3A_620 : f32 to vector<16xf32>
        %mul3A_870 = arith.mulf %sub3A_868, %mul3A_869 : vector<16xf32>
        %get3A_871 = arith.constant 304 : index
        %get3A_872 = tpu.vector_load %arg11[%get3A_871] {strides = array<i32>} : memref<768xf32, #tpu.memory_space<vmem>>, vector<16xf32>,
        %mul3A_873 = arith.mulf %mul3A_870, %get3A_872 : vector<16xf32>
        %get3A_874 = arith.constant 304 : index
        %get3A_875 = tpu.vector_load %arg12[%get3A_874] {strides = array<i32>} : memref<768xf32, #tpu.memory_space<vmem>>, vector<16xf32>,
        %add3A_876 = arith.addf %mul3A_873, %get3A_875 : vector<16xf32>
        %swap3A_877 = arith.index_cast %add3A_104 : i32 to index
        %swap3A_878 = arith.constant 304 : index
        %swap3A_879 = tpu.vector_load %arg17[%swap3A_877, %swap3A_878] {strides = array<i32>} : memref<16x768xf32, #tpu.memory_space<vmem>>, vector<16xf32>,
        tpu.vector_store %arg17[%swap3A_877, %swap3A_878], %add3A_876 {strides = array<i32>} : memref<16x768xf32, #tpu.memory_space<vmem>>, vector<16xf32>,
        %sub3A_880 = vector.broadcast %mul3A_586 : f32 to vector<16xf32>
        %sub3A_881 = arith.subf %add3A_306, %sub3A_880 : vector<16xf32>
        %mul3A_882 = vector.broadcast %mul3A_620 : f32 to vector<16xf32>
        %mul3A_883 = arith.mulf %sub3A_881, %mul3A_882 : vector<16xf32>
        %get3A_884 = arith.constant 320 : index
        %get3A_885 = tpu.vector_load %arg11[%get3A_884] {strides = array<i32>} : memref<768xf32, #tpu.memory_space<vmem>>, vector<16xf32>,
        %mul3A_886 = arith.mulf %mul3A_883, %get3A_885 : vector<16xf32>
        %get3A_887 = arith.constant 320 : index
        %get3A_888 = tpu.vector_load %arg12[%get3A_887] {strides = array<i32>} : memref<768xf32, #tpu.memory_space<vmem>>, vector<16xf32>,
        %add3A_889 = arith.addf %mul3A_886, %get3A_888 : vector<16xf32>
        %swap3A_890 = arith.index_cast %add3A_104 : i32 to index
        %swap3A_891 = arith.constant 320 : index
        %swap3A_892 = tpu.vector_load %arg17[%swap3A_890, %swap3A_891] {strides = array<i32>} : memref<16x768xf32, #tpu.memory_space<vmem>>, vector<16xf32>,
        tpu.vector_store %arg17[%swap3A_890, %swap3A_891], %add3A_889 {strides = array<i32>} : memref<16x768xf32, #tpu.memory_space<vmem>>, vector<16xf32>,
        %sub3A_893 = vector.broadcast %mul3A_586 : f32 to vector<16xf32>
        %sub3A_894 = arith.subf %add3A_316, %sub3A_893 : vector<16xf32>
        %mul3A_895 = vector.broadcast %mul3A_620 : f32 to vector<16xf32>
        %mul3A_896 = arith.mulf %sub3A_894, %mul3A_895 : vector<16xf32>
        %get3A_897 = arith.constant 336 : index
        %get3A_898 = tpu.vector_load %arg11[%get3A_897] {strides = array<i32>} : memref<768xf32, #tpu.memory_space<vmem>>, vector<16xf32>,
        %mul3A_899 = arith.mulf %mul3A_896, %get3A_898 : vector<16xf32>
        %get3A_900 = arith.constant 336 : index
        %get3A_901 = tpu.vector_load %arg12[%get3A_900] {strides = array<i32>} : memref<768xf32, #tpu.memory_space<vmem>>, vector<16xf32>,
        %add3A_902 = arith.addf %mul3A_899, %get3A_901 : vector<16xf32>
        %swap3A_903 = arith.index_cast %add3A_104 : i32 to index
        %swap3A_904 = arith.constant 336 : index
        %swap3A_905 = tpu.vector_load %arg17[%swap3A_903, %swap3A_904] {strides = array<i32>} : memref<16x768xf32, #tpu.memory_space<vmem>>, vector<16xf32>,
        tpu.vector_store %arg17[%swap3A_903, %swap3A_904], %add3A_902 {strides = array<i32>} : memref<16x768xf32, #tpu.memory_space<vmem>>, vector<16xf32>,
        %sub3A_906 = vector.broadcast %mul3A_586 : f32 to vector<16xf32>
        %sub3A_907 = arith.subf %add3A_326, %sub3A_906 : vector<16xf32>
        %mul3A_908 = vector.broadcast %mul3A_620 : f32 to vector<16xf32>
        %mul3A_909 = arith.mulf %sub3A_907, %mul3A_908 : vector<16xf32>
        %get3A_910 = arith.constant 352 : index
        %get3A_911 = tpu.vector_load %arg11[%get3A_910] {strides = array<i32>} : memref<768xf32, #tpu.memory_space<vmem>>, vector<16xf32>,
        %mul3A_912 = arith.mulf %mul3A_909, %get3A_911 : vector<16xf32>
        %get3A_913 = arith.constant 352 : index
        %get3A_914 = tpu.vector_load %arg12[%get3A_913] {strides = array<i32>} : memref<768xf32, #tpu.memory_space<vmem>>, vector<16xf32>,
        %add3A_915 = arith.addf %mul3A_912, %get3A_914 : vector<16xf32>
        %swap3A_916 = arith.index_cast %add3A_104 : i32 to index
        %swap3A_917 = arith.constant 352 : index
        %swap3A_918 = tpu.vector_load %arg17[%swap3A_916, %swap3A_917] {strides = array<i32>} : memref<16x768xf32, #tpu.memory_space<vmem>>, vector<16xf32>,
        tpu.vector_store %arg17[%swap3A_916, %swap3A_917], %add3A_915 {strides = array<i32>} : memref<16x768xf32, #tpu.memory_space<vmem>>, vector<16xf32>,
        %sub3A_919 = vector.broadcast %mul3A_586 : f32 to vector<16xf32>
        %sub3A_920 = arith.subf %add3A_336, %sub3A_919 : vector<16xf32>
        %mul3A_921 = vector.broadcast %mul3A_620 : f32 to vector<16xf32>
        %mul3A_922 = arith.mulf %sub3A_920, %mul3A_921 : vector<16xf32>
        %get3A_923 = arith.constant 368 : index
        %get3A_924 = tpu.vector_load %arg11[%get3A_923] {strides = array<i32>} : memref<768xf32, #tpu.memory_space<vmem>>, vector<16xf32>,
        %mul3A_925 = arith.mulf %mul3A_922, %get3A_924 : vector<16xf32>
        %get3A_926 = arith.constant 368 : index
        %get3A_927 = tpu.vector_load %arg12[%get3A_926] {strides = array<i32>} : memref<768xf32, #tpu.memory_space<vmem>>, vector<16xf32>,
        %add3A_928 = arith.addf %mul3A_925, %get3A_927 : vector<16xf32>
        %swap3A_929 = arith.index_cast %add3A_104 : i32 to index
        %swap3A_930 = arith.constant 368 : index
        %swap3A_931 = tpu.vector_load %arg17[%swap3A_929, %swap3A_930] {strides = array<i32>} : memref<16x768xf32, #tpu.memory_space<vmem>>, vector<16xf32>,
        tpu.vector_store %arg17[%swap3A_929, %swap3A_930], %add3A_928 {strides = array<i32>} : memref<16x768xf32, #tpu.memory_space<vmem>>, vector<16xf32>,
        %sub3A_932 = vector.broadcast %mul3A_586 : f32 to vector<16xf32>
        %sub3A_933 = arith.subf %add3A_346, %sub3A_932 : vector<16xf32>
        %mul3A_934 = vector.broadcast %mul3A_620 : f32 to vector<16xf32>
        %mul3A_935 = arith.mulf %sub3A_933, %mul3A_934 : vector<16xf32>
        %get3A_936 = arith.constant 384 : index
        %get3A_937 = tpu.vector_load %arg11[%get3A_936] {strides = array<i32>} : memref<768xf32, #tpu.memory_space<vmem>>, vector<16xf32>,
        %mul3A_938 = arith.mulf %mul3A_935, %get3A_937 : vector<16xf32>
        %get3A_939 = arith.constant 384 : index
        %get3A_940 = tpu.vector_load %arg12[%get3A_939] {strides = array<i32>} : memref<768xf32, #tpu.memory_space<vmem>>, vector<16xf32>,
        %add3A_941 = arith.addf %mul3A_938, %get3A_940 : vector<16xf32>
        %swap3A_942 = arith.index_cast %add3A_104 : i32 to index
        %swap3A_943 = arith.constant 384 : index
        %swap3A_944 = tpu.vector_load %arg17[%swap3A_942, %swap3A_943] {strides = array<i32>} : memref<16x768xf32, #tpu.memory_space<vmem>>, vector<16xf32>,
        tpu.vector_store %arg17[%swap3A_942, %swap3A_943], %add3A_941 {strides = array<i32>} : memref<16x768xf32, #tpu.memory_space<vmem>>, vector<16xf32>,
        %sub3A_945 = vector.broadcast %mul3A_586 : f32 to vector<16xf32>
        %sub3A_946 = arith.subf %add3A_356, %sub3A_945 : vector<16xf32>
        %mul3A_947 = vector.broadcast %mul3A_620 : f32 to vector<16xf32>
        %mul3A_948 = arith.mulf %sub3A_946, %mul3A_947 : vector<16xf32>
        %get3A_949 = arith.constant 400 : index
        %get3A_950 = tpu.vector_load %arg11[%get3A_949] {strides = array<i32>} : memref<768xf32, #tpu.memory_space<vmem>>, vector<16xf32>,
        %mul3A_951 = arith.mulf %mul3A_948, %get3A_950 : vector<16xf32>
        %get3A_952 = arith.constant 400 : index
        %get3A_953 = tpu.vector_load %arg12[%get3A_952] {strides = array<i32>} : memref<768xf32, #tpu.memory_space<vmem>>, vector<16xf32>,
        %add3A_954 = arith.addf %mul3A_951, %get3A_953 : vector<16xf32>
        %swap3A_955 = arith.index_cast %add3A_104 : i32 to index
        %swap3A_956 = arith.constant 400 : index
        %swap3A_957 = tpu.vector_load %arg17[%swap3A_955, %swap3A_956] {strides = array<i32>} : memref<16x768xf32, #tpu.memory_space<vmem>>, vector<16xf32>,
        tpu.vector_store %arg17[%swap3A_955, %swap3A_956], %add3A_954 {strides = array<i32>} : memref<16x768xf32, #tpu.memory_space<vmem>>, vector<16xf32>,
        %sub3A_958 = vector.broadcast %mul3A_586 : f32 to vector<16xf32>
        %sub3A_959 = arith.subf %add3A_366, %sub3A_958 : vector<16xf32>
        %mul3A_960 = vector.broadcast %mul3A_620 : f32 to vector<16xf32>
        %mul3A_961 = arith.mulf %sub3A_959, %mul3A_960 : vector<16xf32>
        %get3A_962 = arith.constant 416 : index
        %get3A_963 = tpu.vector_load %arg11[%get3A_962] {strides = array<i32>} : memref<768xf32, #tpu.memory_space<vmem>>, vector<16xf32>,
        %mul3A_964 = arith.mulf %mul3A_961, %get3A_963 : vector<16xf32>
        %get3A_965 = arith.constant 416 : index
        %get3A_966 = tpu.vector_load %arg12[%get3A_965] {strides = array<i32>} : memref<768xf32, #tpu.memory_space<vmem>>, vector<16xf32>,
        %add3A_967 = arith.addf %mul3A_964, %get3A_966 : vector<16xf32>
        %swap3A_968 = arith.index_cast %add3A_104 : i32 to index
        %swap3A_969 = arith.constant 416 : index
        %swap3A_970 = tpu.vector_load %arg17[%swap3A_968, %swap3A_969] {strides = array<i32>} : memref<16x768xf32, #tpu.memory_space<vmem>>, vector<16xf32>,
        tpu.vector_store %arg17[%swap3A_968, %swap3A_969], %add3A_967 {strides = array<i32>} : memref<16x768xf32, #tpu.memory_space<vmem>>, vector<16xf32>,
        %sub3A_971 = vector.broadcast %mul3A_586 : f32 to vector<16xf32>
        %sub3A_972 = arith.subf %add3A_376, %sub3A_971 : vector<16xf32>
        %mul3A_973 = vector.broadcast %mul3A_620 : f32 to vector<16xf32>
        %mul3A_974 = arith.mulf %sub3A_972, %mul3A_973 : vector<16xf32>
        %get3A_975 = arith.constant 432 : index
        %get3A_976 = tpu.vector_load %arg11[%get3A_975] {strides = array<i32>} : memref<768xf32, #tpu.memory_space<vmem>>, vector<16xf32>,
        %mul3A_977 = arith.mulf %mul3A_974, %get3A_976 : vector<16xf32>
        %get3A_978 = arith.constant 432 : index
        %get3A_979 = tpu.vector_load %arg12[%get3A_978] {strides = array<i32>} : memref<768xf32, #tpu.memory_space<vmem>>, vector<16xf32>,
        %add3A_980 = arith.addf %mul3A_977, %get3A_979 : vector<16xf32>
        %swap3A_981 = arith.index_cast %add3A_104 : i32 to index
        %swap3A_982 = arith.constant 432 : index
        %swap3A_983 = tpu.vector_load %arg17[%swap3A_981, %swap3A_982] {strides = array<i32>} : memref<16x768xf32, #tpu.memory_space<vmem>>, vector<16xf32>,
        tpu.vector_store %arg17[%swap3A_981, %swap3A_982], %add3A_980 {strides = array<i32>} : memref<16x768xf32, #tpu.memory_space<vmem>>, vector<16xf32>,
        %sub3A_984 = vector.broadcast %mul3A_586 : f32 to vector<16xf32>
        %sub3A_985 = arith.subf %add3A_386, %sub3A_984 : vector<16xf32>
        %mul3A_986 = vector.broadcast %mul3A_620 : f32 to vector<16xf32>
        %mul3A_987 = arith.mulf %sub3A_985, %mul3A_986 : vector<16xf32>
        %get3A_988 = arith.constant 448 : index
        %get3A_989 = tpu.vector_load %arg11[%get3A_988] {strides = array<i32>} : memref<768xf32, #tpu.memory_space<vmem>>, vector<16xf32>,
        %mul3A_990 = arith.mulf %mul3A_987, %get3A_989 : vector<16xf32>
        %get3A_991 = arith.constant 448 : index
        %get3A_992 = tpu.vector_load %arg12[%get3A_991] {strides = array<i32>} : memref<768xf32, #tpu.memory_space<vmem>>, vector<16xf32>,
        %add3A_993 = arith.addf %mul3A_990, %get3A_992 : vector<16xf32>
        %swap3A_994 = arith.index_cast %add3A_104 : i32 to index
        %swap3A_995 = arith.constant 448 : index
        %swap3A_996 = tpu.vector_load %arg17[%swap3A_994, %swap3A_995] {strides = array<i32>} : memref<16x768xf32, #tpu.memory_space<vmem>>, vector<16xf32>,
        tpu.vector_store %arg17[%swap3A_994, %swap3A_995], %add3A_993 {strides = array<i32>} : memref<16x768xf32, #tpu.memory_space<vmem>>, vector<16xf32>,
        %sub3A_997 = vector.broadcast %mul3A_586 : f32 to vector<16xf32>
        %sub3A_998 = arith.subf %add3A_396, %sub3A_997 : vector<16xf32>
        %mul3A_999 = vector.broadcast %mul3A_620 : f32 to vector<16xf32>
        %mul3A_1000 = arith.mulf %sub3A_998, %mul3A_999 : vector<16xf32>
        %get3A_1001 = arith.constant 464 : index
        %get3A_1002 = tpu.vector_load %arg11[%get3A_1001] {strides = array<i32>} : memref<768xf32, #tpu.memory_space<vmem>>, vector<16xf32>,
        %mul3A_1003 = arith.mulf %mul3A_1000, %get3A_1002 : vector<16xf32>
        %get3A_1004 = arith.constant 464 : index
        %get3A_1005 = tpu.vector_load %arg12[%get3A_1004] {strides = array<i32>} : memref<768xf32, #tpu.memory_space<vmem>>, vector<16xf32>,
        %add3A_1006 = arith.addf %mul3A_1003, %get3A_1005 : vector<16xf32>
        %swap3A_1007 = arith.index_cast %add3A_104 : i32 to index
        %swap3A_1008 = arith.constant 464 : index
        %swap3A_1009 = tpu.vector_load %arg17[%swap3A_1007, %swap3A_1008] {strides = array<i32>} : memref<16x768xf32, #tpu.memory_space<vmem>>, vector<16xf32>,
        tpu.vector_store %arg17[%swap3A_1007, %swap3A_1008], %add3A_1006 {strides = array<i32>} : memref<16x768xf32, #tpu.memory_space<vmem>>, vector<16xf32>,
        %sub3A_1010 = vector.broadcast %mul3A_586 : f32 to vector<16xf32>
        %sub3A_1011 = arith.subf %add3A_406, %sub3A_1010 : vector<16xf32>
        %mul3A_1012 = vector.broadcast %mul3A_620 : f32 to vector<16xf32>
        %mul3A_1013 = arith.mulf %sub3A_1011, %mul3A_1012 : vector<16xf32>
        %get3A_1014 = arith.constant 480 : index
        %get3A_1015 = tpu.vector_load %arg11[%get3A_1014] {strides = array<i32>} : memref<768xf32, #tpu.memory_space<vmem>>, vector<16xf32>,
        %mul3A_1016 = arith.mulf %mul3A_1013, %get3A_1015 : vector<16xf32>
        %get3A_1017 = arith.constant 480 : index
        %get3A_1018 = tpu.vector_load %arg12[%get3A_1017] {strides = array<i32>} : memref<768xf32, #tpu.memory_space<vmem>>, vector<16xf32>,
        %add3A_1019 = arith.addf %mul3A_1016, %get3A_1018 : vector<16xf32>
        %swap3A_1020 = arith.index_cast %add3A_104 : i32 to index
        %swap3A_1021 = arith.constant 480 : index
        %swap3A_1022 = tpu.vector_load %arg17[%swap3A_1020, %swap3A_1021] {strides = array<i32>} : memref<16x768xf32, #tpu.memory_space<vmem>>, vector<16xf32>,
        tpu.vector_store %arg17[%swap3A_1020, %swap3A_1021], %add3A_1019 {strides = array<i32>} : memref<16x768xf32, #tpu.memory_space<vmem>>, vector<16xf32>,
        %sub3A_1023 = vector.broadcast %mul3A_586 : f32 to vector<16xf32>
        %sub3A_1024 = arith.subf %add3A_416, %sub3A_1023 : vector<16xf32>
        %mul3A_1025 = vector.broadcast %mul3A_620 : f32 to vector<16xf32>
        %mul3A_1026 = arith.mulf %sub3A_1024, %mul3A_1025 : vector<16xf32>
        %get3A_1027 = arith.constant 496 : index
        %get3A_1028 = tpu.vector_load %arg11[%get3A_1027] {strides = array<i32>} : memref<768xf32, #tpu.memory_space<vmem>>, vector<16xf32>,
        %mul3A_1029 = arith.mulf %mul3A_1026, %get3A_1028 : vector<16xf32>
        %get3A_1030 = arith.constant 496 : index
        %get3A_1031 = tpu.vector_load %arg12[%get3A_1030] {strides = array<i32>} : memref<768xf32, #tpu.memory_space<vmem>>, vector<16xf32>,
        %add3A_1032 = arith.addf %mul3A_1029, %get3A_1031 : vector<16xf32>
        %swap3A_1033 = arith.index_cast %add3A_104 : i32 to index
        %swap3A_1034 = arith.constant 496 : index
        %swap3A_1035 = tpu.vector_load %arg17[%swap3A_1033, %swap3A_1034] {strides = array<i32>} : memref<16x768xf32, #tpu.memory_space<vmem>>, vector<16xf32>,
        tpu.vector_store %arg17[%swap3A_1033, %swap3A_1034], %add3A_1032 {strides = array<i32>} : memref<16x768xf32, #tpu.memory_space<vmem>>, vector<16xf32>,
        %sub3A_1036 = vector.broadcast %mul3A_586 : f32 to vector<16xf32>
        %sub3A_1037 = arith.subf %add3A_426, %sub3A_1036 : vector<16xf32>
        %mul3A_1038 = vector.broadcast %mul3A_620 : f32 to vector<16xf32>
        %mul3A_1039 = arith.mulf %sub3A_1037, %mul3A_1038 : vector<16xf32>
        %get3A_1040 = arith.constant 512 : index
        %get3A_1041 = tpu.vector_load %arg11[%get3A_1040] {strides = array<i32>} : memref<768xf32, #tpu.memory_space<vmem>>, vector<16xf32>,
        %mul3A_1042 = arith.mulf %mul3A_1039, %get3A_1041 : vector<16xf32>
        %get3A_1043 = arith.constant 512 : index
        %get3A_1044 = tpu.vector_load %arg12[%get3A_1043] {strides = array<i32>} : memref<768xf32, #tpu.memory_space<vmem>>, vector<16xf32>,
        %add3A_1045 = arith.addf %mul3A_1042, %get3A_1044 : vector<16xf32>
        %swap3A_1046 = arith.index_cast %add3A_104 : i32 to index
        %swap3A_1047 = arith.constant 512 : index
        %swap3A_1048 = tpu.vector_load %arg17[%swap3A_1046, %swap3A_1047] {strides = array<i32>} : memref<16x768xf32, #tpu.memory_space<vmem>>, vector<16xf32>,
        tpu.vector_store %arg17[%swap3A_1046, %swap3A_1047], %add3A_1045 {strides = array<i32>} : memref<16x768xf32, #tpu.memory_space<vmem>>, vector<16xf32>,
        %sub3A_1049 = vector.broadcast %mul3A_586 : f32 to vector<16xf32>
        %sub3A_1050 = arith.subf %add3A_436, %sub3A_1049 : vector<16xf32>
        %mul3A_1051 = vector.broadcast %mul3A_620 : f32 to vector<16xf32>
        %mul3A_1052 = arith.mulf %sub3A_1050, %mul3A_1051 : vector<16xf32>
        %get3A_1053 = arith.constant 528 : index
        %get3A_1054 = tpu.vector_load %arg11[%get3A_1053] {strides = array<i32>} : memref<768xf32, #tpu.memory_space<vmem>>, vector<16xf32>,
        %mul3A_1055 = arith.mulf %mul3A_1052, %get3A_1054 : vector<16xf32>
        %get3A_1056 = arith.constant 528 : index
        %get3A_1057 = tpu.vector_load %arg12[%get3A_1056] {strides = array<i32>} : memref<768xf32, #tpu.memory_space<vmem>>, vector<16xf32>,
        %add3A_1058 = arith.addf %mul3A_1055, %get3A_1057 : vector<16xf32>
        %swap3A_1059 = arith.index_cast %add3A_104 : i32 to index
        %swap3A_1060 = arith.constant 528 : index
        %swap3A_1061 = tpu.vector_load %arg17[%swap3A_1059, %swap3A_1060] {strides = array<i32>} : memref<16x768xf32, #tpu.memory_space<vmem>>, vector<16xf32>,
        tpu.vector_store %arg17[%swap3A_1059, %swap3A_1060], %add3A_1058 {strides = array<i32>} : memref<16x768xf32, #tpu.memory_space<vmem>>, vector<16xf32>,
        %sub3A_1062 = vector.broadcast %mul3A_586 : f32 to vector<16xf32>
        %sub3A_1063 = arith.subf %add3A_446, %sub3A_1062 : vector<16xf32>
        %mul3A_1064 = vector.broadcast %mul3A_620 : f32 to vector<16xf32>
        %mul3A_1065 = arith.mulf %sub3A_1063, %mul3A_1064 : vector<16xf32>
        %get3A_1066 = arith.constant 544 : index
        %get3A_1067 = tpu.vector_load %arg11[%get3A_1066] {strides = array<i32>} : memref<768xf32, #tpu.memory_space<vmem>>, vector<16xf32>,
        %mul3A_1068 = arith.mulf %mul3A_1065, %get3A_1067 : vector<16xf32>
        %get3A_1069 = arith.constant 544 : index
        %get3A_1070 = tpu.vector_load %arg12[%get3A_1069] {strides = array<i32>} : memref<768xf32, #tpu.memory_space<vmem>>, vector<16xf32>,
        %add3A_1071 = arith.addf %mul3A_1068, %get3A_1070 : vector<16xf32>
        %swap3A_1072 = arith.index_cast %add3A_104 : i32 to index
        %swap3A_1073 = arith.constant 544 : index
        %swap3A_1074 = tpu.vector_load %arg17[%swap3A_1072, %swap3A_1073] {strides = array<i32>} : memref<16x768xf32, #tpu.memory_space<vmem>>, vector<16xf32>,
        tpu.vector_store %arg17[%swap3A_1072, %swap3A_1073], %add3A_1071 {strides = array<i32>} : memref<16x768xf32, #tpu.memory_space<vmem>>, vector<16xf32>,
        %sub3A_1075 = vector.broadcast %mul3A_586 : f32 to vector<16xf32>
        %sub3A_1076 = arith.subf %add3A_456, %sub3A_1075 : vector<16xf32>
        %mul3A_1077 = vector.broadcast %mul3A_620 : f32 to vector<16xf32>
        %mul3A_1078 = arith.mulf %sub3A_1076, %mul3A_1077 : vector<16xf32>
        %get3A_1079 = arith.constant 560 : index
        %get3A_1080 = tpu.vector_load %arg11[%get3A_1079] {strides = array<i32>} : memref<768xf32, #tpu.memory_space<vmem>>, vector<16xf32>,
        %mul3A_1081 = arith.mulf %mul3A_1078, %get3A_1080 : vector<16xf32>
        %get3A_1082 = arith.constant 560 : index
        %get3A_1083 = tpu.vector_load %arg12[%get3A_1082] {strides = array<i32>} : memref<768xf32, #tpu.memory_space<vmem>>, vector<16xf32>,
        %add3A_1084 = arith.addf %mul3A_1081, %get3A_1083 : vector<16xf32>
        %swap3A_1085 = arith.index_cast %add3A_104 : i32 to index
        %swap3A_1086 = arith.constant 560 : index
        %swap3A_1087 = tpu.vector_load %arg17[%swap3A_1085, %swap3A_1086] {strides = array<i32>} : memref<16x768xf32, #tpu.memory_space<vmem>>, vector<16xf32>,
        tpu.vector_store %arg17[%swap3A_1085, %swap3A_1086], %add3A_1084 {strides = array<i32>} : memref<16x768xf32, #tpu.memory_space<vmem>>, vector<16xf32>,
        %sub3A_1088 = vector.broadcast %mul3A_586 : f32 to vector<16xf32>
        %sub3A_1089 = arith.subf %add3A_466, %sub3A_1088 : vector<16xf32>
        %mul3A_1090 = vector.broadcast %mul3A_620 : f32 to vector<16xf32>
        %mul3A_1091 = arith.mulf %sub3A_1089, %mul3A_1090 : vector<16xf32>
        %get3A_1092 = arith.constant 576 : index
        %get3A_1093 = tpu.vector_load %arg11[%get3A_1092] {strides = array<i32>} : memref<768xf32, #tpu.memory_space<vmem>>, vector<16xf32>,
        %mul3A_1094 = arith.mulf %mul3A_1091, %get3A_1093 : vector<16xf32>
        %get3A_1095 = arith.constant 576 : index
        %get3A_1096 = tpu.vector_load %arg12[%get3A_1095] {strides = array<i32>} : memref<768xf32, #tpu.memory_space<vmem>>, vector<16xf32>,
        %add3A_1097 = arith.addf %mul3A_1094, %get3A_1096 : vector<16xf32>
        %swap3A_1098 = arith.index_cast %add3A_104 : i32 to index
        %swap3A_1099 = arith.constant 576 : index
        %swap3A_1100 = tpu.vector_load %arg17[%swap3A_1098, %swap3A_1099] {strides = array<i32>} : memref<16x768xf32, #tpu.memory_space<vmem>>, vector<16xf32>,
        tpu.vector_store %arg17[%swap3A_1098, %swap3A_1099], %add3A_1097 {strides = array<i32>} : memref<16x768xf32, #tpu.memory_space<vmem>>, vector<16xf32>,
        %sub3A_1101 = vector.broadcast %mul3A_586 : f32 to vector<16xf32>
        %sub3A_1102 = arith.subf %add3A_476, %sub3A_1101 : vector<16xf32>
        %mul3A_1103 = vector.broadcast %mul3A_620 : f32 to vector<16xf32>
        %mul3A_1104 = arith.mulf %sub3A_1102, %mul3A_1103 : vector<16xf32>
        %get3A_1105 = arith.constant 592 : index
        %get3A_1106 = tpu.vector_load %arg11[%get3A_1105] {strides = array<i32>} : memref<768xf32, #tpu.memory_space<vmem>>, vector<16xf32>,
        %mul3A_1107 = arith.mulf %mul3A_1104, %get3A_1106 : vector<16xf32>
        %get3A_1108 = arith.constant 592 : index
        %get3A_1109 = tpu.vector_load %arg12[%get3A_1108] {strides = array<i32>} : memref<768xf32, #tpu.memory_space<vmem>>, vector<16xf32>,
        %add3A_1110 = arith.addf %mul3A_1107, %get3A_1109 : vector<16xf32>
        %swap3A_1111 = arith.index_cast %add3A_104 : i32 to index
        %swap3A_1112 = arith.constant 592 : index
        %swap3A_1113 = tpu.vector_load %arg17[%swap3A_1111, %swap3A_1112] {strides = array<i32>} : memref<16x768xf32, #tpu.memory_space<vmem>>, vector<16xf32>,
        tpu.vector_store %arg17[%swap3A_1111, %swap3A_1112], %add3A_1110 {strides = array<i32>} : memref<16x768xf32, #tpu.memory_space<vmem>>, vector<16xf32>,
        %sub3A_1114 = vector.broadcast %mul3A_586 : f32 to vector<16xf32>
        %sub3A_1115 = arith.subf %add3A_486, %sub3A_1114 : vector<16xf32>
        %mul3A_1116 = vector.broadcast %mul3A_620 : f32 to vector<16xf32>
        %mul3A_1117 = arith.mulf %sub3A_1115, %mul3A_1116 : vector<16xf32>
        %get3A_1118 = arith.constant 608 : index
        %get3A_1119 = tpu.vector_load %arg11[%get3A_1118] {strides = array<i32>} : memref<768xf32, #tpu.memory_space<vmem>>, vector<16xf32>,
        %mul3A_1120 = arith.mulf %mul3A_1117, %get3A_1119 : vector<16xf32>
        %get3A_1121 = arith.constant 608 : index
        %get3A_1122 = tpu.vector_load %arg12[%get3A_1121] {strides = array<i32>} : memref<768xf32, #tpu.memory_space<vmem>>, vector<16xf32>,
        %add3A_1123 = arith.addf %mul3A_1120, %get3A_1122 : vector<16xf32>
        %swap3A_1124 = arith.index_cast %add3A_104 : i32 to index
        %swap3A_1125 = arith.constant 608 : index
        %swap3A_1126 = tpu.vector_load %arg17[%swap3A_1124, %swap3A_1125] {strides = array<i32>} : memref<16x768xf32, #tpu.memory_space<vmem>>, vector<16xf32>,
        tpu.vector_store %arg17[%swap3A_1124, %swap3A_1125], %add3A_1123 {strides = array<i32>} : memref<16x768xf32, #tpu.memory_space<vmem>>, vector<16xf32>,
        %sub3A_1127 = vector.broadcast %mul3A_586 : f32 to vector<16xf32>
        %sub3A_1128 = arith.subf %add3A_496, %sub3A_1127 : vector<16xf32>
        %mul3A_1129 = vector.broadcast %mul3A_620 : f32 to vector<16xf32>
        %mul3A_1130 = arith.mulf %sub3A_1128, %mul3A_1129 : vector<16xf32>
        %get3A_1131 = arith.constant 624 : index
        %get3A_1132 = tpu.vector_load %arg11[%get3A_1131] {strides = array<i32>} : memref<768xf32, #tpu.memory_space<vmem>>, vector<16xf32>,
        %mul3A_1133 = arith.mulf %mul3A_1130, %get3A_1132 : vector<16xf32>
        %get3A_1134 = arith.constant 624 : index
        %get3A_1135 = tpu.vector_load %arg12[%get3A_1134] {strides = array<i32>} : memref<768xf32, #tpu.memory_space<vmem>>, vector<16xf32>,
        %add3A_1136 = arith.addf %mul3A_1133, %get3A_1135 : vector<16xf32>
        %swap3A_1137 = arith.index_cast %add3A_104 : i32 to index
        %swap3A_1138 = arith.constant 624 : index
        %swap3A_1139 = tpu.vector_load %arg17[%swap3A_1137, %swap3A_1138] {strides = array<i32>} : memref<16x768xf32, #tpu.memory_space<vmem>>, vector<16xf32>,
        tpu.vector_store %arg17[%swap3A_1137, %swap3A_1138], %add3A_1136 {strides = array<i32>} : memref<16x768xf32, #tpu.memory_space<vmem>>, vector<16xf32>,
        %sub3A_1140 = vector.broadcast %mul3A_586 : f32 to vector<16xf32>
        %sub3A_1141 = arith.subf %add3A_506, %sub3A_1140 : vector<16xf32>
        %mul3A_1142 = vector.broadcast %mul3A_620 : f32 to vector<16xf32>
        %mul3A_1143 = arith.mulf %sub3A_1141, %mul3A_1142 : vector<16xf32>
        %get3A_1144 = arith.constant 640 : index
        %get3A_1145 = tpu.vector_load %arg11[%get3A_1144] {strides = array<i32>} : memref<768xf32, #tpu.memory_space<vmem>>, vector<16xf32>,
        %mul3A_1146 = arith.mulf %mul3A_1143, %get3A_1145 : vector<16xf32>
        %get3A_1147 = arith.constant 640 : index
        %get3A_1148 = tpu.vector_load %arg12[%get3A_1147] {strides = array<i32>} : memref<768xf32, #tpu.memory_space<vmem>>, vector<16xf32>,
        %add3A_1149 = arith.addf %mul3A_1146, %get3A_1148 : vector<16xf32>
        %swap3A_1150 = arith.index_cast %add3A_104 : i32 to index
        %swap3A_1151 = arith.constant 640 : index
        %swap3A_1152 = tpu.vector_load %arg17[%swap3A_1150, %swap3A_1151] {strides = array<i32>} : memref<16x768xf32, #tpu.memory_space<vmem>>, vector<16xf32>,
        tpu.vector_store %arg17[%swap3A_1150, %swap3A_1151], %add3A_1149 {strides = array<i32>} : memref<16x768xf32, #tpu.memory_space<vmem>>, vector<16xf32>,
        %sub3A_1153 = vector.broadcast %mul3A_586 : f32 to vector<16xf32>
        %sub3A_1154 = arith.subf %add3A_516, %sub3A_1153 : vector<16xf32>
        %mul3A_1155 = vector.broadcast %mul3A_620 : f32 to vector<16xf32>
        %mul3A_1156 = arith.mulf %sub3A_1154, %mul3A_1155 : vector<16xf32>
        %get3A_1157 = arith.constant 656 : index
        %get3A_1158 = tpu.vector_load %arg11[%get3A_1157] {strides = array<i32>} : memref<768xf32, #tpu.memory_space<vmem>>, vector<16xf32>,
        %mul3A_1159 = arith.mulf %mul3A_1156, %get3A_1158 : vector<16xf32>
        %get3A_1160 = arith.constant 656 : index
        %get3A_1161 = tpu.vector_load %arg12[%get3A_1160] {strides = array<i32>} : memref<768xf32, #tpu.memory_space<vmem>>, vector<16xf32>,
        %add3A_1162 = arith.addf %mul3A_1159, %get3A_1161 : vector<16xf32>
        %swap3A_1163 = arith.index_cast %add3A_104 : i32 to index
        %swap3A_1164 = arith.constant 656 : index
        %swap3A_1165 = tpu.vector_load %arg17[%swap3A_1163, %swap3A_1164] {strides = array<i32>} : memref<16x768xf32, #tpu.memory_space<vmem>>, vector<16xf32>,
        tpu.vector_store %arg17[%swap3A_1163, %swap3A_1164], %add3A_1162 {strides = array<i32>} : memref<16x768xf32, #tpu.memory_space<vmem>>, vector<16xf32>,
        %sub3A_1166 = vector.broadcast %mul3A_586 : f32 to vector<16xf32>
        %sub3A_1167 = arith.subf %add3A_526, %sub3A_1166 : vector<16xf32>
        %mul3A_1168 = vector.broadcast %mul3A_620 : f32 to vector<16xf32>
        %mul3A_1169 = arith.mulf %sub3A_1167, %mul3A_1168 : vector<16xf32>
        %get3A_1170 = arith.constant 672 : index
        %get3A_1171 = tpu.vector_load %arg11[%get3A_1170] {strides = array<i32>} : memref<768xf32, #tpu.memory_space<vmem>>, vector<16xf32>,
        %mul3A_1172 = arith.mulf %mul3A_1169, %get3A_1171 : vector<16xf32>
        %get3A_1173 = arith.constant 672 : index
        %get3A_1174 = tpu.vector_load %arg12[%get3A_1173] {strides = array<i32>} : memref<768xf32, #tpu.memory_space<vmem>>, vector<16xf32>,
        %add3A_1175 = arith.addf %mul3A_1172, %get3A_1174 : vector<16xf32>
        %swap3A_1176 = arith.index_cast %add3A_104 : i32 to index
        %swap3A_1177 = arith.constant 672 : index
        %swap3A_1178 = tpu.vector_load %arg17[%swap3A_1176, %swap3A_1177] {strides = array<i32>} : memref<16x768xf32, #tpu.memory_space<vmem>>, vector<16xf32>,
        tpu.vector_store %arg17[%swap3A_1176, %swap3A_1177], %add3A_1175 {strides = array<i32>} : memref<16x768xf32, #tpu.memory_space<vmem>>, vector<16xf32>,
        %sub3A_1179 = vector.broadcast %mul3A_586 : f32 to vector<16xf32>
        %sub3A_1180 = arith.subf %add3A_536, %sub3A_1179 : vector<16xf32>
        %mul3A_1181 = vector.broadcast %mul3A_620 : f32 to vector<16xf32>
        %mul3A_1182 = arith.mulf %sub3A_1180, %mul3A_1181 : vector<16xf32>
        %get3A_1183 = arith.constant 688 : index
        %get3A_1184 = tpu.vector_load %arg11[%get3A_1183] {strides = array<i32>} : memref<768xf32, #tpu.memory_space<vmem>>, vector<16xf32>,
        %mul3A_1185 = arith.mulf %mul3A_1182, %get3A_1184 : vector<16xf32>
        %get3A_1186 = arith.constant 688 : index
        %get3A_1187 = tpu.vector_load %arg12[%get3A_1186] {strides = array<i32>} : memref<768xf32, #tpu.memory_space<vmem>>, vector<16xf32>,
        %add3A_1188 = arith.addf %mul3A_1185, %get3A_1187 : vector<16xf32>
        %swap3A_1189 = arith.index_cast %add3A_104 : i32 to index
        %swap3A_1190 = arith.constant 688 : index
        %swap3A_1191 = tpu.vector_load %arg17[%swap3A_1189, %swap3A_1190] {strides = array<i32>} : memref<16x768xf32, #tpu.memory_space<vmem>>, vector<16xf32>,
        tpu.vector_store %arg17[%swap3A_1189, %swap3A_1190], %add3A_1188 {strides = array<i32>} : memref<16x768xf32, #tpu.memory_space<vmem>>, vector<16xf32>,
        %sub3A_1192 = vector.broadcast %mul3A_586 : f32 to vector<16xf32>
        %sub3A_1193 = arith.subf %add3A_546, %sub3A_1192 : vector<16xf32>
        %mul3A_1194 = vector.broadcast %mul3A_620 : f32 to vector<16xf32>
        %mul3A_1195 = arith.mulf %sub3A_1193, %mul3A_1194 : vector<16xf32>
        %get3A_1196 = arith.constant 704 : index
        %get3A_1197 = tpu.vector_load %arg11[%get3A_1196] {strides = array<i32>} : memref<768xf32, #tpu.memory_space<vmem>>, vector<16xf32>,
        %mul3A_1198 = arith.mulf %mul3A_1195, %get3A_1197 : vector<16xf32>
        %get3A_1199 = arith.constant 704 : index
        %get3A_1200 = tpu.vector_load %arg12[%get3A_1199] {strides = array<i32>} : memref<768xf32, #tpu.memory_space<vmem>>, vector<16xf32>,
        %add3A_1201 = arith.addf %mul3A_1198, %get3A_1200 : vector<16xf32>
        %swap3A_1202 = arith.index_cast %add3A_104 : i32 to index
        %swap3A_1203 = arith.constant 704 : index
        %swap3A_1204 = tpu.vector_load %arg17[%swap3A_1202, %swap3A_1203] {strides = array<i32>} : memref<16x768xf32, #tpu.memory_space<vmem>>, vector<16xf32>,
        tpu.vector_store %arg17[%swap3A_1202, %swap3A_1203], %add3A_1201 {strides = array<i32>} : memref<16x768xf32, #tpu.memory_space<vmem>>, vector<16xf32>,
        %sub3A_1205 = vector.broadcast %mul3A_586 : f32 to vector<16xf32>
        %sub3A_1206 = arith.subf %add3A_556, %sub3A_1205 : vector<16xf32>
        %mul3A_1207 = vector.broadcast %mul3A_620 : f32 to vector<16xf32>
        %mul3A_1208 = arith.mulf %sub3A_1206, %mul3A_1207 : vector<16xf32>
        %get3A_1209 = arith.constant 720 : index
        %get3A_1210 = tpu.vector_load %arg11[%get3A_1209] {strides = array<i32>} : memref<768xf32, #tpu.memory_space<vmem>>, vector<16xf32>,
        %mul3A_1211 = arith.mulf %mul3A_1208, %get3A_1210 : vector<16xf32>
        %get3A_1212 = arith.constant 720 : index
        %get3A_1213 = tpu.vector_load %arg12[%get3A_1212] {strides = array<i32>} : memref<768xf32, #tpu.memory_space<vmem>>, vector<16xf32>,
        %add3A_1214 = arith.addf %mul3A_1211, %get3A_1213 : vector<16xf32>
        %swap3A_1215 = arith.index_cast %add3A_104 : i32 to index
        %swap3A_1216 = arith.constant 720 : index
        %swap3A_1217 = tpu.vector_load %arg17[%swap3A_1215, %swap3A_1216] {strides = array<i32>} : memref<16x768xf32, #tpu.memory_space<vmem>>, vector<16xf32>,
        tpu.vector_store %arg17[%swap3A_1215, %swap3A_1216], %add3A_1214 {strides = array<i32>} : memref<16x768xf32, #tpu.memory_space<vmem>>, vector<16xf32>,
        %sub3A_1218 = vector.broadcast %mul3A_586 : f32 to vector<16xf32>
        %sub3A_1219 = arith.subf %add3A_566, %sub3A_1218 : vector<16xf32>
        %mul3A_1220 = vector.broadcast %mul3A_620 : f32 to vector<16xf32>
        %mul3A_1221 = arith.mulf %sub3A_1219, %mul3A_1220 : vector<16xf32>
        %get3A_1222 = arith.constant 736 : index
        %get3A_1223 = tpu.vector_load %arg11[%get3A_1222] {strides = array<i32>} : memref<768xf32, #tpu.memory_space<vmem>>, vector<16xf32>,
        %mul3A_1224 = arith.mulf %mul3A_1221, %get3A_1223 : vector<16xf32>
        %get3A_1225 = arith.constant 736 : index
        %get3A_1226 = tpu.vector_load %arg12[%get3A_1225] {strides = array<i32>} : memref<768xf32, #tpu.memory_space<vmem>>, vector<16xf32>,
        %add3A_1227 = arith.addf %mul3A_1224, %get3A_1226 : vector<16xf32>
        %swap3A_1228 = arith.index_cast %add3A_104 : i32 to index
        %swap3A_1229 = arith.constant 736 : index
        %swap3A_1230 = tpu.vector_load %arg17[%swap3A_1228, %swap3A_1229] {strides = array<i32>} : memref<16x768xf32, #tpu.memory_space<vmem>>, vector<16xf32>,
        tpu.vector_store %arg17[%swap3A_1228, %swap3A_1229], %add3A_1227 {strides = array<i32>} : memref<16x768xf32, #tpu.memory_space<vmem>>, vector<16xf32>,
        %sub3A_1231 = vector.broadcast %mul3A_586 : f32 to vector<16xf32>
        %sub3A_1232 = arith.subf %add3A_576, %sub3A_1231 : vector<16xf32>
        %mul3A_1233 = vector.broadcast %mul3A_620 : f32 to vector<16xf32>
        %mul3A_1234 = arith.mulf %sub3A_1232, %mul3A_1233 : vector<16xf32>
        %get3A_1235 = arith.constant 752 : index
        %get3A_1236 = tpu.vector_load %arg11[%get3A_1235] {strides = array<i32>} : memref<768xf32, #tpu.memory_space<vmem>>, vector<16xf32>,
        %mul3A_1237 = arith.mulf %mul3A_1234, %get3A_1236 : vector<16xf32>
        %get3A_1238 = arith.constant 752 : index
        %get3A_1239 = tpu.vector_load %arg12[%get3A_1238] {strides = array<i32>} : memref<768xf32, #tpu.memory_space<vmem>>, vector<16xf32>,
        %add3A_1240 = arith.addf %mul3A_1237, %get3A_1239 : vector<16xf32>
        %swap3A_1241 = arith.index_cast %add3A_104 : i32 to index
        %swap3A_1242 = arith.constant 752 : index
        %swap3A_1243 = tpu.vector_load %arg17[%swap3A_1241, %swap3A_1242] {strides = array<i32>} : memref<16x768xf32, #tpu.memory_space<vmem>>, vector<16xf32>,
        tpu.vector_store %arg17[%swap3A_1241, %swap3A_1242], %add3A_1240 {strides = array<i32>} : memref<16x768xf32, #tpu.memory_space<vmem>>, vector<16xf32>,
      }
      %scan3A_56 = arith.constant 16 : i32
      %mul3A_57 = arith.constant 16 : i32
      %mul3A_58 = arith.muli %add3A_33, %mul3A_57 : i32
      %add3A_59 = arith.addi %mul3A_2, %mul3A_58 : i32
      %dma_start3A_60 = arith.constant 0 : i32
      %dma_start3A_61 = tpu.memref_slice %arg8[%add3A_59, %dma_start3A_60] : memref<65536x768xf32, #tpu.memory_space<hbm>> -> memref<16x768xf32, #tpu.memory_space<hbm>>
      %dma_start3A_62 = arith.constant 0 : i32
      %dma_start3A_63 = tpu.memref_slice %arg8[%add3A_59, %dma_start3A_62] : memref<65536x768xf32, #tpu.memory_space<hbm>> -> memref<16x768xf32, #tpu.memory_space<hbm>>
      tpu.enqueue_dma source(%arg17 : memref<16x768xf32, #tpu.memory_space<vmem>>) target(%dma_start3A_63 : memref<16x768xf32, #tpu.memory_space<hbm>>) target_semaphore(%arg23 : memref<!tpu.dma_semaphore, #tpu.memory_space<semaphore_mem>>)
      %add3A_64 = arith.constant 1 : i32
      %add3A_65 = arith.addi %add3A_31, %add3A_64 : i32
      %add3A_66 = arith.constant 1 : i32
      %add3A_67 = arith.addi %add3A_65, %add3A_66 : i32
      %lt3A_68 = arith.constant 128 : i32
      %lt3A_69 = arith.cmpi slt, %add3A_67, %lt3A_68 : i32
      %convert_element_type3A_70 = arith.extui %lt3A_69 : i1 to i32
      %cond3A_71 = arith.constant 0 : i32
      %cond3A_72 = arith.cmpi ne, %convert_element_type3A_70, %cond3A_71 : i32
      scf.if %cond3A_72 {
        %add3A_100 = arith.constant 1 : i32
        %add3A_101 = arith.addi %add3A_65, %add3A_100 : i32
        %mul3A_102 = arith.constant 16 : i32
        %mul3A_103 = arith.muli %add3A_101, %mul3A_102 : i32
        %dma_start3A_104 = tpu.memref_slice %arg9[%mul3A_103] : memref<2048xi32, #tpu.memory_space<vmem>> -> memref<16xi32, #tpu.memory_space<vmem>>
        %dma_start3A_105 = arith.constant 0 : i32
        %dma_start3A_106 = arith.constant 0 : i32
        %dma_start3A_107 = tpu.memref_slice %arg4[%dma_start3A_105, %dma_start3A_106] : memref<30522x768xf32, #tpu.memory_space<hbm>> -> memref<30522x768xf32, #tpu.memory_space<hbm>>
        tpu.enqueue_indirect_dma source(%dma_start3A_107 : memref<30522x768xf32, #tpu.memory_space<hbm>>) target(%arg13 : memref<16x768xf32, #tpu.memory_space<vmem>>) offsets(%dma_start3A_104 : memref<16xi32, #tpu.memory_space<vmem>>) semaphore(%arg19 : memref<!tpu.dma_semaphore, #tpu.memory_space<semaphore_mem>>)
        %dma_start3A_108 = tpu.memref_slice %arg10[%mul3A_103] : memref<2048xi32, #tpu.memory_space<vmem>> -> memref<16xi32, #tpu.memory_space<vmem>>
        %dma_start3A_109 = arith.constant 0 : i32
        %dma_start3A_110 = arith.constant 0 : i32
        %dma_start3A_111 = tpu.memref_slice %arg5[%dma_start3A_109, %dma_start3A_110] : memref<1024x768xf32, #tpu.memory_space<hbm>> -> memref<1024x768xf32, #tpu.memory_space<hbm>>
        tpu.enqueue_indirect_dma source(%dma_start3A_111 : memref<1024x768xf32, #tpu.memory_space<hbm>>) target(%arg15 : memref<16x768xf32, #tpu.memory_space<vmem>>) offsets(%dma_start3A_108 : memref<16xi32, #tpu.memory_space<vmem>>) semaphore(%arg21 : memref<!tpu.dma_semaphore, #tpu.memory_space<semaphore_mem>>)
      } else {
      }
      %mul3A_73 = arith.constant 16 : i32
      %mul3A_74 = arith.muli %add3A_65, %mul3A_73 : i32
      %dma_wait3A_75 = tpu.memref_slice %arg9[%mul3A_74] : memref<2048xi32, #tpu.memory_space<vmem>> -> memref<16xi32, #tpu.memory_space<vmem>>
      %dma_wait3A_76 = arith.constant 0 : i32
      %dma_wait3A_77 = arith.constant 0 : i32
      %dma_wait3A_78 = tpu.memref_slice %arg4[%dma_wait3A_76, %dma_wait3A_77] : memref<30522x768xf32, #tpu.memory_space<hbm>> -> memref<30522x768xf32, #tpu.memory_space<hbm>>
      tpu.wait_indirect_dma semaphore(%arg20 : memref<!tpu.dma_semaphore, #tpu.memory_space<semaphore_mem>>) src(%dma_wait3A_78 : memref<30522x768xf32, #tpu.memory_space<hbm>>) dst(%arg14 : memref<16x768xf32, #tpu.memory_space<vmem>>)
      %dma_wait3A_79 = tpu.memref_slice %arg10[%mul3A_74] : memref<2048xi32, #tpu.memory_space<vmem>> -> memref<16xi32, #tpu.memory_space<vmem>>
      %dma_wait3A_80 = arith.constant 0 : i32
      %dma_wait3A_81 = arith.constant 0 : i32
      %dma_wait3A_82 = tpu.memref_slice %arg5[%dma_wait3A_80, %dma_wait3A_81] : memref<1024x768xf32, #tpu.memory_space<hbm>> -> memref<1024x768xf32, #tpu.memory_space<hbm>>
      tpu.wait_indirect_dma semaphore(%arg22 : memref<!tpu.dma_semaphore, #tpu.memory_space<semaphore_mem>>) src(%dma_wait3A_82 : memref<1024x768xf32, #tpu.memory_space<hbm>>) dst(%arg16 : memref<16x768xf32, #tpu.memory_space<vmem>>)
      %ge3A_83 = arith.constant 2 : i32
      %ge3A_84 = arith.cmpi sge, %add3A_65, %ge3A_83 : i32
      %convert_element_type3A_85 = arith.extui %ge3A_84 : i1 to i32
      %cond3A_86 = arith.constant 0 : i32
      %cond3A_87 = arith.cmpi ne, %convert_element_type3A_85, %cond3A_86 : i32
      scf.if %cond3A_87 {
        %sub3A = arith.constant 2 : i32
        %sub3A_100 = arith.subi %add3A_65, %sub3A : i32
        %mul3A_101 = arith.constant 16 : i32
        %mul3A_102 = arith.muli %sub3A_100, %mul3A_101 : i32
        %add3A_103 = arith.addi %mul3A_2, %mul3A_102 : i32
        %dma_wait3A_104 = arith.constant 0 : i32
        %dma_wait3A_105 = tpu.memref_slice %arg8[%add3A_103, %dma_wait3A_104] : memref<65536x768xf32, #tpu.memory_space<hbm>> -> memref<16x768xf32, #tpu.memory_space<hbm>>
        %dma_wait3A_106 = arith.constant 0 : i32
        %dma_wait3A_107 = tpu.memref_slice %arg8[%add3A_103, %dma_wait3A_106] : memref<65536x768xf32, #tpu.memory_space<hbm>> -> memref<16x768xf32, #tpu.memory_space<hbm>>
        tpu.wait_dma2 semaphore(%arg24 : memref<!tpu.dma_semaphore, #tpu.memory_space<semaphore_mem>>) src(%arg18 : memref<16x768xf32, #tpu.memory_space<vmem>>) dst(%dma_wait3A_107 : memref<16x768xf32, #tpu.memory_space<hbm>>)
      } else {
      }
      %scan3A_88 = arith.constant 0 : i32
      %scan3A_89 = arith.constant 16 : i32
      %scan3A_90 = arith.addi %scan3A_88, %scan3A_89 : i32
      %scan3A_91 = arith.constant 1 : i32
      scf.for %scan3A_100 = %scan3A_88 to %scan3A_90 step %scan3A_91  : i32 {
        %mul3A_101 = arith.constant 1 : i32
        %mul3A_102 = arith.muli %scan3A_100, %mul3A_101 : i32
        %add3A_103 = arith.constant 0 : i32
        %add3A_104 = arith.addi %add3A_103, %mul3A_102 : i32
        %get3A = arith.index_cast %add3A_104 : i32 to index
        %get3A_105 = arith.constant 0 : index
        %get3A_106 = tpu.vector_load %arg14[%get3A, %get3A_105] {strides = array<i32>} : memref<16x768xf32, #tpu.memory_space<vmem>>, vector<16xf32>,
        %get3A_107 = arith.index_cast %add3A_104 : i32 to index
        %get3A_108 = arith.constant 0 : index
        %get3A_109 = tpu.vector_load %arg16[%get3A_107, %get3A_108] {strides = array<i32>} : memref<16x768xf32, #tpu.memory_space<vmem>>, vector<16xf32>,
        %add3A_110 = arith.addf %get3A_106, %get3A_109 : vector<16xf32>
        %mul3A_111 = arith.mulf %add3A_110, %add3A_110 : vector<16xf32>
        %get3A_112 = arith.index_cast %add3A_104 : i32 to index
        %get3A_113 = arith.constant 16 : index
        %get3A_114 = tpu.vector_load %arg14[%get3A_112, %get3A_113] {strides = array<i32>} : memref<16x768xf32, #tpu.memory_space<vmem>>, vector<16xf32>,
        %get3A_115 = arith.index_cast %add3A_104 : i32 to index
        %get3A_116 = arith.constant 16 : index
        %get3A_117 = tpu.vector_load %arg16[%get3A_115, %get3A_116] {strides = array<i32>} : memref<16x768xf32, #tpu.memory_space<vmem>>, vector<16xf32>,
        %add3A_118 = arith.addf %get3A_114, %get3A_117 : vector<16xf32>
        %mul3A_119 = arith.mulf %add3A_118, %add3A_118 : vector<16xf32>
        %get3A_120 = arith.index_cast %add3A_104 : i32 to index
        %get3A_121 = arith.constant 32 : index
        %get3A_122 = tpu.vector_load %arg14[%get3A_120, %get3A_121] {strides = array<i32>} : memref<16x768xf32, #tpu.memory_space<vmem>>, vector<16xf32>,
        %get3A_123 = arith.index_cast %add3A_104 : i32 to index
        %get3A_124 = arith.constant 32 : index
        %get3A_125 = tpu.vector_load %arg16[%get3A_123, %get3A_124] {strides = array<i32>} : memref<16x768xf32, #tpu.memory_space<vmem>>, vector<16xf32>,
        %add3A_126 = arith.addf %get3A_122, %get3A_125 : vector<16xf32>
        %mul3A_127 = arith.mulf %add3A_126, %add3A_126 : vector<16xf32>
        %add3A_128 = arith.addf %add3A_110, %add3A_126 : vector<16xf32>
        %add3A_129 = arith.addf %mul3A_111, %mul3A_127 : vector<16xf32>
        %get3A_130 = arith.index_cast %add3A_104 : i32 to index
        %get3A_131 = arith.constant 48 : index
        %get3A_132 = tpu.vector_load %arg14[%get3A_130, %get3A_131] {strides = array<i32>} : memref<16x768xf32, #tpu.memory_space<vmem>>, vector<16xf32>,
        %get3A_133 = arith.index_cast %add3A_104 : i32 to index
        %get3A_134 = arith.constant 48 : index
        %get3A_135 = tpu.vector_load %arg16[%get3A_133, %get3A_134] {strides = array<i32>} : memref<16x768xf32, #tpu.memory_space<vmem>>, vector<16xf32>,
        %add3A_136 = arith.addf %get3A_132, %get3A_135 : vector<16xf32>
        %mul3A_137 = arith.mulf %add3A_136, %add3A_136 : vector<16xf32>
        %add3A_138 = arith.addf %add3A_118, %add3A_136 : vector<16xf32>
        %add3A_139 = arith.addf %mul3A_119, %mul3A_137 : vector<16xf32>
        %get3A_140 = arith.index_cast %add3A_104 : i32 to index
        %get3A_141 = arith.constant 64 : index
        %get3A_142 = tpu.vector_load %arg14[%get3A_140, %get3A_141] {strides = array<i32>} : memref<16x768xf32, #tpu.memory_space<vmem>>, vector<16xf32>,
        %get3A_143 = arith.index_cast %add3A_104 : i32 to index
        %get3A_144 = arith.constant 64 : index
        %get3A_145 = tpu.vector_load %arg16[%get3A_143, %get3A_144] {strides = array<i32>} : memref<16x768xf32, #tpu.memory_space<vmem>>, vector<16xf32>,
        %add3A_146 = arith.addf %get3A_142, %get3A_145 : vector<16xf32>
        %mul3A_147 = arith.mulf %add3A_146, %add3A_146 : vector<16xf32>
        %add3A_148 = arith.addf %add3A_128, %add3A_146 : vector<16xf32>
        %add3A_149 = arith.addf %add3A_129, %mul3A_147 : vector<16xf32>
        %get3A_150 = arith.index_cast %add3A_104 : i32 to index
        %get3A_151 = arith.constant 80 : index
        %get3A_152 = tpu.vector_load %arg14[%get3A_150, %get3A_151] {strides = array<i32>} : memref<16x768xf32, #tpu.memory_space<vmem>>, vector<16xf32>,
        %get3A_153 = arith.index_cast %add3A_104 : i32 to index
        %get3A_154 = arith.constant 80 : index
        %get3A_155 = tpu.vector_load %arg16[%get3A_153, %get3A_154] {strides = array<i32>} : memref<16x768xf32, #tpu.memory_space<vmem>>, vector<16xf32>,
        %add3A_156 = arith.addf %get3A_152, %get3A_155 : vector<16xf32>
        %mul3A_157 = arith.mulf %add3A_156, %add3A_156 : vector<16xf32>
        %add3A_158 = arith.addf %add3A_138, %add3A_156 : vector<16xf32>
        %add3A_159 = arith.addf %add3A_139, %mul3A_157 : vector<16xf32>
        %get3A_160 = arith.index_cast %add3A_104 : i32 to index
        %get3A_161 = arith.constant 96 : index
        %get3A_162 = tpu.vector_load %arg14[%get3A_160, %get3A_161] {strides = array<i32>} : memref<16x768xf32, #tpu.memory_space<vmem>>, vector<16xf32>,
        %get3A_163 = arith.index_cast %add3A_104 : i32 to index
        %get3A_164 = arith.constant 96 : index
        %get3A_165 = tpu.vector_load %arg16[%get3A_163, %get3A_164] {strides = array<i32>} : memref<16x768xf32, #tpu.memory_space<vmem>>, vector<16xf32>,
        %add3A_166 = arith.addf %get3A_162, %get3A_165 : vector<16xf32>
        %mul3A_167 = arith.mulf %add3A_166, %add3A_166 : vector<16xf32>
        %add3A_168 = arith.addf %add3A_148, %add3A_166 : vector<16xf32>
        %add3A_169 = arith.addf %add3A_149, %mul3A_167 : vector<16xf32>
        %get3A_170 = arith.index_cast %add3A_104 : i32 to index
        %get3A_171 = arith.constant 112 : index
        %get3A_172 = tpu.vector_load %arg14[%get3A_170, %get3A_171] {strides = array<i32>} : memref<16x768xf32, #tpu.memory_space<vmem>>, vector<16xf32>,
        %get3A_173 = arith.index_cast %add3A_104 : i32 to index
        %get3A_174 = arith.constant 112 : index
        %get3A_175 = tpu.vector_load %arg16[%get3A_173, %get3A_174] {strides = array<i32>} : memref<16x768xf32, #tpu.memory_space<vmem>>, vector<16xf32>,
        %add3A_176 = arith.addf %get3A_172, %get3A_175 : vector<16xf32>
        %mul3A_177 = arith.mulf %add3A_176, %add3A_176 : vector<16xf32>
        %add3A_178 = arith.addf %add3A_158, %add3A_176 : vector<16xf32>
        %add3A_179 = arith.addf %add3A_159, %mul3A_177 : vector<16xf32>
        %get3A_180 = arith.index_cast %add3A_104 : i32 to index
        %get3A_181 = arith.constant 128 : index
        %get3A_182 = tpu.vector_load %arg14[%get3A_180, %get3A_181] {strides = array<i32>} : memref<16x768xf32, #tpu.memory_space<vmem>>, vector<16xf32>,
        %get3A_183 = arith.index_cast %add3A_104 : i32 to index
        %get3A_184 = arith.constant 128 : index
        %get3A_185 = tpu.vector_load %arg16[%get3A_183, %get3A_184] {strides = array<i32>} : memref<16x768xf32, #tpu.memory_space<vmem>>, vector<16xf32>,
        %add3A_186 = arith.addf %get3A_182, %get3A_185 : vector<16xf32>
        %mul3A_187 = arith.mulf %add3A_186, %add3A_186 : vector<16xf32>
        %add3A_188 = arith.addf %add3A_168, %add3A_186 : vector<16xf32>
        %add3A_189 = arith.addf %add3A_169, %mul3A_187 : vector<16xf32>
        %get3A_190 = arith.index_cast %add3A_104 : i32 to index
        %get3A_191 = arith.constant 144 : index
        %get3A_192 = tpu.vector_load %arg14[%get3A_190, %get3A_191] {strides = array<i32>} : memref<16x768xf32, #tpu.memory_space<vmem>>, vector<16xf32>,
        %get3A_193 = arith.index_cast %add3A_104 : i32 to index
        %get3A_194 = arith.constant 144 : index
        %get3A_195 = tpu.vector_load %arg16[%get3A_193, %get3A_194] {strides = array<i32>} : memref<16x768xf32, #tpu.memory_space<vmem>>, vector<16xf32>,
        %add3A_196 = arith.addf %get3A_192, %get3A_195 : vector<16xf32>
        %mul3A_197 = arith.mulf %add3A_196, %add3A_196 : vector<16xf32>
        %add3A_198 = arith.addf %add3A_178, %add3A_196 : vector<16xf32>
        %add3A_199 = arith.addf %add3A_179, %mul3A_197 : vector<16xf32>
        %get3A_200 = arith.index_cast %add3A_104 : i32 to index
        %get3A_201 = arith.constant 160 : index
        %get3A_202 = tpu.vector_load %arg14[%get3A_200, %get3A_201] {strides = array<i32>} : memref<16x768xf32, #tpu.memory_space<vmem>>, vector<16xf32>,
        %get3A_203 = arith.index_cast %add3A_104 : i32 to index
        %get3A_204 = arith.constant 160 : index
        %get3A_205 = tpu.vector_load %arg16[%get3A_203, %get3A_204] {strides = array<i32>} : memref<16x768xf32, #tpu.memory_space<vmem>>, vector<16xf32>,
        %add3A_206 = arith.addf %get3A_202, %get3A_205 : vector<16xf32>
        %mul3A_207 = arith.mulf %add3A_206, %add3A_206 : vector<16xf32>
        %add3A_208 = arith.addf %add3A_188, %add3A_206 : vector<16xf32>
        %add3A_209 = arith.addf %add3A_189, %mul3A_207 : vector<16xf32>
        %get3A_210 = arith.index_cast %add3A_104 : i32 to index
        %get3A_211 = arith.constant 176 : index
        %get3A_212 = tpu.vector_load %arg14[%get3A_210, %get3A_211] {strides = array<i32>} : memref<16x768xf32, #tpu.memory_space<vmem>>, vector<16xf32>,
        %get3A_213 = arith.index_cast %add3A_104 : i32 to index
        %get3A_214 = arith.constant 176 : index
        %get3A_215 = tpu.vector_load %arg16[%get3A_213, %get3A_214] {strides = array<i32>} : memref<16x768xf32, #tpu.memory_space<vmem>>, vector<16xf32>,
        %add3A_216 = arith.addf %get3A_212, %get3A_215 : vector<16xf32>
        %mul3A_217 = arith.mulf %add3A_216, %add3A_216 : vector<16xf32>
        %add3A_218 = arith.addf %add3A_198, %add3A_216 : vector<16xf32>
        %add3A_219 = arith.addf %add3A_199, %mul3A_217 : vector<16xf32>
        %get3A_220 = arith.index_cast %add3A_104 : i32 to index
        %get3A_221 = arith.constant 192 : index
        %get3A_222 = tpu.vector_load %arg14[%get3A_220, %get3A_221] {strides = array<i32>} : memref<16x768xf32, #tpu.memory_space<vmem>>, vector<16xf32>,
        %get3A_223 = arith.index_cast %add3A_104 : i32 to index
        %get3A_224 = arith.constant 192 : index
        %get3A_225 = tpu.vector_load %arg16[%get3A_223, %get3A_224] {strides = array<i32>} : memref<16x768xf32, #tpu.memory_space<vmem>>, vector<16xf32>,
        %add3A_226 = arith.addf %get3A_222, %get3A_225 : vector<16xf32>
        %mul3A_227 = arith.mulf %add3A_226, %add3A_226 : vector<16xf32>
        %add3A_228 = arith.addf %add3A_208, %add3A_226 : vector<16xf32>
        %add3A_229 = arith.addf %add3A_209, %mul3A_227 : vector<16xf32>
        %get3A_230 = arith.index_cast %add3A_104 : i32 to index
        %get3A_231 = arith.constant 208 : index
        %get3A_232 = tpu.vector_load %arg14[%get3A_230, %get3A_231] {strides = array<i32>} : memref<16x768xf32, #tpu.memory_space<vmem>>, vector<16xf32>,
        %get3A_233 = arith.index_cast %add3A_104 : i32 to index
        %get3A_234 = arith.constant 208 : index
        %get3A_235 = tpu.vector_load %arg16[%get3A_233, %get3A_234] {strides = array<i32>} : memref<16x768xf32, #tpu.memory_space<vmem>>, vector<16xf32>,
        %add3A_236 = arith.addf %get3A_232, %get3A_235 : vector<16xf32>
        %mul3A_237 = arith.mulf %add3A_236, %add3A_236 : vector<16xf32>
        %add3A_238 = arith.addf %add3A_218, %add3A_236 : vector<16xf32>
        %add3A_239 = arith.addf %add3A_219, %mul3A_237 : vector<16xf32>
        %get3A_240 = arith.index_cast %add3A_104 : i32 to index
        %get3A_241 = arith.constant 224 : index
        %get3A_242 = tpu.vector_load %arg14[%get3A_240, %get3A_241] {strides = array<i32>} : memref<16x768xf32, #tpu.memory_space<vmem>>, vector<16xf32>,
        %get3A_243 = arith.index_cast %add3A_104 : i32 to index
        %get3A_244 = arith.constant 224 : index
        %get3A_245 = tpu.vector_load %arg16[%get3A_243, %get3A_244] {strides = array<i32>} : memref<16x768xf32, #tpu.memory_space<vmem>>, vector<16xf32>,
        %add3A_246 = arith.addf %get3A_242, %get3A_245 : vector<16xf32>
        %mul3A_247 = arith.mulf %add3A_246, %add3A_246 : vector<16xf32>
        %add3A_248 = arith.addf %add3A_228, %add3A_246 : vector<16xf32>
        %add3A_249 = arith.addf %add3A_229, %mul3A_247 : vector<16xf32>
        %get3A_250 = arith.index_cast %add3A_104 : i32 to index
        %get3A_251 = arith.constant 240 : index
        %get3A_252 = tpu.vector_load %arg14[%get3A_250, %get3A_251] {strides = array<i32>} : memref<16x768xf32, #tpu.memory_space<vmem>>, vector<16xf32>,
        %get3A_253 = arith.index_cast %add3A_104 : i32 to index
        %get3A_254 = arith.constant 240 : index
        %get3A_255 = tpu.vector_load %arg16[%get3A_253, %get3A_254] {strides = array<i32>} : memref<16x768xf32, #tpu.memory_space<vmem>>, vector<16xf32>,
        %add3A_256 = arith.addf %get3A_252, %get3A_255 : vector<16xf32>
        %mul3A_257 = arith.mulf %add3A_256, %add3A_256 : vector<16xf32>
        %add3A_258 = arith.addf %add3A_238, %add3A_256 : vector<16xf32>
        %add3A_259 = arith.addf %add3A_239, %mul3A_257 : vector<16xf32>
        %get3A_260 = arith.index_cast %add3A_104 : i32 to index
        %get3A_261 = arith.constant 256 : index
        %get3A_262 = tpu.vector_load %arg14[%get3A_260, %get3A_261] {strides = array<i32>} : memref<16x768xf32, #tpu.memory_space<vmem>>, vector<16xf32>,
        %get3A_263 = arith.index_cast %add3A_104 : i32 to index
        %get3A_264 = arith.constant 256 : index
        %get3A_265 = tpu.vector_load %arg16[%get3A_263, %get3A_264] {strides = array<i32>} : memref<16x768xf32, #tpu.memory_space<vmem>>, vector<16xf32>,
        %add3A_266 = arith.addf %get3A_262, %get3A_265 : vector<16xf32>
        %mul3A_267 = arith.mulf %add3A_266, %add3A_266 : vector<16xf32>
        %add3A_268 = arith.addf %add3A_248, %add3A_266 : vector<16xf32>
        %add3A_269 = arith.addf %add3A_249, %mul3A_267 : vector<16xf32>
        %get3A_270 = arith.index_cast %add3A_104 : i32 to index
        %get3A_271 = arith.constant 272 : index
        %get3A_272 = tpu.vector_load %arg14[%get3A_270, %get3A_271] {strides = array<i32>} : memref<16x768xf32, #tpu.memory_space<vmem>>, vector<16xf32>,
        %get3A_273 = arith.index_cast %add3A_104 : i32 to index
        %get3A_274 = arith.constant 272 : index
        %get3A_275 = tpu.vector_load %arg16[%get3A_273, %get3A_274] {strides = array<i32>} : memref<16x768xf32, #tpu.memory_space<vmem>>, vector<16xf32>,
        %add3A_276 = arith.addf %get3A_272, %get3A_275 : vector<16xf32>
        %mul3A_277 = arith.mulf %add3A_276, %add3A_276 : vector<16xf32>
        %add3A_278 = arith.addf %add3A_258, %add3A_276 : vector<16xf32>
        %add3A_279 = arith.addf %add3A_259, %mul3A_277 : vector<16xf32>
        %get3A_280 = arith.index_cast %add3A_104 : i32 to index
        %get3A_281 = arith.constant 288 : index
        %get3A_282 = tpu.vector_load %arg14[%get3A_280, %get3A_281] {strides = array<i32>} : memref<16x768xf32, #tpu.memory_space<vmem>>, vector<16xf32>,
        %get3A_283 = arith.index_cast %add3A_104 : i32 to index
        %get3A_284 = arith.constant 288 : index
        %get3A_285 = tpu.vector_load %arg16[%get3A_283, %get3A_284] {strides = array<i32>} : memref<16x768xf32, #tpu.memory_space<vmem>>, vector<16xf32>,
        %add3A_286 = arith.addf %get3A_282, %get3A_285 : vector<16xf32>
        %mul3A_287 = arith.mulf %add3A_286, %add3A_286 : vector<16xf32>
        %add3A_288 = arith.addf %add3A_268, %add3A_286 : vector<16xf32>
        %add3A_289 = arith.addf %add3A_269, %mul3A_287 : vector<16xf32>
        %get3A_290 = arith.index_cast %add3A_104 : i32 to index
        %get3A_291 = arith.constant 304 : index
        %get3A_292 = tpu.vector_load %arg14[%get3A_290, %get3A_291] {strides = array<i32>} : memref<16x768xf32, #tpu.memory_space<vmem>>, vector<16xf32>,
        %get3A_293 = arith.index_cast %add3A_104 : i32 to index
        %get3A_294 = arith.constant 304 : index
        %get3A_295 = tpu.vector_load %arg16[%get3A_293, %get3A_294] {strides = array<i32>} : memref<16x768xf32, #tpu.memory_space<vmem>>, vector<16xf32>,
        %add3A_296 = arith.addf %get3A_292, %get3A_295 : vector<16xf32>
        %mul3A_297 = arith.mulf %add3A_296, %add3A_296 : vector<16xf32>
        %add3A_298 = arith.addf %add3A_278, %add3A_296 : vector<16xf32>
        %add3A_299 = arith.addf %add3A_279, %mul3A_297 : vector<16xf32>
        %get3A_300 = arith.index_cast %add3A_104 : i32 to index
        %get3A_301 = arith.constant 320 : index
        %get3A_302 = tpu.vector_load %arg14[%get3A_300, %get3A_301] {strides = array<i32>} : memref<16x768xf32, #tpu.memory_space<vmem>>, vector<16xf32>,
        %get3A_303 = arith.index_cast %add3A_104 : i32 to index
        %get3A_304 = arith.constant 320 : index
        %get3A_305 = tpu.vector_load %arg16[%get3A_303, %get3A_304] {strides = array<i32>} : memref<16x768xf32, #tpu.memory_space<vmem>>, vector<16xf32>,
        %add3A_306 = arith.addf %get3A_302, %get3A_305 : vector<16xf32>
        %mul3A_307 = arith.mulf %add3A_306, %add3A_306 : vector<16xf32>
        %add3A_308 = arith.addf %add3A_288, %add3A_306 : vector<16xf32>
        %add3A_309 = arith.addf %add3A_289, %mul3A_307 : vector<16xf32>
        %get3A_310 = arith.index_cast %add3A_104 : i32 to index
        %get3A_311 = arith.constant 336 : index
        %get3A_312 = tpu.vector_load %arg14[%get3A_310, %get3A_311] {strides = array<i32>} : memref<16x768xf32, #tpu.memory_space<vmem>>, vector<16xf32>,
        %get3A_313 = arith.index_cast %add3A_104 : i32 to index
        %get3A_314 = arith.constant 336 : index
        %get3A_315 = tpu.vector_load %arg16[%get3A_313, %get3A_314] {strides = array<i32>} : memref<16x768xf32, #tpu.memory_space<vmem>>, vector<16xf32>,
        %add3A_316 = arith.addf %get3A_312, %get3A_315 : vector<16xf32>
        %mul3A_317 = arith.mulf %add3A_316, %add3A_316 : vector<16xf32>
        %add3A_318 = arith.addf %add3A_298, %add3A_316 : vector<16xf32>
        %add3A_319 = arith.addf %add3A_299, %mul3A_317 : vector<16xf32>
        %get3A_320 = arith.index_cast %add3A_104 : i32 to index
        %get3A_321 = arith.constant 352 : index
        %get3A_322 = tpu.vector_load %arg14[%get3A_320, %get3A_321] {strides = array<i32>} : memref<16x768xf32, #tpu.memory_space<vmem>>, vector<16xf32>,
        %get3A_323 = arith.index_cast %add3A_104 : i32 to index
        %get3A_324 = arith.constant 352 : index
        %get3A_325 = tpu.vector_load %arg16[%get3A_323, %get3A_324] {strides = array<i32>} : memref<16x768xf32, #tpu.memory_space<vmem>>, vector<16xf32>,
        %add3A_326 = arith.addf %get3A_322, %get3A_325 : vector<16xf32>
        %mul3A_327 = arith.mulf %add3A_326, %add3A_326 : vector<16xf32>
        %add3A_328 = arith.addf %add3A_308, %add3A_326 : vector<16xf32>
        %add3A_329 = arith.addf %add3A_309, %mul3A_327 : vector<16xf32>
        %get3A_330 = arith.index_cast %add3A_104 : i32 to index
        %get3A_331 = arith.constant 368 : index
        %get3A_332 = tpu.vector_load %arg14[%get3A_330, %get3A_331] {strides = array<i32>} : memref<16x768xf32, #tpu.memory_space<vmem>>, vector<16xf32>,
        %get3A_333 = arith.index_cast %add3A_104 : i32 to index
        %get3A_334 = arith.constant 368 : index
        %get3A_335 = tpu.vector_load %arg16[%get3A_333, %get3A_334] {strides = array<i32>} : memref<16x768xf32, #tpu.memory_space<vmem>>, vector<16xf32>,
        %add3A_336 = arith.addf %get3A_332, %get3A_335 : vector<16xf32>
        %mul3A_337 = arith.mulf %add3A_336, %add3A_336 : vector<16xf32>
        %add3A_338 = arith.addf %add3A_318, %add3A_336 : vector<16xf32>
        %add3A_339 = arith.addf %add3A_319, %mul3A_337 : vector<16xf32>
        %get3A_340 = arith.index_cast %add3A_104 : i32 to index
        %get3A_341 = arith.constant 384 : index
        %get3A_342 = tpu.vector_load %arg14[%get3A_340, %get3A_341] {strides = array<i32>} : memref<16x768xf32, #tpu.memory_space<vmem>>, vector<16xf32>,
        %get3A_343 = arith.index_cast %add3A_104 : i32 to index
        %get3A_344 = arith.constant 384 : index
        %get3A_345 = tpu.vector_load %arg16[%get3A_343, %get3A_344] {strides = array<i32>} : memref<16x768xf32, #tpu.memory_space<vmem>>, vector<16xf32>,
        %add3A_346 = arith.addf %get3A_342, %get3A_345 : vector<16xf32>
        %mul3A_347 = arith.mulf %add3A_346, %add3A_346 : vector<16xf32>
        %add3A_348 = arith.addf %add3A_328, %add3A_346 : vector<16xf32>
        %add3A_349 = arith.addf %add3A_329, %mul3A_347 : vector<16xf32>
        %get3A_350 = arith.index_cast %add3A_104 : i32 to index
        %get3A_351 = arith.constant 400 : index
        %get3A_352 = tpu.vector_load %arg14[%get3A_350, %get3A_351] {strides = array<i32>} : memref<16x768xf32, #tpu.memory_space<vmem>>, vector<16xf32>,
        %get3A_353 = arith.index_cast %add3A_104 : i32 to index
        %get3A_354 = arith.constant 400 : index
        %get3A_355 = tpu.vector_load %arg16[%get3A_353, %get3A_354] {strides = array<i32>} : memref<16x768xf32, #tpu.memory_space<vmem>>, vector<16xf32>,
        %add3A_356 = arith.addf %get3A_352, %get3A_355 : vector<16xf32>
        %mul3A_357 = arith.mulf %add3A_356, %add3A_356 : vector<16xf32>
        %add3A_358 = arith.addf %add3A_338, %add3A_356 : vector<16xf32>
        %add3A_359 = arith.addf %add3A_339, %mul3A_357 : vector<16xf32>
        %get3A_360 = arith.index_cast %add3A_104 : i32 to index
        %get3A_361 = arith.constant 416 : index
        %get3A_362 = tpu.vector_load %arg14[%get3A_360, %get3A_361] {strides = array<i32>} : memref<16x768xf32, #tpu.memory_space<vmem>>, vector<16xf32>,
        %get3A_363 = arith.index_cast %add3A_104 : i32 to index
        %get3A_364 = arith.constant 416 : index
        %get3A_365 = tpu.vector_load %arg16[%get3A_363, %get3A_364] {strides = array<i32>} : memref<16x768xf32, #tpu.memory_space<vmem>>, vector<16xf32>,
        %add3A_366 = arith.addf %get3A_362, %get3A_365 : vector<16xf32>
        %mul3A_367 = arith.mulf %add3A_366, %add3A_366 : vector<16xf32>
        %add3A_368 = arith.addf %add3A_348, %add3A_366 : vector<16xf32>
        %add3A_369 = arith.addf %add3A_349, %mul3A_367 : vector<16xf32>
        %get3A_370 = arith.index_cast %add3A_104 : i32 to index
        %get3A_371 = arith.constant 432 : index
        %get3A_372 = tpu.vector_load %arg14[%get3A_370, %get3A_371] {strides = array<i32>} : memref<16x768xf32, #tpu.memory_space<vmem>>, vector<16xf32>,
        %get3A_373 = arith.index_cast %add3A_104 : i32 to index
        %get3A_374 = arith.constant 432 : index
        %get3A_375 = tpu.vector_load %arg16[%get3A_373, %get3A_374] {strides = array<i32>} : memref<16x768xf32, #tpu.memory_space<vmem>>, vector<16xf32>,
        %add3A_376 = arith.addf %get3A_372, %get3A_375 : vector<16xf32>
        %mul3A_377 = arith.mulf %add3A_376, %add3A_376 : vector<16xf32>
        %add3A_378 = arith.addf %add3A_358, %add3A_376 : vector<16xf32>
        %add3A_379 = arith.addf %add3A_359, %mul3A_377 : vector<16xf32>
        %get3A_380 = arith.index_cast %add3A_104 : i32 to index
        %get3A_381 = arith.constant 448 : index
        %get3A_382 = tpu.vector_load %arg14[%get3A_380, %get3A_381] {strides = array<i32>} : memref<16x768xf32, #tpu.memory_space<vmem>>, vector<16xf32>,
        %get3A_383 = arith.index_cast %add3A_104 : i32 to index
        %get3A_384 = arith.constant 448 : index
        %get3A_385 = tpu.vector_load %arg16[%get3A_383, %get3A_384] {strides = array<i32>} : memref<16x768xf32, #tpu.memory_space<vmem>>, vector<16xf32>,
        %add3A_386 = arith.addf %get3A_382, %get3A_385 : vector<16xf32>
        %mul3A_387 = arith.mulf %add3A_386, %add3A_386 : vector<16xf32>
        %add3A_388 = arith.addf %add3A_368, %add3A_386 : vector<16xf32>
        %add3A_389 = arith.addf %add3A_369, %mul3A_387 : vector<16xf32>
        %get3A_390 = arith.index_cast %add3A_104 : i32 to index
        %get3A_391 = arith.constant 464 : index
        %get3A_392 = tpu.vector_load %arg14[%get3A_390, %get3A_391] {strides = array<i32>} : memref<16x768xf32, #tpu.memory_space<vmem>>, vector<16xf32>,
        %get3A_393 = arith.index_cast %add3A_104 : i32 to index
        %get3A_394 = arith.constant 464 : index
        %get3A_395 = tpu.vector_load %arg16[%get3A_393, %get3A_394] {strides = array<i32>} : memref<16x768xf32, #tpu.memory_space<vmem>>, vector<16xf32>,
        %add3A_396 = arith.addf %get3A_392, %get3A_395 : vector<16xf32>
        %mul3A_397 = arith.mulf %add3A_396, %add3A_396 : vector<16xf32>
        %add3A_398 = arith.addf %add3A_378, %add3A_396 : vector<16xf32>
        %add3A_399 = arith.addf %add3A_379, %mul3A_397 : vector<16xf32>
        %get3A_400 = arith.index_cast %add3A_104 : i32 to index
        %get3A_401 = arith.constant 480 : index
        %get3A_402 = tpu.vector_load %arg14[%get3A_400, %get3A_401] {strides = array<i32>} : memref<16x768xf32, #tpu.memory_space<vmem>>, vector<16xf32>,
        %get3A_403 = arith.index_cast %add3A_104 : i32 to index
        %get3A_404 = arith.constant 480 : index
        %get3A_405 = tpu.vector_load %arg16[%get3A_403, %get3A_404] {strides = array<i32>} : memref<16x768xf32, #tpu.memory_space<vmem>>, vector<16xf32>,
        %add3A_406 = arith.addf %get3A_402, %get3A_405 : vector<16xf32>
        %mul3A_407 = arith.mulf %add3A_406, %add3A_406 : vector<16xf32>
        %add3A_408 = arith.addf %add3A_388, %add3A_406 : vector<16xf32>
        %add3A_409 = arith.addf %add3A_389, %mul3A_407 : vector<16xf32>
        %get3A_410 = arith.index_cast %add3A_104 : i32 to index
        %get3A_411 = arith.constant 496 : index
        %get3A_412 = tpu.vector_load %arg14[%get3A_410, %get3A_411] {strides = array<i32>} : memref<16x768xf32, #tpu.memory_space<vmem>>, vector<16xf32>,
        %get3A_413 = arith.index_cast %add3A_104 : i32 to index
        %get3A_414 = arith.constant 496 : index
        %get3A_415 = tpu.vector_load %arg16[%get3A_413, %get3A_414] {strides = array<i32>} : memref<16x768xf32, #tpu.memory_space<vmem>>, vector<16xf32>,
        %add3A_416 = arith.addf %get3A_412, %get3A_415 : vector<16xf32>
        %mul3A_417 = arith.mulf %add3A_416, %add3A_416 : vector<16xf32>
        %add3A_418 = arith.addf %add3A_398, %add3A_416 : vector<16xf32>
        %add3A_419 = arith.addf %add3A_399, %mul3A_417 : vector<16xf32>
        %get3A_420 = arith.index_cast %add3A_104 : i32 to index
        %get3A_421 = arith.constant 512 : index
        %get3A_422 = tpu.vector_load %arg14[%get3A_420, %get3A_421] {strides = array<i32>} : memref<16x768xf32, #tpu.memory_space<vmem>>, vector<16xf32>,
        %get3A_423 = arith.index_cast %add3A_104 : i32 to index
        %get3A_424 = arith.constant 512 : index
        %get3A_425 = tpu.vector_load %arg16[%get3A_423, %get3A_424] {strides = array<i32>} : memref<16x768xf32, #tpu.memory_space<vmem>>, vector<16xf32>,
        %add3A_426 = arith.addf %get3A_422, %get3A_425 : vector<16xf32>
        %mul3A_427 = arith.mulf %add3A_426, %add3A_426 : vector<16xf32>
        %add3A_428 = arith.addf %add3A_408, %add3A_426 : vector<16xf32>
        %add3A_429 = arith.addf %add3A_409, %mul3A_427 : vector<16xf32>
        %get3A_430 = arith.index_cast %add3A_104 : i32 to index
        %get3A_431 = arith.constant 528 : index
        %get3A_432 = tpu.vector_load %arg14[%get3A_430, %get3A_431] {strides = array<i32>} : memref<16x768xf32, #tpu.memory_space<vmem>>, vector<16xf32>,
        %get3A_433 = arith.index_cast %add3A_104 : i32 to index
        %get3A_434 = arith.constant 528 : index
        %get3A_435 = tpu.vector_load %arg16[%get3A_433, %get3A_434] {strides = array<i32>} : memref<16x768xf32, #tpu.memory_space<vmem>>, vector<16xf32>,
        %add3A_436 = arith.addf %get3A_432, %get3A_435 : vector<16xf32>
        %mul3A_437 = arith.mulf %add3A_436, %add3A_436 : vector<16xf32>
        %add3A_438 = arith.addf %add3A_418, %add3A_436 : vector<16xf32>
        %add3A_439 = arith.addf %add3A_419, %mul3A_437 : vector<16xf32>
        %get3A_440 = arith.index_cast %add3A_104 : i32 to index
        %get3A_441 = arith.constant 544 : index
        %get3A_442 = tpu.vector_load %arg14[%get3A_440, %get3A_441] {strides = array<i32>} : memref<16x768xf32, #tpu.memory_space<vmem>>, vector<16xf32>,
        %get3A_443 = arith.index_cast %add3A_104 : i32 to index
        %get3A_444 = arith.constant 544 : index
        %get3A_445 = tpu.vector_load %arg16[%get3A_443, %get3A_444] {strides = array<i32>} : memref<16x768xf32, #tpu.memory_space<vmem>>, vector<16xf32>,
        %add3A_446 = arith.addf %get3A_442, %get3A_445 : vector<16xf32>
        %mul3A_447 = arith.mulf %add3A_446, %add3A_446 : vector<16xf32>
        %add3A_448 = arith.addf %add3A_428, %add3A_446 : vector<16xf32>
        %add3A_449 = arith.addf %add3A_429, %mul3A_447 : vector<16xf32>
        %get3A_450 = arith.index_cast %add3A_104 : i32 to index
        %get3A_451 = arith.constant 560 : index
        %get3A_452 = tpu.vector_load %arg14[%get3A_450, %get3A_451] {strides = array<i32>} : memref<16x768xf32, #tpu.memory_space<vmem>>, vector<16xf32>,
        %get3A_453 = arith.index_cast %add3A_104 : i32 to index
        %get3A_454 = arith.constant 560 : index
        %get3A_455 = tpu.vector_load %arg16[%get3A_453, %get3A_454] {strides = array<i32>} : memref<16x768xf32, #tpu.memory_space<vmem>>, vector<16xf32>,
        %add3A_456 = arith.addf %get3A_452, %get3A_455 : vector<16xf32>
        %mul3A_457 = arith.mulf %add3A_456, %add3A_456 : vector<16xf32>
        %add3A_458 = arith.addf %add3A_438, %add3A_456 : vector<16xf32>
        %add3A_459 = arith.addf %add3A_439, %mul3A_457 : vector<16xf32>
        %get3A_460 = arith.index_cast %add3A_104 : i32 to index
        %get3A_461 = arith.constant 576 : index
        %get3A_462 = tpu.vector_load %arg14[%get3A_460, %get3A_461] {strides = array<i32>} : memref<16x768xf32, #tpu.memory_space<vmem>>, vector<16xf32>,
        %get3A_463 = arith.index_cast %add3A_104 : i32 to index
        %get3A_464 = arith.constant 576 : index
        %get3A_465 = tpu.vector_load %arg16[%get3A_463, %get3A_464] {strides = array<i32>} : memref<16x768xf32, #tpu.memory_space<vmem>>, vector<16xf32>,
        %add3A_466 = arith.addf %get3A_462, %get3A_465 : vector<16xf32>
        %mul3A_467 = arith.mulf %add3A_466, %add3A_466 : vector<16xf32>
        %add3A_468 = arith.addf %add3A_448, %add3A_466 : vector<16xf32>
        %add3A_469 = arith.addf %add3A_449, %mul3A_467 : vector<16xf32>
        %get3A_470 = arith.index_cast %add3A_104 : i32 to index
        %get3A_471 = arith.constant 592 : index
        %get3A_472 = tpu.vector_load %arg14[%get3A_470, %get3A_471] {strides = array<i32>} : memref<16x768xf32, #tpu.memory_space<vmem>>, vector<16xf32>,
        %get3A_473 = arith.index_cast %add3A_104 : i32 to index
        %get3A_474 = arith.constant 592 : index
        %get3A_475 = tpu.vector_load %arg16[%get3A_473, %get3A_474] {strides = array<i32>} : memref<16x768xf32, #tpu.memory_space<vmem>>, vector<16xf32>,
        %add3A_476 = arith.addf %get3A_472, %get3A_475 : vector<16xf32>
        %mul3A_477 = arith.mulf %add3A_476, %add3A_476 : vector<16xf32>
        %add3A_478 = arith.addf %add3A_458, %add3A_476 : vector<16xf32>
        %add3A_479 = arith.addf %add3A_459, %mul3A_477 : vector<16xf32>
        %get3A_480 = arith.index_cast %add3A_104 : i32 to index
        %get3A_481 = arith.constant 608 : index
        %get3A_482 = tpu.vector_load %arg14[%get3A_480, %get3A_481] {strides = array<i32>} : memref<16x768xf32, #tpu.memory_space<vmem>>, vector<16xf32>,
        %get3A_483 = arith.index_cast %add3A_104 : i32 to index
        %get3A_484 = arith.constant 608 : index
        %get3A_485 = tpu.vector_load %arg16[%get3A_483, %get3A_484] {strides = array<i32>} : memref<16x768xf32, #tpu.memory_space<vmem>>, vector<16xf32>,
        %add3A_486 = arith.addf %get3A_482, %get3A_485 : vector<16xf32>
        %mul3A_487 = arith.mulf %add3A_486, %add3A_486 : vector<16xf32>
        %add3A_488 = arith.addf %add3A_468, %add3A_486 : vector<16xf32>
        %add3A_489 = arith.addf %add3A_469, %mul3A_487 : vector<16xf32>
        %get3A_490 = arith.index_cast %add3A_104 : i32 to index
        %get3A_491 = arith.constant 624 : index
        %get3A_492 = tpu.vector_load %arg14[%get3A_490, %get3A_491] {strides = array<i32>} : memref<16x768xf32, #tpu.memory_space<vmem>>, vector<16xf32>,
        %get3A_493 = arith.index_cast %add3A_104 : i32 to index
        %get3A_494 = arith.constant 624 : index
        %get3A_495 = tpu.vector_load %arg16[%get3A_493, %get3A_494] {strides = array<i32>} : memref<16x768xf32, #tpu.memory_space<vmem>>, vector<16xf32>,
        %add3A_496 = arith.addf %get3A_492, %get3A_495 : vector<16xf32>
        %mul3A_497 = arith.mulf %add3A_496, %add3A_496 : vector<16xf32>
        %add3A_498 = arith.addf %add3A_478, %add3A_496 : vector<16xf32>
        %add3A_499 = arith.addf %add3A_479, %mul3A_497 : vector<16xf32>
        %get3A_500 = arith.index_cast %add3A_104 : i32 to index
        %get3A_501 = arith.constant 640 : index
        %get3A_502 = tpu.vector_load %arg14[%get3A_500, %get3A_501] {strides = array<i32>} : memref<16x768xf32, #tpu.memory_space<vmem>>, vector<16xf32>,
        %get3A_503 = arith.index_cast %add3A_104 : i32 to index
        %get3A_504 = arith.constant 640 : index
        %get3A_505 = tpu.vector_load %arg16[%get3A_503, %get3A_504] {strides = array<i32>} : memref<16x768xf32, #tpu.memory_space<vmem>>, vector<16xf32>,
        %add3A_506 = arith.addf %get3A_502, %get3A_505 : vector<16xf32>
        %mul3A_507 = arith.mulf %add3A_506, %add3A_506 : vector<16xf32>
        %add3A_508 = arith.addf %add3A_488, %add3A_506 : vector<16xf32>
        %add3A_509 = arith.addf %add3A_489, %mul3A_507 : vector<16xf32>
        %get3A_510 = arith.index_cast %add3A_104 : i32 to index
        %get3A_511 = arith.constant 656 : index
        %get3A_512 = tpu.vector_load %arg14[%get3A_510, %get3A_511] {strides = array<i32>} : memref<16x768xf32, #tpu.memory_space<vmem>>, vector<16xf32>,
        %get3A_513 = arith.index_cast %add3A_104 : i32 to index
        %get3A_514 = arith.constant 656 : index
        %get3A_515 = tpu.vector_load %arg16[%get3A_513, %get3A_514] {strides = array<i32>} : memref<16x768xf32, #tpu.memory_space<vmem>>, vector<16xf32>,
        %add3A_516 = arith.addf %get3A_512, %get3A_515 : vector<16xf32>
        %mul3A_517 = arith.mulf %add3A_516, %add3A_516 : vector<16xf32>
        %add3A_518 = arith.addf %add3A_498, %add3A_516 : vector<16xf32>
        %add3A_519 = arith.addf %add3A_499, %mul3A_517 : vector<16xf32>
        %get3A_520 = arith.index_cast %add3A_104 : i32 to index
        %get3A_521 = arith.constant 672 : index
        %get3A_522 = tpu.vector_load %arg14[%get3A_520, %get3A_521] {strides = array<i32>} : memref<16x768xf32, #tpu.memory_space<vmem>>, vector<16xf32>,
        %get3A_523 = arith.index_cast %add3A_104 : i32 to index
        %get3A_524 = arith.constant 672 : index
        %get3A_525 = tpu.vector_load %arg16[%get3A_523, %get3A_524] {strides = array<i32>} : memref<16x768xf32, #tpu.memory_space<vmem>>, vector<16xf32>,
        %add3A_526 = arith.addf %get3A_522, %get3A_525 : vector<16xf32>
        %mul3A_527 = arith.mulf %add3A_526, %add3A_526 : vector<16xf32>
        %add3A_528 = arith.addf %add3A_508, %add3A_526 : vector<16xf32>
        %add3A_529 = arith.addf %add3A_509, %mul3A_527 : vector<16xf32>
        %get3A_530 = arith.index_cast %add3A_104 : i32 to index
        %get3A_531 = arith.constant 688 : index
        %get3A_532 = tpu.vector_load %arg14[%get3A_530, %get3A_531] {strides = array<i32>} : memref<16x768xf32, #tpu.memory_space<vmem>>, vector<16xf32>,
        %get3A_533 = arith.index_cast %add3A_104 : i32 to index
        %get3A_534 = arith.constant 688 : index
        %get3A_535 = tpu.vector_load %arg16[%get3A_533, %get3A_534] {strides = array<i32>} : memref<16x768xf32, #tpu.memory_space<vmem>>, vector<16xf32>,
        %add3A_536 = arith.addf %get3A_532, %get3A_535 : vector<16xf32>
        %mul3A_537 = arith.mulf %add3A_536, %add3A_536 : vector<16xf32>
        %add3A_538 = arith.addf %add3A_518, %add3A_536 : vector<16xf32>
        %add3A_539 = arith.addf %add3A_519, %mul3A_537 : vector<16xf32>
        %get3A_540 = arith.index_cast %add3A_104 : i32 to index
        %get3A_541 = arith.constant 704 : index
        %get3A_542 = tpu.vector_load %arg14[%get3A_540, %get3A_541] {strides = array<i32>} : memref<16x768xf32, #tpu.memory_space<vmem>>, vector<16xf32>,
        %get3A_543 = arith.index_cast %add3A_104 : i32 to index
        %get3A_544 = arith.constant 704 : index
        %get3A_545 = tpu.vector_load %arg16[%get3A_543, %get3A_544] {strides = array<i32>} : memref<16x768xf32, #tpu.memory_space<vmem>>, vector<16xf32>,
        %add3A_546 = arith.addf %get3A_542, %get3A_545 : vector<16xf32>
        %mul3A_547 = arith.mulf %add3A_546, %add3A_546 : vector<16xf32>
        %add3A_548 = arith.addf %add3A_528, %add3A_546 : vector<16xf32>
        %add3A_549 = arith.addf %add3A_529, %mul3A_547 : vector<16xf32>
        %get3A_550 = arith.index_cast %add3A_104 : i32 to index
        %get3A_551 = arith.constant 720 : index
        %get3A_552 = tpu.vector_load %arg14[%get3A_550, %get3A_551] {strides = array<i32>} : memref<16x768xf32, #tpu.memory_space<vmem>>, vector<16xf32>,
        %get3A_553 = arith.index_cast %add3A_104 : i32 to index
        %get3A_554 = arith.constant 720 : index
        %get3A_555 = tpu.vector_load %arg16[%get3A_553, %get3A_554] {strides = array<i32>} : memref<16x768xf32, #tpu.memory_space<vmem>>, vector<16xf32>,
        %add3A_556 = arith.addf %get3A_552, %get3A_555 : vector<16xf32>
        %mul3A_557 = arith.mulf %add3A_556, %add3A_556 : vector<16xf32>
        %add3A_558 = arith.addf %add3A_538, %add3A_556 : vector<16xf32>
        %add3A_559 = arith.addf %add3A_539, %mul3A_557 : vector<16xf32>
        %get3A_560 = arith.index_cast %add3A_104 : i32 to index
        %get3A_561 = arith.constant 736 : index
        %get3A_562 = tpu.vector_load %arg14[%get3A_560, %get3A_561] {strides = array<i32>} : memref<16x768xf32, #tpu.memory_space<vmem>>, vector<16xf32>,
        %get3A_563 = arith.index_cast %add3A_104 : i32 to index
        %get3A_564 = arith.constant 736 : index
        %get3A_565 = tpu.vector_load %arg16[%get3A_563, %get3A_564] {strides = array<i32>} : memref<16x768xf32, #tpu.memory_space<vmem>>, vector<16xf32>,
        %add3A_566 = arith.addf %get3A_562, %get3A_565 : vector<16xf32>
        %mul3A_567 = arith.mulf %add3A_566, %add3A_566 : vector<16xf32>
        %add3A_568 = arith.addf %add3A_548, %add3A_566 : vector<16xf32>
        %add3A_569 = arith.addf %add3A_549, %mul3A_567 : vector<16xf32>
        %get3A_570 = arith.index_cast %add3A_104 : i32 to index
        %get3A_571 = arith.constant 752 : index
        %get3A_572 = tpu.vector_load %arg14[%get3A_570, %get3A_571] {strides = array<i32>} : memref<16x768xf32, #tpu.memory_space<vmem>>, vector<16xf32>,
        %get3A_573 = arith.index_cast %add3A_104 : i32 to index
        %get3A_574 = arith.constant 752 : index
        %get3A_575 = tpu.vector_load %arg16[%get3A_573, %get3A_574] {strides = array<i32>} : memref<16x768xf32, #tpu.memory_space<vmem>>, vector<16xf32>,
        %add3A_576 = arith.addf %get3A_572, %get3A_575 : vector<16xf32>
        %mul3A_577 = arith.mulf %add3A_576, %add3A_576 : vector<16xf32>
        %add3A_578 = arith.addf %add3A_558, %add3A_576 : vector<16xf32>
        %add3A_579 = arith.addf %add3A_559, %mul3A_577 : vector<16xf32>
        %add3A_580 = arith.addf %add3A_568, %add3A_578 : vector<16xf32>
        %add3A_581 = arith.addf %add3A_569, %add3A_579 : vector<16xf32>
        %reduce_sum3A = arith.constant true
        %reduce_sum3A_582 = vector.broadcast %reduce_sum3A : i1 to vector<16xi1>
        %reduce_sum3A_583 = tpu.scan <sum>, %add3A_580 masked %reduce_sum3A_582 : vector<16xf32>, vector<16xi1> -> vector<16xf32>
        %reduce_sum3A_584 = vector.extract %reduce_sum3A_583[15] : f32 from vector<16xf32>
        %mul3A_585 = arith.constant 0.00130208337 : f32
        %mul3A_586 = arith.mulf %reduce_sum3A_584, %mul3A_585 : f32
        %reduce_sum3A_587 = arith.constant true
        %reduce_sum3A_588 = vector.broadcast %reduce_sum3A_587 : i1 to vector<16xi1>
        %reduce_sum3A_589 = tpu.scan <sum>, %add3A_581 masked %reduce_sum3A_588 : vector<16xf32>, vector<16xi1> -> vector<16xf32>
        %reduce_sum3A_590 = vector.extract %reduce_sum3A_589[15] : f32 from vector<16xf32>
        %mul3A_591 = arith.constant 0.00130208337 : f32
        %mul3A_592 = arith.mulf %reduce_sum3A_590, %mul3A_591 : f32
        %mul3A_593 = arith.mulf %mul3A_586, %mul3A_586 : f32
        %sub3A = arith.subf %mul3A_592, %mul3A_593 : f32
        %add3A_594 = arith.constant 9.99999996E-13 : f32
        %add3A_595 = arith.addf %sub3A, %add3A_594 : f32
        %bitcast_convert_type3A = arith.bitcast %add3A_595 : f32 to i32
        %shift_right_arithmetic3A = arith.constant 1 : i32
        %shift_right_arithmetic3A_596 = arith.shrsi %bitcast_convert_type3A, %shift_right_arithmetic3A : i32
        %sub3A_597 = arith.constant 1597463007 : i32
        %sub3A_598 = arith.subi %sub3A_597, %shift_right_arithmetic3A_596 : i32
        %bitcast_convert_type3A_599 = arith.bitcast %sub3A_598 : i32 to f32
        %mul3A_600 = arith.constant 5.000000e-01 : f32
        %mul3A_601 = arith.mulf %mul3A_600, %add3A_595 : f32
        %mul3A_602 = arith.mulf %mul3A_601, %bitcast_convert_type3A_599 : f32
        %mul3A_603 = arith.mulf %mul3A_602, %bitcast_convert_type3A_599 : f32
        %sub3A_604 = arith.constant 1.500000e+00 : f32
        %sub3A_605 = arith.subf %sub3A_604, %mul3A_603 : f32
        %mul3A_606 = arith.mulf %bitcast_convert_type3A_599, %sub3A_605 : f32
        %mul3A_607 = arith.constant 5.000000e-01 : f32
        %mul3A_608 = arith.mulf %mul3A_607, %add3A_595 : f32
        %mul3A_609 = arith.mulf %mul3A_608, %mul3A_606 : f32
        %mul3A_610 = arith.mulf %mul3A_609, %mul3A_606 : f32
        %sub3A_611 = arith.constant 1.500000e+00 : f32
        %sub3A_612 = arith.subf %sub3A_611, %mul3A_610 : f32
        %mul3A_613 = arith.mulf %mul3A_606, %sub3A_612 : f32
        %mul3A_614 = arith.constant 5.000000e-01 : f32
        %mul3A_615 = arith.mulf %mul3A_614, %add3A_595 : f32
        %mul3A_616 = arith.mulf %mul3A_615, %mul3A_613 : f32
        %mul3A_617 = arith.mulf %mul3A_616, %mul3A_613 : f32
        %sub3A_618 = arith.constant 1.500000e+00 : f32
        %sub3A_619 = arith.subf %sub3A_618, %mul3A_617 : f32
        %mul3A_620 = arith.mulf %mul3A_613, %sub3A_619 : f32
        %sub3A_621 = vector.broadcast %mul3A_586 : f32 to vector<16xf32>
        %sub3A_622 = arith.subf %add3A_110, %sub3A_621 : vector<16xf32>
        %mul3A_623 = vector.broadcast %mul3A_620 : f32 to vector<16xf32>
        %mul3A_624 = arith.mulf %sub3A_622, %mul3A_623 : vector<16xf32>
        %get3A_625 = arith.constant 0 : index
        %get3A_626 = tpu.vector_load %arg11[%get3A_625] {strides = array<i32>} : memref<768xf32, #tpu.memory_space<vmem>>, vector<16xf32>,
        %mul3A_627 = arith.mulf %mul3A_624, %get3A_626 : vector<16xf32>
        %get3A_628 = arith.constant 0 : index
        %get3A_629 = tpu.vector_load %arg12[%get3A_628] {strides = array<i32>} : memref<768xf32, #tpu.memory_space<vmem>>, vector<16xf32>,
        %add3A_630 = arith.addf %mul3A_627, %get3A_629 : vector<16xf32>
        %swap3A = arith.index_cast %add3A_104 : i32 to index
        %swap3A_631 = arith.constant 0 : index
        %swap3A_632 = tpu.vector_load %arg18[%swap3A, %swap3A_631] {strides = array<i32>} : memref<16x768xf32, #tpu.memory_space<vmem>>, vector<16xf32>,
        tpu.vector_store %arg18[%swap3A, %swap3A_631], %add3A_630 {strides = array<i32>} : memref<16x768xf32, #tpu.memory_space<vmem>>, vector<16xf32>,
        %sub3A_633 = vector.broadcast %mul3A_586 : f32 to vector<16xf32>
        %sub3A_634 = arith.subf %add3A_118, %sub3A_633 : vector<16xf32>
        %mul3A_635 = vector.broadcast %mul3A_620 : f32 to vector<16xf32>
        %mul3A_636 = arith.mulf %sub3A_634, %mul3A_635 : vector<16xf32>
        %get3A_637 = arith.constant 16 : index
        %get3A_638 = tpu.vector_load %arg11[%get3A_637] {strides = array<i32>} : memref<768xf32, #tpu.memory_space<vmem>>, vector<16xf32>,
        %mul3A_639 = arith.mulf %mul3A_636, %get3A_638 : vector<16xf32>
        %get3A_640 = arith.constant 16 : index
        %get3A_641 = tpu.vector_load %arg12[%get3A_640] {strides = array<i32>} : memref<768xf32, #tpu.memory_space<vmem>>, vector<16xf32>,
        %add3A_642 = arith.addf %mul3A_639, %get3A_641 : vector<16xf32>
        %swap3A_643 = arith.index_cast %add3A_104 : i32 to index
        %swap3A_644 = arith.constant 16 : index
        %swap3A_645 = tpu.vector_load %arg18[%swap3A_643, %swap3A_644] {strides = array<i32>} : memref<16x768xf32, #tpu.memory_space<vmem>>, vector<16xf32>,
        tpu.vector_store %arg18[%swap3A_643, %swap3A_644], %add3A_642 {strides = array<i32>} : memref<16x768xf32, #tpu.memory_space<vmem>>, vector<16xf32>,
        %sub3A_646 = vector.broadcast %mul3A_586 : f32 to vector<16xf32>
        %sub3A_647 = arith.subf %add3A_126, %sub3A_646 : vector<16xf32>
        %mul3A_648 = vector.broadcast %mul3A_620 : f32 to vector<16xf32>
        %mul3A_649 = arith.mulf %sub3A_647, %mul3A_648 : vector<16xf32>
        %get3A_650 = arith.constant 32 : index
        %get3A_651 = tpu.vector_load %arg11[%get3A_650] {strides = array<i32>} : memref<768xf32, #tpu.memory_space<vmem>>, vector<16xf32>,
        %mul3A_652 = arith.mulf %mul3A_649, %get3A_651 : vector<16xf32>
        %get3A_653 = arith.constant 32 : index
        %get3A_654 = tpu.vector_load %arg12[%get3A_653] {strides = array<i32>} : memref<768xf32, #tpu.memory_space<vmem>>, vector<16xf32>,
        %add3A_655 = arith.addf %mul3A_652, %get3A_654 : vector<16xf32>
        %swap3A_656 = arith.index_cast %add3A_104 : i32 to index
        %swap3A_657 = arith.constant 32 : index
        %swap3A_658 = tpu.vector_load %arg18[%swap3A_656, %swap3A_657] {strides = array<i32>} : memref<16x768xf32, #tpu.memory_space<vmem>>, vector<16xf32>,
        tpu.vector_store %arg18[%swap3A_656, %swap3A_657], %add3A_655 {strides = array<i32>} : memref<16x768xf32, #tpu.memory_space<vmem>>, vector<16xf32>,
        %sub3A_659 = vector.broadcast %mul3A_586 : f32 to vector<16xf32>
        %sub3A_660 = arith.subf %add3A_136, %sub3A_659 : vector<16xf32>
        %mul3A_661 = vector.broadcast %mul3A_620 : f32 to vector<16xf32>
        %mul3A_662 = arith.mulf %sub3A_660, %mul3A_661 : vector<16xf32>
        %get3A_663 = arith.constant 48 : index
        %get3A_664 = tpu.vector_load %arg11[%get3A_663] {strides = array<i32>} : memref<768xf32, #tpu.memory_space<vmem>>, vector<16xf32>,
        %mul3A_665 = arith.mulf %mul3A_662, %get3A_664 : vector<16xf32>
        %get3A_666 = arith.constant 48 : index
        %get3A_667 = tpu.vector_load %arg12[%get3A_666] {strides = array<i32>} : memref<768xf32, #tpu.memory_space<vmem>>, vector<16xf32>,
        %add3A_668 = arith.addf %mul3A_665, %get3A_667 : vector<16xf32>
        %swap3A_669 = arith.index_cast %add3A_104 : i32 to index
        %swap3A_670 = arith.constant 48 : index
        %swap3A_671 = tpu.vector_load %arg18[%swap3A_669, %swap3A_670] {strides = array<i32>} : memref<16x768xf32, #tpu.memory_space<vmem>>, vector<16xf32>,
        tpu.vector_store %arg18[%swap3A_669, %swap3A_670], %add3A_668 {strides = array<i32>} : memref<16x768xf32, #tpu.memory_space<vmem>>, vector<16xf32>,
        %sub3A_672 = vector.broadcast %mul3A_586 : f32 to vector<16xf32>
        %sub3A_673 = arith.subf %add3A_146, %sub3A_672 : vector<16xf32>
        %mul3A_674 = vector.broadcast %mul3A_620 : f32 to vector<16xf32>
        %mul3A_675 = arith.mulf %sub3A_673, %mul3A_674 : vector<16xf32>
        %get3A_676 = arith.constant 64 : index
        %get3A_677 = tpu.vector_load %arg11[%get3A_676] {strides = array<i32>} : memref<768xf32, #tpu.memory_space<vmem>>, vector<16xf32>,
        %mul3A_678 = arith.mulf %mul3A_675, %get3A_677 : vector<16xf32>
        %get3A_679 = arith.constant 64 : index
        %get3A_680 = tpu.vector_load %arg12[%get3A_679] {strides = array<i32>} : memref<768xf32, #tpu.memory_space<vmem>>, vector<16xf32>,
        %add3A_681 = arith.addf %mul3A_678, %get3A_680 : vector<16xf32>
        %swap3A_682 = arith.index_cast %add3A_104 : i32 to index
        %swap3A_683 = arith.constant 64 : index
        %swap3A_684 = tpu.vector_load %arg18[%swap3A_682, %swap3A_683] {strides = array<i32>} : memref<16x768xf32, #tpu.memory_space<vmem>>, vector<16xf32>,
        tpu.vector_store %arg18[%swap3A_682, %swap3A_683], %add3A_681 {strides = array<i32>} : memref<16x768xf32, #tpu.memory_space<vmem>>, vector<16xf32>,
        %sub3A_685 = vector.broadcast %mul3A_586 : f32 to vector<16xf32>
        %sub3A_686 = arith.subf %add3A_156, %sub3A_685 : vector<16xf32>
        %mul3A_687 = vector.broadcast %mul3A_620 : f32 to vector<16xf32>
        %mul3A_688 = arith.mulf %sub3A_686, %mul3A_687 : vector<16xf32>
        %get3A_689 = arith.constant 80 : index
        %get3A_690 = tpu.vector_load %arg11[%get3A_689] {strides = array<i32>} : memref<768xf32, #tpu.memory_space<vmem>>, vector<16xf32>,
        %mul3A_691 = arith.mulf %mul3A_688, %get3A_690 : vector<16xf32>
        %get3A_692 = arith.constant 80 : index
        %get3A_693 = tpu.vector_load %arg12[%get3A_692] {strides = array<i32>} : memref<768xf32, #tpu.memory_space<vmem>>, vector<16xf32>,
        %add3A_694 = arith.addf %mul3A_691, %get3A_693 : vector<16xf32>
        %swap3A_695 = arith.index_cast %add3A_104 : i32 to index
        %swap3A_696 = arith.constant 80 : index
        %swap3A_697 = tpu.vector_load %arg18[%swap3A_695, %swap3A_696] {strides = array<i32>} : memref<16x768xf32, #tpu.memory_space<vmem>>, vector<16xf32>,
        tpu.vector_store %arg18[%swap3A_695, %swap3A_696], %add3A_694 {strides = array<i32>} : memref<16x768xf32, #tpu.memory_space<vmem>>, vector<16xf32>,
        %sub3A_698 = vector.broadcast %mul3A_586 : f32 to vector<16xf32>
        %sub3A_699 = arith.subf %add3A_166, %sub3A_698 : vector<16xf32>
        %mul3A_700 = vector.broadcast %mul3A_620 : f32 to vector<16xf32>
        %mul3A_701 = arith.mulf %sub3A_699, %mul3A_700 : vector<16xf32>
        %get3A_702 = arith.constant 96 : index
        %get3A_703 = tpu.vector_load %arg11[%get3A_702] {strides = array<i32>} : memref<768xf32, #tpu.memory_space<vmem>>, vector<16xf32>,
        %mul3A_704 = arith.mulf %mul3A_701, %get3A_703 : vector<16xf32>
        %get3A_705 = arith.constant 96 : index
        %get3A_706 = tpu.vector_load %arg12[%get3A_705] {strides = array<i32>} : memref<768xf32, #tpu.memory_space<vmem>>, vector<16xf32>,
        %add3A_707 = arith.addf %mul3A_704, %get3A_706 : vector<16xf32>
        %swap3A_708 = arith.index_cast %add3A_104 : i32 to index
        %swap3A_709 = arith.constant 96 : index
        %swap3A_710 = tpu.vector_load %arg18[%swap3A_708, %swap3A_709] {strides = array<i32>} : memref<16x768xf32, #tpu.memory_space<vmem>>, vector<16xf32>,
        tpu.vector_store %arg18[%swap3A_708, %swap3A_709], %add3A_707 {strides = array<i32>} : memref<16x768xf32, #tpu.memory_space<vmem>>, vector<16xf32>,
        %sub3A_711 = vector.broadcast %mul3A_586 : f32 to vector<16xf32>
        %sub3A_712 = arith.subf %add3A_176, %sub3A_711 : vector<16xf32>
        %mul3A_713 = vector.broadcast %mul3A_620 : f32 to vector<16xf32>
        %mul3A_714 = arith.mulf %sub3A_712, %mul3A_713 : vector<16xf32>
        %get3A_715 = arith.constant 112 : index
        %get3A_716 = tpu.vector_load %arg11[%get3A_715] {strides = array<i32>} : memref<768xf32, #tpu.memory_space<vmem>>, vector<16xf32>,
        %mul3A_717 = arith.mulf %mul3A_714, %get3A_716 : vector<16xf32>
        %get3A_718 = arith.constant 112 : index
        %get3A_719 = tpu.vector_load %arg12[%get3A_718] {strides = array<i32>} : memref<768xf32, #tpu.memory_space<vmem>>, vector<16xf32>,
        %add3A_720 = arith.addf %mul3A_717, %get3A_719 : vector<16xf32>
        %swap3A_721 = arith.index_cast %add3A_104 : i32 to index
        %swap3A_722 = arith.constant 112 : index
        %swap3A_723 = tpu.vector_load %arg18[%swap3A_721, %swap3A_722] {strides = array<i32>} : memref<16x768xf32, #tpu.memory_space<vmem>>, vector<16xf32>,
        tpu.vector_store %arg18[%swap3A_721, %swap3A_722], %add3A_720 {strides = array<i32>} : memref<16x768xf32, #tpu.memory_space<vmem>>, vector<16xf32>,
        %sub3A_724 = vector.broadcast %mul3A_586 : f32 to vector<16xf32>
        %sub3A_725 = arith.subf %add3A_186, %sub3A_724 : vector<16xf32>
        %mul3A_726 = vector.broadcast %mul3A_620 : f32 to vector<16xf32>
        %mul3A_727 = arith.mulf %sub3A_725, %mul3A_726 : vector<16xf32>
        %get3A_728 = arith.constant 128 : index
        %get3A_729 = tpu.vector_load %arg11[%get3A_728] {strides = array<i32>} : memref<768xf32, #tpu.memory_space<vmem>>, vector<16xf32>,
        %mul3A_730 = arith.mulf %mul3A_727, %get3A_729 : vector<16xf32>
        %get3A_731 = arith.constant 128 : index
        %get3A_732 = tpu.vector_load %arg12[%get3A_731] {strides = array<i32>} : memref<768xf32, #tpu.memory_space<vmem>>, vector<16xf32>,
        %add3A_733 = arith.addf %mul3A_730, %get3A_732 : vector<16xf32>
        %swap3A_734 = arith.index_cast %add3A_104 : i32 to index
        %swap3A_735 = arith.constant 128 : index
        %swap3A_736 = tpu.vector_load %arg18[%swap3A_734, %swap3A_735] {strides = array<i32>} : memref<16x768xf32, #tpu.memory_space<vmem>>, vector<16xf32>,
        tpu.vector_store %arg18[%swap3A_734, %swap3A_735], %add3A_733 {strides = array<i32>} : memref<16x768xf32, #tpu.memory_space<vmem>>, vector<16xf32>,
        %sub3A_737 = vector.broadcast %mul3A_586 : f32 to vector<16xf32>
        %sub3A_738 = arith.subf %add3A_196, %sub3A_737 : vector<16xf32>
        %mul3A_739 = vector.broadcast %mul3A_620 : f32 to vector<16xf32>
        %mul3A_740 = arith.mulf %sub3A_738, %mul3A_739 : vector<16xf32>
        %get3A_741 = arith.constant 144 : index
        %get3A_742 = tpu.vector_load %arg11[%get3A_741] {strides = array<i32>} : memref<768xf32, #tpu.memory_space<vmem>>, vector<16xf32>,
        %mul3A_743 = arith.mulf %mul3A_740, %get3A_742 : vector<16xf32>
        %get3A_744 = arith.constant 144 : index
        %get3A_745 = tpu.vector_load %arg12[%get3A_744] {strides = array<i32>} : memref<768xf32, #tpu.memory_space<vmem>>, vector<16xf32>,
        %add3A_746 = arith.addf %mul3A_743, %get3A_745 : vector<16xf32>
        %swap3A_747 = arith.index_cast %add3A_104 : i32 to index
        %swap3A_748 = arith.constant 144 : index
        %swap3A_749 = tpu.vector_load %arg18[%swap3A_747, %swap3A_748] {strides = array<i32>} : memref<16x768xf32, #tpu.memory_space<vmem>>, vector<16xf32>,
        tpu.vector_store %arg18[%swap3A_747, %swap3A_748], %add3A_746 {strides = array<i32>} : memref<16x768xf32, #tpu.memory_space<vmem>>, vector<16xf32>,
        %sub3A_750 = vector.broadcast %mul3A_586 : f32 to vector<16xf32>
        %sub3A_751 = arith.subf %add3A_206, %sub3A_750 : vector<16xf32>
        %mul3A_752 = vector.broadcast %mul3A_620 : f32 to vector<16xf32>
        %mul3A_753 = arith.mulf %sub3A_751, %mul3A_752 : vector<16xf32>
        %get3A_754 = arith.constant 160 : index
        %get3A_755 = tpu.vector_load %arg11[%get3A_754] {strides = array<i32>} : memref<768xf32, #tpu.memory_space<vmem>>, vector<16xf32>,
        %mul3A_756 = arith.mulf %mul3A_753, %get3A_755 : vector<16xf32>
        %get3A_757 = arith.constant 160 : index
        %get3A_758 = tpu.vector_load %arg12[%get3A_757] {strides = array<i32>} : memref<768xf32, #tpu.memory_space<vmem>>, vector<16xf32>,
        %add3A_759 = arith.addf %mul3A_756, %get3A_758 : vector<16xf32>
        %swap3A_760 = arith.index_cast %add3A_104 : i32 to index
        %swap3A_761 = arith.constant 160 : index
        %swap3A_762 = tpu.vector_load %arg18[%swap3A_760, %swap3A_761] {strides = array<i32>} : memref<16x768xf32, #tpu.memory_space<vmem>>, vector<16xf32>,
        tpu.vector_store %arg18[%swap3A_760, %swap3A_761], %add3A_759 {strides = array<i32>} : memref<16x768xf32, #tpu.memory_space<vmem>>, vector<16xf32>,
        %sub3A_763 = vector.broadcast %mul3A_586 : f32 to vector<16xf32>
        %sub3A_764 = arith.subf %add3A_216, %sub3A_763 : vector<16xf32>
        %mul3A_765 = vector.broadcast %mul3A_620 : f32 to vector<16xf32>
        %mul3A_766 = arith.mulf %sub3A_764, %mul3A_765 : vector<16xf32>
        %get3A_767 = arith.constant 176 : index
        %get3A_768 = tpu.vector_load %arg11[%get3A_767] {strides = array<i32>} : memref<768xf32, #tpu.memory_space<vmem>>, vector<16xf32>,
        %mul3A_769 = arith.mulf %mul3A_766, %get3A_768 : vector<16xf32>
        %get3A_770 = arith.constant 176 : index
        %get3A_771 = tpu.vector_load %arg12[%get3A_770] {strides = array<i32>} : memref<768xf32, #tpu.memory_space<vmem>>, vector<16xf32>,
        %add3A_772 = arith.addf %mul3A_769, %get3A_771 : vector<16xf32>
        %swap3A_773 = arith.index_cast %add3A_104 : i32 to index
        %swap3A_774 = arith.constant 176 : index
        %swap3A_775 = tpu.vector_load %arg18[%swap3A_773, %swap3A_774] {strides = array<i32>} : memref<16x768xf32, #tpu.memory_space<vmem>>, vector<16xf32>,
        tpu.vector_store %arg18[%swap3A_773, %swap3A_774], %add3A_772 {strides = array<i32>} : memref<16x768xf32, #tpu.memory_space<vmem>>, vector<16xf32>,
        %sub3A_776 = vector.broadcast %mul3A_586 : f32 to vector<16xf32>
        %sub3A_777 = arith.subf %add3A_226, %sub3A_776 : vector<16xf32>
        %mul3A_778 = vector.broadcast %mul3A_620 : f32 to vector<16xf32>
        %mul3A_779 = arith.mulf %sub3A_777, %mul3A_778 : vector<16xf32>
        %get3A_780 = arith.constant 192 : index
        %get3A_781 = tpu.vector_load %arg11[%get3A_780] {strides = array<i32>} : memref<768xf32, #tpu.memory_space<vmem>>, vector<16xf32>,
        %mul3A_782 = arith.mulf %mul3A_779, %get3A_781 : vector<16xf32>
        %get3A_783 = arith.constant 192 : index
        %get3A_784 = tpu.vector_load %arg12[%get3A_783] {strides = array<i32>} : memref<768xf32, #tpu.memory_space<vmem>>, vector<16xf32>,
        %add3A_785 = arith.addf %mul3A_782, %get3A_784 : vector<16xf32>
        %swap3A_786 = arith.index_cast %add3A_104 : i32 to index
        %swap3A_787 = arith.constant 192 : index
        %swap3A_788 = tpu.vector_load %arg18[%swap3A_786, %swap3A_787] {strides = array<i32>} : memref<16x768xf32, #tpu.memory_space<vmem>>, vector<16xf32>,
        tpu.vector_store %arg18[%swap3A_786, %swap3A_787], %add3A_785 {strides = array<i32>} : memref<16x768xf32, #tpu.memory_space<vmem>>, vector<16xf32>,
        %sub3A_789 = vector.broadcast %mul3A_586 : f32 to vector<16xf32>
        %sub3A_790 = arith.subf %add3A_236, %sub3A_789 : vector<16xf32>
        %mul3A_791 = vector.broadcast %mul3A_620 : f32 to vector<16xf32>
        %mul3A_792 = arith.mulf %sub3A_790, %mul3A_791 : vector<16xf32>
        %get3A_793 = arith.constant 208 : index
        %get3A_794 = tpu.vector_load %arg11[%get3A_793] {strides = array<i32>} : memref<768xf32, #tpu.memory_space<vmem>>, vector<16xf32>,
        %mul3A_795 = arith.mulf %mul3A_792, %get3A_794 : vector<16xf32>
        %get3A_796 = arith.constant 208 : index
        %get3A_797 = tpu.vector_load %arg12[%get3A_796] {strides = array<i32>} : memref<768xf32, #tpu.memory_space<vmem>>, vector<16xf32>,
        %add3A_798 = arith.addf %mul3A_795, %get3A_797 : vector<16xf32>
        %swap3A_799 = arith.index_cast %add3A_104 : i32 to index
        %swap3A_800 = arith.constant 208 : index
        %swap3A_801 = tpu.vector_load %arg18[%swap3A_799, %swap3A_800] {strides = array<i32>} : memref<16x768xf32, #tpu.memory_space<vmem>>, vector<16xf32>,
        tpu.vector_store %arg18[%swap3A_799, %swap3A_800], %add3A_798 {strides = array<i32>} : memref<16x768xf32, #tpu.memory_space<vmem>>, vector<16xf32>,
        %sub3A_802 = vector.broadcast %mul3A_586 : f32 to vector<16xf32>
        %sub3A_803 = arith.subf %add3A_246, %sub3A_802 : vector<16xf32>
        %mul3A_804 = vector.broadcast %mul3A_620 : f32 to vector<16xf32>
        %mul3A_805 = arith.mulf %sub3A_803, %mul3A_804 : vector<16xf32>
        %get3A_806 = arith.constant 224 : index
        %get3A_807 = tpu.vector_load %arg11[%get3A_806] {strides = array<i32>} : memref<768xf32, #tpu.memory_space<vmem>>, vector<16xf32>,
        %mul3A_808 = arith.mulf %mul3A_805, %get3A_807 : vector<16xf32>
        %get3A_809 = arith.constant 224 : index
        %get3A_810 = tpu.vector_load %arg12[%get3A_809] {strides = array<i32>} : memref<768xf32, #tpu.memory_space<vmem>>, vector<16xf32>,
        %add3A_811 = arith.addf %mul3A_808, %get3A_810 : vector<16xf32>
        %swap3A_812 = arith.index_cast %add3A_104 : i32 to index
        %swap3A_813 = arith.constant 224 : index
        %swap3A_814 = tpu.vector_load %arg18[%swap3A_812, %swap3A_813] {strides = array<i32>} : memref<16x768xf32, #tpu.memory_space<vmem>>, vector<16xf32>,
        tpu.vector_store %arg18[%swap3A_812, %swap3A_813], %add3A_811 {strides = array<i32>} : memref<16x768xf32, #tpu.memory_space<vmem>>, vector<16xf32>,
        %sub3A_815 = vector.broadcast %mul3A_586 : f32 to vector<16xf32>
        %sub3A_816 = arith.subf %add3A_256, %sub3A_815 : vector<16xf32>
        %mul3A_817 = vector.broadcast %mul3A_620 : f32 to vector<16xf32>
        %mul3A_818 = arith.mulf %sub3A_816, %mul3A_817 : vector<16xf32>
        %get3A_819 = arith.constant 240 : index
        %get3A_820 = tpu.vector_load %arg11[%get3A_819] {strides = array<i32>} : memref<768xf32, #tpu.memory_space<vmem>>, vector<16xf32>,
        %mul3A_821 = arith.mulf %mul3A_818, %get3A_820 : vector<16xf32>
        %get3A_822 = arith.constant 240 : index
        %get3A_823 = tpu.vector_load %arg12[%get3A_822] {strides = array<i32>} : memref<768xf32, #tpu.memory_space<vmem>>, vector<16xf32>,
        %add3A_824 = arith.addf %mul3A_821, %get3A_823 : vector<16xf32>
        %swap3A_825 = arith.index_cast %add3A_104 : i32 to index
        %swap3A_826 = arith.constant 240 : index
        %swap3A_827 = tpu.vector_load %arg18[%swap3A_825, %swap3A_826] {strides = array<i32>} : memref<16x768xf32, #tpu.memory_space<vmem>>, vector<16xf32>,
        tpu.vector_store %arg18[%swap3A_825, %swap3A_826], %add3A_824 {strides = array<i32>} : memref<16x768xf32, #tpu.memory_space<vmem>>, vector<16xf32>,
        %sub3A_828 = vector.broadcast %mul3A_586 : f32 to vector<16xf32>
        %sub3A_829 = arith.subf %add3A_266, %sub3A_828 : vector<16xf32>
        %mul3A_830 = vector.broadcast %mul3A_620 : f32 to vector<16xf32>
        %mul3A_831 = arith.mulf %sub3A_829, %mul3A_830 : vector<16xf32>
        %get3A_832 = arith.constant 256 : index
        %get3A_833 = tpu.vector_load %arg11[%get3A_832] {strides = array<i32>} : memref<768xf32, #tpu.memory_space<vmem>>, vector<16xf32>,
        %mul3A_834 = arith.mulf %mul3A_831, %get3A_833 : vector<16xf32>
        %get3A_835 = arith.constant 256 : index
        %get3A_836 = tpu.vector_load %arg12[%get3A_835] {strides = array<i32>} : memref<768xf32, #tpu.memory_space<vmem>>, vector<16xf32>,
        %add3A_837 = arith.addf %mul3A_834, %get3A_836 : vector<16xf32>
        %swap3A_838 = arith.index_cast %add3A_104 : i32 to index
        %swap3A_839 = arith.constant 256 : index
        %swap3A_840 = tpu.vector_load %arg18[%swap3A_838, %swap3A_839] {strides = array<i32>} : memref<16x768xf32, #tpu.memory_space<vmem>>, vector<16xf32>,
        tpu.vector_store %arg18[%swap3A_838, %swap3A_839], %add3A_837 {strides = array<i32>} : memref<16x768xf32, #tpu.memory_space<vmem>>, vector<16xf32>,
        %sub3A_841 = vector.broadcast %mul3A_586 : f32 to vector<16xf32>
        %sub3A_842 = arith.subf %add3A_276, %sub3A_841 : vector<16xf32>
        %mul3A_843 = vector.broadcast %mul3A_620 : f32 to vector<16xf32>
        %mul3A_844 = arith.mulf %sub3A_842, %mul3A_843 : vector<16xf32>
        %get3A_845 = arith.constant 272 : index
        %get3A_846 = tpu.vector_load %arg11[%get3A_845] {strides = array<i32>} : memref<768xf32, #tpu.memory_space<vmem>>, vector<16xf32>,
        %mul3A_847 = arith.mulf %mul3A_844, %get3A_846 : vector<16xf32>
        %get3A_848 = arith.constant 272 : index
        %get3A_849 = tpu.vector_load %arg12[%get3A_848] {strides = array<i32>} : memref<768xf32, #tpu.memory_space<vmem>>, vector<16xf32>,
        %add3A_850 = arith.addf %mul3A_847, %get3A_849 : vector<16xf32>
        %swap3A_851 = arith.index_cast %add3A_104 : i32 to index
        %swap3A_852 = arith.constant 272 : index
        %swap3A_853 = tpu.vector_load %arg18[%swap3A_851, %swap3A_852] {strides = array<i32>} : memref<16x768xf32, #tpu.memory_space<vmem>>, vector<16xf32>,
        tpu.vector_store %arg18[%swap3A_851, %swap3A_852], %add3A_850 {strides = array<i32>} : memref<16x768xf32, #tpu.memory_space<vmem>>, vector<16xf32>,
        %sub3A_854 = vector.broadcast %mul3A_586 : f32 to vector<16xf32>
        %sub3A_855 = arith.subf %add3A_286, %sub3A_854 : vector<16xf32>
        %mul3A_856 = vector.broadcast %mul3A_620 : f32 to vector<16xf32>
        %mul3A_857 = arith.mulf %sub3A_855, %mul3A_856 : vector<16xf32>
        %get3A_858 = arith.constant 288 : index
        %get3A_859 = tpu.vector_load %arg11[%get3A_858] {strides = array<i32>} : memref<768xf32, #tpu.memory_space<vmem>>, vector<16xf32>,
        %mul3A_860 = arith.mulf %mul3A_857, %get3A_859 : vector<16xf32>
        %get3A_861 = arith.constant 288 : index
        %get3A_862 = tpu.vector_load %arg12[%get3A_861] {strides = array<i32>} : memref<768xf32, #tpu.memory_space<vmem>>, vector<16xf32>,
        %add3A_863 = arith.addf %mul3A_860, %get3A_862 : vector<16xf32>
        %swap3A_864 = arith.index_cast %add3A_104 : i32 to index
        %swap3A_865 = arith.constant 288 : index
        %swap3A_866 = tpu.vector_load %arg18[%swap3A_864, %swap3A_865] {strides = array<i32>} : memref<16x768xf32, #tpu.memory_space<vmem>>, vector<16xf32>,
        tpu.vector_store %arg18[%swap3A_864, %swap3A_865], %add3A_863 {strides = array<i32>} : memref<16x768xf32, #tpu.memory_space<vmem>>, vector<16xf32>,
        %sub3A_867 = vector.broadcast %mul3A_586 : f32 to vector<16xf32>
        %sub3A_868 = arith.subf %add3A_296, %sub3A_867 : vector<16xf32>
        %mul3A_869 = vector.broadcast %mul3A_620 : f32 to vector<16xf32>
        %mul3A_870 = arith.mulf %sub3A_868, %mul3A_869 : vector<16xf32>
        %get3A_871 = arith.constant 304 : index
        %get3A_872 = tpu.vector_load %arg11[%get3A_871] {strides = array<i32>} : memref<768xf32, #tpu.memory_space<vmem>>, vector<16xf32>,
        %mul3A_873 = arith.mulf %mul3A_870, %get3A_872 : vector<16xf32>
        %get3A_874 = arith.constant 304 : index
        %get3A_875 = tpu.vector_load %arg12[%get3A_874] {strides = array<i32>} : memref<768xf32, #tpu.memory_space<vmem>>, vector<16xf32>,
        %add3A_876 = arith.addf %mul3A_873, %get3A_875 : vector<16xf32>
        %swap3A_877 = arith.index_cast %add3A_104 : i32 to index
        %swap3A_878 = arith.constant 304 : index
        %swap3A_879 = tpu.vector_load %arg18[%swap3A_877, %swap3A_878] {strides = array<i32>} : memref<16x768xf32, #tpu.memory_space<vmem>>, vector<16xf32>,
        tpu.vector_store %arg18[%swap3A_877, %swap3A_878], %add3A_876 {strides = array<i32>} : memref<16x768xf32, #tpu.memory_space<vmem>>, vector<16xf32>,
        %sub3A_880 = vector.broadcast %mul3A_586 : f32 to vector<16xf32>
        %sub3A_881 = arith.subf %add3A_306, %sub3A_880 : vector<16xf32>
        %mul3A_882 = vector.broadcast %mul3A_620 : f32 to vector<16xf32>
        %mul3A_883 = arith.mulf %sub3A_881, %mul3A_882 : vector<16xf32>
        %get3A_884 = arith.constant 320 : index
        %get3A_885 = tpu.vector_load %arg11[%get3A_884] {strides = array<i32>} : memref<768xf32, #tpu.memory_space<vmem>>, vector<16xf32>,
        %mul3A_886 = arith.mulf %mul3A_883, %get3A_885 : vector<16xf32>
        %get3A_887 = arith.constant 320 : index
        %get3A_888 = tpu.vector_load %arg12[%get3A_887] {strides = array<i32>} : memref<768xf32, #tpu.memory_space<vmem>>, vector<16xf32>,
        %add3A_889 = arith.addf %mul3A_886, %get3A_888 : vector<16xf32>
        %swap3A_890 = arith.index_cast %add3A_104 : i32 to index
        %swap3A_891 = arith.constant 320 : index
        %swap3A_892 = tpu.vector_load %arg18[%swap3A_890, %swap3A_891] {strides = array<i32>} : memref<16x768xf32, #tpu.memory_space<vmem>>, vector<16xf32>,
        tpu.vector_store %arg18[%swap3A_890, %swap3A_891], %add3A_889 {strides = array<i32>} : memref<16x768xf32, #tpu.memory_space<vmem>>, vector<16xf32>,
        %sub3A_893 = vector.broadcast %mul3A_586 : f32 to vector<16xf32>
        %sub3A_894 = arith.subf %add3A_316, %sub3A_893 : vector<16xf32>
        %mul3A_895 = vector.broadcast %mul3A_620 : f32 to vector<16xf32>
        %mul3A_896 = arith.mulf %sub3A_894, %mul3A_895 : vector<16xf32>
        %get3A_897 = arith.constant 336 : index
        %get3A_898 = tpu.vector_load %arg11[%get3A_897] {strides = array<i32>} : memref<768xf32, #tpu.memory_space<vmem>>, vector<16xf32>,
        %mul3A_899 = arith.mulf %mul3A_896, %get3A_898 : vector<16xf32>
        %get3A_900 = arith.constant 336 : index
        %get3A_901 = tpu.vector_load %arg12[%get3A_900] {strides = array<i32>} : memref<768xf32, #tpu.memory_space<vmem>>, vector<16xf32>,
        %add3A_902 = arith.addf %mul3A_899, %get3A_901 : vector<16xf32>
        %swap3A_903 = arith.index_cast %add3A_104 : i32 to index
        %swap3A_904 = arith.constant 336 : index
        %swap3A_905 = tpu.vector_load %arg18[%swap3A_903, %swap3A_904] {strides = array<i32>} : memref<16x768xf32, #tpu.memory_space<vmem>>, vector<16xf32>,
        tpu.vector_store %arg18[%swap3A_903, %swap3A_904], %add3A_902 {strides = array<i32>} : memref<16x768xf32, #tpu.memory_space<vmem>>, vector<16xf32>,
        %sub3A_906 = vector.broadcast %mul3A_586 : f32 to vector<16xf32>
        %sub3A_907 = arith.subf %add3A_326, %sub3A_906 : vector<16xf32>
        %mul3A_908 = vector.broadcast %mul3A_620 : f32 to vector<16xf32>
        %mul3A_909 = arith.mulf %sub3A_907, %mul3A_908 : vector<16xf32>
        %get3A_910 = arith.constant 352 : index
        %get3A_911 = tpu.vector_load %arg11[%get3A_910] {strides = array<i32>} : memref<768xf32, #tpu.memory_space<vmem>>, vector<16xf32>,
        %mul3A_912 = arith.mulf %mul3A_909, %get3A_911 : vector<16xf32>
        %get3A_913 = arith.constant 352 : index
        %get3A_914 = tpu.vector_load %arg12[%get3A_913] {strides = array<i32>} : memref<768xf32, #tpu.memory_space<vmem>>, vector<16xf32>,
        %add3A_915 = arith.addf %mul3A_912, %get3A_914 : vector<16xf32>
        %swap3A_916 = arith.index_cast %add3A_104 : i32 to index
        %swap3A_917 = arith.constant 352 : index
        %swap3A_918 = tpu.vector_load %arg18[%swap3A_916, %swap3A_917] {strides = array<i32>} : memref<16x768xf32, #tpu.memory_space<vmem>>, vector<16xf32>,
        tpu.vector_store %arg18[%swap3A_916, %swap3A_917], %add3A_915 {strides = array<i32>} : memref<16x768xf32, #tpu.memory_space<vmem>>, vector<16xf32>,
        %sub3A_919 = vector.broadcast %mul3A_586 : f32 to vector<16xf32>
        %sub3A_920 = arith.subf %add3A_336, %sub3A_919 : vector<16xf32>
        %mul3A_921 = vector.broadcast %mul3A_620 : f32 to vector<16xf32>
        %mul3A_922 = arith.mulf %sub3A_920, %mul3A_921 : vector<16xf32>
        %get3A_923 = arith.constant 368 : index
        %get3A_924 = tpu.vector_load %arg11[%get3A_923] {strides = array<i32>} : memref<768xf32, #tpu.memory_space<vmem>>, vector<16xf32>,
        %mul3A_925 = arith.mulf %mul3A_922, %get3A_924 : vector<16xf32>
        %get3A_926 = arith.constant 368 : index
        %get3A_927 = tpu.vector_load %arg12[%get3A_926] {strides = array<i32>} : memref<768xf32, #tpu.memory_space<vmem>>, vector<16xf32>,
        %add3A_928 = arith.addf %mul3A_925, %get3A_927 : vector<16xf32>
        %swap3A_929 = arith.index_cast %add3A_104 : i32 to index
        %swap3A_930 = arith.constant 368 : index
        %swap3A_931 = tpu.vector_load %arg18[%swap3A_929, %swap3A_930] {strides = array<i32>} : memref<16x768xf32, #tpu.memory_space<vmem>>, vector<16xf32>,
        tpu.vector_store %arg18[%swap3A_929, %swap3A_930], %add3A_928 {strides = array<i32>} : memref<16x768xf32, #tpu.memory_space<vmem>>, vector<16xf32>,
        %sub3A_932 = vector.broadcast %mul3A_586 : f32 to vector<16xf32>
        %sub3A_933 = arith.subf %add3A_346, %sub3A_932 : vector<16xf32>
        %mul3A_934 = vector.broadcast %mul3A_620 : f32 to vector<16xf32>
        %mul3A_935 = arith.mulf %sub3A_933, %mul3A_934 : vector<16xf32>
        %get3A_936 = arith.constant 384 : index
        %get3A_937 = tpu.vector_load %arg11[%get3A_936] {strides = array<i32>} : memref<768xf32, #tpu.memory_space<vmem>>, vector<16xf32>,
        %mul3A_938 = arith.mulf %mul3A_935, %get3A_937 : vector<16xf32>
        %get3A_939 = arith.constant 384 : index
        %get3A_940 = tpu.vector_load %arg12[%get3A_939] {strides = array<i32>} : memref<768xf32, #tpu.memory_space<vmem>>, vector<16xf32>,
        %add3A_941 = arith.addf %mul3A_938, %get3A_940 : vector<16xf32>
        %swap3A_942 = arith.index_cast %add3A_104 : i32 to index
        %swap3A_943 = arith.constant 384 : index
        %swap3A_944 = tpu.vector_load %arg18[%swap3A_942, %swap3A_943] {strides = array<i32>} : memref<16x768xf32, #tpu.memory_space<vmem>>, vector<16xf32>,
        tpu.vector_store %arg18[%swap3A_942, %swap3A_943], %add3A_941 {strides = array<i32>} : memref<16x768xf32, #tpu.memory_space<vmem>>, vector<16xf32>,
        %sub3A_945 = vector.broadcast %mul3A_586 : f32 to vector<16xf32>
        %sub3A_946 = arith.subf %add3A_356, %sub3A_945 : vector<16xf32>
        %mul3A_947 = vector.broadcast %mul3A_620 : f32 to vector<16xf32>
        %mul3A_948 = arith.mulf %sub3A_946, %mul3A_947 : vector<16xf32>
        %get3A_949 = arith.constant 400 : index
        %get3A_950 = tpu.vector_load %arg11[%get3A_949] {strides = array<i32>} : memref<768xf32, #tpu.memory_space<vmem>>, vector<16xf32>,
        %mul3A_951 = arith.mulf %mul3A_948, %get3A_950 : vector<16xf32>
        %get3A_952 = arith.constant 400 : index
        %get3A_953 = tpu.vector_load %arg12[%get3A_952] {strides = array<i32>} : memref<768xf32, #tpu.memory_space<vmem>>, vector<16xf32>,
        %add3A_954 = arith.addf %mul3A_951, %get3A_953 : vector<16xf32>
        %swap3A_955 = arith.index_cast %add3A_104 : i32 to index
        %swap3A_956 = arith.constant 400 : index
        %swap3A_957 = tpu.vector_load %arg18[%swap3A_955, %swap3A_956] {strides = array<i32>} : memref<16x768xf32, #tpu.memory_space<vmem>>, vector<16xf32>,
        tpu.vector_store %arg18[%swap3A_955, %swap3A_956], %add3A_954 {strides = array<i32>} : memref<16x768xf32, #tpu.memory_space<vmem>>, vector<16xf32>,
        %sub3A_958 = vector.broadcast %mul3A_586 : f32 to vector<16xf32>
        %sub3A_959 = arith.subf %add3A_366, %sub3A_958 : vector<16xf32>
        %mul3A_960 = vector.broadcast %mul3A_620 : f32 to vector<16xf32>
        %mul3A_961 = arith.mulf %sub3A_959, %mul3A_960 : vector<16xf32>
        %get3A_962 = arith.constant 416 : index
        %get3A_963 = tpu.vector_load %arg11[%get3A_962] {strides = array<i32>} : memref<768xf32, #tpu.memory_space<vmem>>, vector<16xf32>,
        %mul3A_964 = arith.mulf %mul3A_961, %get3A_963 : vector<16xf32>
        %get3A_965 = arith.constant 416 : index
        %get3A_966 = tpu.vector_load %arg12[%get3A_965] {strides = array<i32>} : memref<768xf32, #tpu.memory_space<vmem>>, vector<16xf32>,
        %add3A_967 = arith.addf %mul3A_964, %get3A_966 : vector<16xf32>
        %swap3A_968 = arith.index_cast %add3A_104 : i32 to index
        %swap3A_969 = arith.constant 416 : index
        %swap3A_970 = tpu.vector_load %arg18[%swap3A_968, %swap3A_969] {strides = array<i32>} : memref<16x768xf32, #tpu.memory_space<vmem>>, vector<16xf32>,
        tpu.vector_store %arg18[%swap3A_968, %swap3A_969], %add3A_967 {strides = array<i32>} : memref<16x768xf32, #tpu.memory_space<vmem>>, vector<16xf32>,
        %sub3A_971 = vector.broadcast %mul3A_586 : f32 to vector<16xf32>
        %sub3A_972 = arith.subf %add3A_376, %sub3A_971 : vector<16xf32>
        %mul3A_973 = vector.broadcast %mul3A_620 : f32 to vector<16xf32>
        %mul3A_974 = arith.mulf %sub3A_972, %mul3A_973 : vector<16xf32>
        %get3A_975 = arith.constant 432 : index
        %get3A_976 = tpu.vector_load %arg11[%get3A_975] {strides = array<i32>} : memref<768xf32, #tpu.memory_space<vmem>>, vector<16xf32>,
        %mul3A_977 = arith.mulf %mul3A_974, %get3A_976 : vector<16xf32>
        %get3A_978 = arith.constant 432 : index
        %get3A_979 = tpu.vector_load %arg12[%get3A_978] {strides = array<i32>} : memref<768xf32, #tpu.memory_space<vmem>>, vector<16xf32>,
        %add3A_980 = arith.addf %mul3A_977, %get3A_979 : vector<16xf32>
        %swap3A_981 = arith.index_cast %add3A_104 : i32 to index
        %swap3A_982 = arith.constant 432 : index
        %swap3A_983 = tpu.vector_load %arg18[%swap3A_981, %swap3A_982] {strides = array<i32>} : memref<16x768xf32, #tpu.memory_space<vmem>>, vector<16xf32>,
        tpu.vector_store %arg18[%swap3A_981, %swap3A_982], %add3A_980 {strides = array<i32>} : memref<16x768xf32, #tpu.memory_space<vmem>>, vector<16xf32>,
        %sub3A_984 = vector.broadcast %mul3A_586 : f32 to vector<16xf32>
        %sub3A_985 = arith.subf %add3A_386, %sub3A_984 : vector<16xf32>
        %mul3A_986 = vector.broadcast %mul3A_620 : f32 to vector<16xf32>
        %mul3A_987 = arith.mulf %sub3A_985, %mul3A_986 : vector<16xf32>
        %get3A_988 = arith.constant 448 : index
        %get3A_989 = tpu.vector_load %arg11[%get3A_988] {strides = array<i32>} : memref<768xf32, #tpu.memory_space<vmem>>, vector<16xf32>,
        %mul3A_990 = arith.mulf %mul3A_987, %get3A_989 : vector<16xf32>
        %get3A_991 = arith.constant 448 : index
        %get3A_992 = tpu.vector_load %arg12[%get3A_991] {strides = array<i32>} : memref<768xf32, #tpu.memory_space<vmem>>, vector<16xf32>,
        %add3A_993 = arith.addf %mul3A_990, %get3A_992 : vector<16xf32>
        %swap3A_994 = arith.index_cast %add3A_104 : i32 to index
        %swap3A_995 = arith.constant 448 : index
        %swap3A_996 = tpu.vector_load %arg18[%swap3A_994, %swap3A_995] {strides = array<i32>} : memref<16x768xf32, #tpu.memory_space<vmem>>, vector<16xf32>,
        tpu.vector_store %arg18[%swap3A_994, %swap3A_995], %add3A_993 {strides = array<i32>} : memref<16x768xf32, #tpu.memory_space<vmem>>, vector<16xf32>,
        %sub3A_997 = vector.broadcast %mul3A_586 : f32 to vector<16xf32>
        %sub3A_998 = arith.subf %add3A_396, %sub3A_997 : vector<16xf32>
        %mul3A_999 = vector.broadcast %mul3A_620 : f32 to vector<16xf32>
        %mul3A_1000 = arith.mulf %sub3A_998, %mul3A_999 : vector<16xf32>
        %get3A_1001 = arith.constant 464 : index
        %get3A_1002 = tpu.vector_load %arg11[%get3A_1001] {strides = array<i32>} : memref<768xf32, #tpu.memory_space<vmem>>, vector<16xf32>,
        %mul3A_1003 = arith.mulf %mul3A_1000, %get3A_1002 : vector<16xf32>
        %get3A_1004 = arith.constant 464 : index
        %get3A_1005 = tpu.vector_load %arg12[%get3A_1004] {strides = array<i32>} : memref<768xf32, #tpu.memory_space<vmem>>, vector<16xf32>,
        %add3A_1006 = arith.addf %mul3A_1003, %get3A_1005 : vector<16xf32>
        %swap3A_1007 = arith.index_cast %add3A_104 : i32 to index
        %swap3A_1008 = arith.constant 464 : index
        %swap3A_1009 = tpu.vector_load %arg18[%swap3A_1007, %swap3A_1008] {strides = array<i32>} : memref<16x768xf32, #tpu.memory_space<vmem>>, vector<16xf32>,
        tpu.vector_store %arg18[%swap3A_1007, %swap3A_1008], %add3A_1006 {strides = array<i32>} : memref<16x768xf32, #tpu.memory_space<vmem>>, vector<16xf32>,
        %sub3A_1010 = vector.broadcast %mul3A_586 : f32 to vector<16xf32>
        %sub3A_1011 = arith.subf %add3A_406, %sub3A_1010 : vector<16xf32>
        %mul3A_1012 = vector.broadcast %mul3A_620 : f32 to vector<16xf32>
        %mul3A_1013 = arith.mulf %sub3A_1011, %mul3A_1012 : vector<16xf32>
        %get3A_1014 = arith.constant 480 : index
        %get3A_1015 = tpu.vector_load %arg11[%get3A_1014] {strides = array<i32>} : memref<768xf32, #tpu.memory_space<vmem>>, vector<16xf32>,
        %mul3A_1016 = arith.mulf %mul3A_1013, %get3A_1015 : vector<16xf32>
        %get3A_1017 = arith.constant 480 : index
        %get3A_1018 = tpu.vector_load %arg12[%get3A_1017] {strides = array<i32>} : memref<768xf32, #tpu.memory_space<vmem>>, vector<16xf32>,
        %add3A_1019 = arith.addf %mul3A_1016, %get3A_1018 : vector<16xf32>
        %swap3A_1020 = arith.index_cast %add3A_104 : i32 to index
        %swap3A_1021 = arith.constant 480 : index
        %swap3A_1022 = tpu.vector_load %arg18[%swap3A_1020, %swap3A_1021] {strides = array<i32>} : memref<16x768xf32, #tpu.memory_space<vmem>>, vector<16xf32>,
        tpu.vector_store %arg18[%swap3A_1020, %swap3A_1021], %add3A_1019 {strides = array<i32>} : memref<16x768xf32, #tpu.memory_space<vmem>>, vector<16xf32>,
        %sub3A_1023 = vector.broadcast %mul3A_586 : f32 to vector<16xf32>
        %sub3A_1024 = arith.subf %add3A_416, %sub3A_1023 : vector<16xf32>
        %mul3A_1025 = vector.broadcast %mul3A_620 : f32 to vector<16xf32>
        %mul3A_1026 = arith.mulf %sub3A_1024, %mul3A_1025 : vector<16xf32>
        %get3A_1027 = arith.constant 496 : index
        %get3A_1028 = tpu.vector_load %arg11[%get3A_1027] {strides = array<i32>} : memref<768xf32, #tpu.memory_space<vmem>>, vector<16xf32>,
        %mul3A_1029 = arith.mulf %mul3A_1026, %get3A_1028 : vector<16xf32>
        %get3A_1030 = arith.constant 496 : index
        %get3A_1031 = tpu.vector_load %arg12[%get3A_1030] {strides = array<i32>} : memref<768xf32, #tpu.memory_space<vmem>>, vector<16xf32>,
        %add3A_1032 = arith.addf %mul3A_1029, %get3A_1031 : vector<16xf32>
        %swap3A_1033 = arith.index_cast %add3A_104 : i32 to index
        %swap3A_1034 = arith.constant 496 : index
        %swap3A_1035 = tpu.vector_load %arg18[%swap3A_1033, %swap3A_1034] {strides = array<i32>} : memref<16x768xf32, #tpu.memory_space<vmem>>, vector<16xf32>,
        tpu.vector_store %arg18[%swap3A_1033, %swap3A_1034], %add3A_1032 {strides = array<i32>} : memref<16x768xf32, #tpu.memory_space<vmem>>, vector<16xf32>,
        %sub3A_1036 = vector.broadcast %mul3A_586 : f32 to vector<16xf32>
        %sub3A_1037 = arith.subf %add3A_426, %sub3A_1036 : vector<16xf32>
        %mul3A_1038 = vector.broadcast %mul3A_620 : f32 to vector<16xf32>
        %mul3A_1039 = arith.mulf %sub3A_1037, %mul3A_1038 : vector<16xf32>
        %get3A_1040 = arith.constant 512 : index
        %get3A_1041 = tpu.vector_load %arg11[%get3A_1040] {strides = array<i32>} : memref<768xf32, #tpu.memory_space<vmem>>, vector<16xf32>,
        %mul3A_1042 = arith.mulf %mul3A_1039, %get3A_1041 : vector<16xf32>
        %get3A_1043 = arith.constant 512 : index
        %get3A_1044 = tpu.vector_load %arg12[%get3A_1043] {strides = array<i32>} : memref<768xf32, #tpu.memory_space<vmem>>, vector<16xf32>,
        %add3A_1045 = arith.addf %mul3A_1042, %get3A_1044 : vector<16xf32>
        %swap3A_1046 = arith.index_cast %add3A_104 : i32 to index
        %swap3A_1047 = arith.constant 512 : index
        %swap3A_1048 = tpu.vector_load %arg18[%swap3A_1046, %swap3A_1047] {strides = array<i32>} : memref<16x768xf32, #tpu.memory_space<vmem>>, vector<16xf32>,
        tpu.vector_store %arg18[%swap3A_1046, %swap3A_1047], %add3A_1045 {strides = array<i32>} : memref<16x768xf32, #tpu.memory_space<vmem>>, vector<16xf32>,
        %sub3A_1049 = vector.broadcast %mul3A_586 : f32 to vector<16xf32>
        %sub3A_1050 = arith.subf %add3A_436, %sub3A_1049 : vector<16xf32>
        %mul3A_1051 = vector.broadcast %mul3A_620 : f32 to vector<16xf32>
        %mul3A_1052 = arith.mulf %sub3A_1050, %mul3A_1051 : vector<16xf32>
        %get3A_1053 = arith.constant 528 : index
        %get3A_1054 = tpu.vector_load %arg11[%get3A_1053] {strides = array<i32>} : memref<768xf32, #tpu.memory_space<vmem>>, vector<16xf32>,
        %mul3A_1055 = arith.mulf %mul3A_1052, %get3A_1054 : vector<16xf32>
        %get3A_1056 = arith.constant 528 : index
        %get3A_1057 = tpu.vector_load %arg12[%get3A_1056] {strides = array<i32>} : memref<768xf32, #tpu.memory_space<vmem>>, vector<16xf32>,
        %add3A_1058 = arith.addf %mul3A_1055, %get3A_1057 : vector<16xf32>
        %swap3A_1059 = arith.index_cast %add3A_104 : i32 to index
        %swap3A_1060 = arith.constant 528 : index
        %swap3A_1061 = tpu.vector_load %arg18[%swap3A_1059, %swap3A_1060] {strides = array<i32>} : memref<16x768xf32, #tpu.memory_space<vmem>>, vector<16xf32>,
        tpu.vector_store %arg18[%swap3A_1059, %swap3A_1060], %add3A_1058 {strides = array<i32>} : memref<16x768xf32, #tpu.memory_space<vmem>>, vector<16xf32>,
        %sub3A_1062 = vector.broadcast %mul3A_586 : f32 to vector<16xf32>
        %sub3A_1063 = arith.subf %add3A_446, %sub3A_1062 : vector<16xf32>
        %mul3A_1064 = vector.broadcast %mul3A_620 : f32 to vector<16xf32>
        %mul3A_1065 = arith.mulf %sub3A_1063, %mul3A_1064 : vector<16xf32>
        %get3A_1066 = arith.constant 544 : index
        %get3A_1067 = tpu.vector_load %arg11[%get3A_1066] {strides = array<i32>} : memref<768xf32, #tpu.memory_space<vmem>>, vector<16xf32>,
        %mul3A_1068 = arith.mulf %mul3A_1065, %get3A_1067 : vector<16xf32>
        %get3A_1069 = arith.constant 544 : index
        %get3A_1070 = tpu.vector_load %arg12[%get3A_1069] {strides = array<i32>} : memref<768xf32, #tpu.memory_space<vmem>>, vector<16xf32>,
        %add3A_1071 = arith.addf %mul3A_1068, %get3A_1070 : vector<16xf32>
        %swap3A_1072 = arith.index_cast %add3A_104 : i32 to index
        %swap3A_1073 = arith.constant 544 : index
        %swap3A_1074 = tpu.vector_load %arg18[%swap3A_1072, %swap3A_1073] {strides = array<i32>} : memref<16x768xf32, #tpu.memory_space<vmem>>, vector<16xf32>,
        tpu.vector_store %arg18[%swap3A_1072, %swap3A_1073], %add3A_1071 {strides = array<i32>} : memref<16x768xf32, #tpu.memory_space<vmem>>, vector<16xf32>,
        %sub3A_1075 = vector.broadcast %mul3A_586 : f32 to vector<16xf32>
        %sub3A_1076 = arith.subf %add3A_456, %sub3A_1075 : vector<16xf32>
        %mul3A_1077 = vector.broadcast %mul3A_620 : f32 to vector<16xf32>
        %mul3A_1078 = arith.mulf %sub3A_1076, %mul3A_1077 : vector<16xf32>
        %get3A_1079 = arith.constant 560 : index
        %get3A_1080 = tpu.vector_load %arg11[%get3A_1079] {strides = array<i32>} : memref<768xf32, #tpu.memory_space<vmem>>, vector<16xf32>,
        %mul3A_1081 = arith.mulf %mul3A_1078, %get3A_1080 : vector<16xf32>
        %get3A_1082 = arith.constant 560 : index
        %get3A_1083 = tpu.vector_load %arg12[%get3A_1082] {strides = array<i32>} : memref<768xf32, #tpu.memory_space<vmem>>, vector<16xf32>,
        %add3A_1084 = arith.addf %mul3A_1081, %get3A_1083 : vector<16xf32>
        %swap3A_1085 = arith.index_cast %add3A_104 : i32 to index
        %swap3A_1086 = arith.constant 560 : index
        %swap3A_1087 = tpu.vector_load %arg18[%swap3A_1085, %swap3A_1086] {strides = array<i32>} : memref<16x768xf32, #tpu.memory_space<vmem>>, vector<16xf32>,
        tpu.vector_store %arg18[%swap3A_1085, %swap3A_1086], %add3A_1084 {strides = array<i32>} : memref<16x768xf32, #tpu.memory_space<vmem>>, vector<16xf32>,
        %sub3A_1088 = vector.broadcast %mul3A_586 : f32 to vector<16xf32>
        %sub3A_1089 = arith.subf %add3A_466, %sub3A_1088 : vector<16xf32>
        %mul3A_1090 = vector.broadcast %mul3A_620 : f32 to vector<16xf32>
        %mul3A_1091 = arith.mulf %sub3A_1089, %mul3A_1090 : vector<16xf32>
        %get3A_1092 = arith.constant 576 : index
        %get3A_1093 = tpu.vector_load %arg11[%get3A_1092] {strides = array<i32>} : memref<768xf32, #tpu.memory_space<vmem>>, vector<16xf32>,
        %mul3A_1094 = arith.mulf %mul3A_1091, %get3A_1093 : vector<16xf32>
        %get3A_1095 = arith.constant 576 : index
        %get3A_1096 = tpu.vector_load %arg12[%get3A_1095] {strides = array<i32>} : memref<768xf32, #tpu.memory_space<vmem>>, vector<16xf32>,
        %add3A_1097 = arith.addf %mul3A_1094, %get3A_1096 : vector<16xf32>
        %swap3A_1098 = arith.index_cast %add3A_104 : i32 to index
        %swap3A_1099 = arith.constant 576 : index
        %swap3A_1100 = tpu.vector_load %arg18[%swap3A_1098, %swap3A_1099] {strides = array<i32>} : memref<16x768xf32, #tpu.memory_space<vmem>>, vector<16xf32>,
        tpu.vector_store %arg18[%swap3A_1098, %swap3A_1099], %add3A_1097 {strides = array<i32>} : memref<16x768xf32, #tpu.memory_space<vmem>>, vector<16xf32>,
        %sub3A_1101 = vector.broadcast %mul3A_586 : f32 to vector<16xf32>
        %sub3A_1102 = arith.subf %add3A_476, %sub3A_1101 : vector<16xf32>
        %mul3A_1103 = vector.broadcast %mul3A_620 : f32 to vector<16xf32>
        %mul3A_1104 = arith.mulf %sub3A_1102, %mul3A_1103 : vector<16xf32>
        %get3A_1105 = arith.constant 592 : index
        %get3A_1106 = tpu.vector_load %arg11[%get3A_1105] {strides = array<i32>} : memref<768xf32, #tpu.memory_space<vmem>>, vector<16xf32>,
        %mul3A_1107 = arith.mulf %mul3A_1104, %get3A_1106 : vector<16xf32>
        %get3A_1108 = arith.constant 592 : index
        %get3A_1109 = tpu.vector_load %arg12[%get3A_1108] {strides = array<i32>} : memref<768xf32, #tpu.memory_space<vmem>>, vector<16xf32>,
        %add3A_1110 = arith.addf %mul3A_1107, %get3A_1109 : vector<16xf32>
        %swap3A_1111 = arith.index_cast %add3A_104 : i32 to index
        %swap3A_1112 = arith.constant 592 : index
        %swap3A_1113 = tpu.vector_load %arg18[%swap3A_1111, %swap3A_1112] {strides = array<i32>} : memref<16x768xf32, #tpu.memory_space<vmem>>, vector<16xf32>,
        tpu.vector_store %arg18[%swap3A_1111, %swap3A_1112], %add3A_1110 {strides = array<i32>} : memref<16x768xf32, #tpu.memory_space<vmem>>, vector<16xf32>,
        %sub3A_1114 = vector.broadcast %mul3A_586 : f32 to vector<16xf32>
        %sub3A_1115 = arith.subf %add3A_486, %sub3A_1114 : vector<16xf32>
        %mul3A_1116 = vector.broadcast %mul3A_620 : f32 to vector<16xf32>
        %mul3A_1117 = arith.mulf %sub3A_1115, %mul3A_1116 : vector<16xf32>
        %get3A_1118 = arith.constant 608 : index
        %get3A_1119 = tpu.vector_load %arg11[%get3A_1118] {strides = array<i32>} : memref<768xf32, #tpu.memory_space<vmem>>, vector<16xf32>,
        %mul3A_1120 = arith.mulf %mul3A_1117, %get3A_1119 : vector<16xf32>
        %get3A_1121 = arith.constant 608 : index
        %get3A_1122 = tpu.vector_load %arg12[%get3A_1121] {strides = array<i32>} : memref<768xf32, #tpu.memory_space<vmem>>, vector<16xf32>,
        %add3A_1123 = arith.addf %mul3A_1120, %get3A_1122 : vector<16xf32>
        %swap3A_1124 = arith.index_cast %add3A_104 : i32 to index
        %swap3A_1125 = arith.constant 608 : index
        %swap3A_1126 = tpu.vector_load %arg18[%swap3A_1124, %swap3A_1125] {strides = array<i32>} : memref<16x768xf32, #tpu.memory_space<vmem>>, vector<16xf32>,
        tpu.vector_store %arg18[%swap3A_1124, %swap3A_1125], %add3A_1123 {strides = array<i32>} : memref<16x768xf32, #tpu.memory_space<vmem>>, vector<16xf32>,
        %sub3A_1127 = vector.broadcast %mul3A_586 : f32 to vector<16xf32>
        %sub3A_1128 = arith.subf %add3A_496, %sub3A_1127 : vector<16xf32>
        %mul3A_1129 = vector.broadcast %mul3A_620 : f32 to vector<16xf32>
        %mul3A_1130 = arith.mulf %sub3A_1128, %mul3A_1129 : vector<16xf32>
        %get3A_1131 = arith.constant 624 : index
        %get3A_1132 = tpu.vector_load %arg11[%get3A_1131] {strides = array<i32>} : memref<768xf32, #tpu.memory_space<vmem>>, vector<16xf32>,
        %mul3A_1133 = arith.mulf %mul3A_1130, %get3A_1132 : vector<16xf32>
        %get3A_1134 = arith.constant 624 : index
        %get3A_1135 = tpu.vector_load %arg12[%get3A_1134] {strides = array<i32>} : memref<768xf32, #tpu.memory_space<vmem>>, vector<16xf32>,
        %add3A_1136 = arith.addf %mul3A_1133, %get3A_1135 : vector<16xf32>
        %swap3A_1137 = arith.index_cast %add3A_104 : i32 to index
        %swap3A_1138 = arith.constant 624 : index
        %swap3A_1139 = tpu.vector_load %arg18[%swap3A_1137, %swap3A_1138] {strides = array<i32>} : memref<16x768xf32, #tpu.memory_space<vmem>>, vector<16xf32>,
        tpu.vector_store %arg18[%swap3A_1137, %swap3A_1138], %add3A_1136 {strides = array<i32>} : memref<16x768xf32, #tpu.memory_space<vmem>>, vector<16xf32>,
        %sub3A_1140 = vector.broadcast %mul3A_586 : f32 to vector<16xf32>
        %sub3A_1141 = arith.subf %add3A_506, %sub3A_1140 : vector<16xf32>
        %mul3A_1142 = vector.broadcast %mul3A_620 : f32 to vector<16xf32>
        %mul3A_1143 = arith.mulf %sub3A_1141, %mul3A_1142 : vector<16xf32>
        %get3A_1144 = arith.constant 640 : index
        %get3A_1145 = tpu.vector_load %arg11[%get3A_1144] {strides = array<i32>} : memref<768xf32, #tpu.memory_space<vmem>>, vector<16xf32>,
        %mul3A_1146 = arith.mulf %mul3A_1143, %get3A_1145 : vector<16xf32>
        %get3A_1147 = arith.constant 640 : index
        %get3A_1148 = tpu.vector_load %arg12[%get3A_1147] {strides = array<i32>} : memref<768xf32, #tpu.memory_space<vmem>>, vector<16xf32>,
        %add3A_1149 = arith.addf %mul3A_1146, %get3A_1148 : vector<16xf32>
        %swap3A_1150 = arith.index_cast %add3A_104 : i32 to index
        %swap3A_1151 = arith.constant 640 : index
        %swap3A_1152 = tpu.vector_load %arg18[%swap3A_1150, %swap3A_1151] {strides = array<i32>} : memref<16x768xf32, #tpu.memory_space<vmem>>, vector<16xf32>,
        tpu.vector_store %arg18[%swap3A_1150, %swap3A_1151], %add3A_1149 {strides = array<i32>} : memref<16x768xf32, #tpu.memory_space<vmem>>, vector<16xf32>,
        %sub3A_1153 = vector.broadcast %mul3A_586 : f32 to vector<16xf32>
        %sub3A_1154 = arith.subf %add3A_516, %sub3A_1153 : vector<16xf32>
        %mul3A_1155 = vector.broadcast %mul3A_620 : f32 to vector<16xf32>
        %mul3A_1156 = arith.mulf %sub3A_1154, %mul3A_1155 : vector<16xf32>
        %get3A_1157 = arith.constant 656 : index
        %get3A_1158 = tpu.vector_load %arg11[%get3A_1157] {strides = array<i32>} : memref<768xf32, #tpu.memory_space<vmem>>, vector<16xf32>,
        %mul3A_1159 = arith.mulf %mul3A_1156, %get3A_1158 : vector<16xf32>
        %get3A_1160 = arith.constant 656 : index
        %get3A_1161 = tpu.vector_load %arg12[%get3A_1160] {strides = array<i32>} : memref<768xf32, #tpu.memory_space<vmem>>, vector<16xf32>,
        %add3A_1162 = arith.addf %mul3A_1159, %get3A_1161 : vector<16xf32>
        %swap3A_1163 = arith.index_cast %add3A_104 : i32 to index
        %swap3A_1164 = arith.constant 656 : index
        %swap3A_1165 = tpu.vector_load %arg18[%swap3A_1163, %swap3A_1164] {strides = array<i32>} : memref<16x768xf32, #tpu.memory_space<vmem>>, vector<16xf32>,
        tpu.vector_store %arg18[%swap3A_1163, %swap3A_1164], %add3A_1162 {strides = array<i32>} : memref<16x768xf32, #tpu.memory_space<vmem>>, vector<16xf32>,
        %sub3A_1166 = vector.broadcast %mul3A_586 : f32 to vector<16xf32>
        %sub3A_1167 = arith.subf %add3A_526, %sub3A_1166 : vector<16xf32>
        %mul3A_1168 = vector.broadcast %mul3A_620 : f32 to vector<16xf32>
        %mul3A_1169 = arith.mulf %sub3A_1167, %mul3A_1168 : vector<16xf32>
        %get3A_1170 = arith.constant 672 : index
        %get3A_1171 = tpu.vector_load %arg11[%get3A_1170] {strides = array<i32>} : memref<768xf32, #tpu.memory_space<vmem>>, vector<16xf32>,
        %mul3A_1172 = arith.mulf %mul3A_1169, %get3A_1171 : vector<16xf32>
        %get3A_1173 = arith.constant 672 : index
        %get3A_1174 = tpu.vector_load %arg12[%get3A_1173] {strides = array<i32>} : memref<768xf32, #tpu.memory_space<vmem>>, vector<16xf32>,
        %add3A_1175 = arith.addf %mul3A_1172, %get3A_1174 : vector<16xf32>
        %swap3A_1176 = arith.index_cast %add3A_104 : i32 to index
        %swap3A_1177 = arith.constant 672 : index
        %swap3A_1178 = tpu.vector_load %arg18[%swap3A_1176, %swap3A_1177] {strides = array<i32>} : memref<16x768xf32, #tpu.memory_space<vmem>>, vector<16xf32>,
        tpu.vector_store %arg18[%swap3A_1176, %swap3A_1177], %add3A_1175 {strides = array<i32>} : memref<16x768xf32, #tpu.memory_space<vmem>>, vector<16xf32>,
        %sub3A_1179 = vector.broadcast %mul3A_586 : f32 to vector<16xf32>
        %sub3A_1180 = arith.subf %add3A_536, %sub3A_1179 : vector<16xf32>
        %mul3A_1181 = vector.broadcast %mul3A_620 : f32 to vector<16xf32>
        %mul3A_1182 = arith.mulf %sub3A_1180, %mul3A_1181 : vector<16xf32>
        %get3A_1183 = arith.constant 688 : index
        %get3A_1184 = tpu.vector_load %arg11[%get3A_1183] {strides = array<i32>} : memref<768xf32, #tpu.memory_space<vmem>>, vector<16xf32>,
        %mul3A_1185 = arith.mulf %mul3A_1182, %get3A_1184 : vector<16xf32>
        %get3A_1186 = arith.constant 688 : index
        %get3A_1187 = tpu.vector_load %arg12[%get3A_1186] {strides = array<i32>} : memref<768xf32, #tpu.memory_space<vmem>>, vector<16xf32>,
        %add3A_1188 = arith.addf %mul3A_1185, %get3A_1187 : vector<16xf32>
        %swap3A_1189 = arith.index_cast %add3A_104 : i32 to index
        %swap3A_1190 = arith.constant 688 : index
        %swap3A_1191 = tpu.vector_load %arg18[%swap3A_1189, %swap3A_1190] {strides = array<i32>} : memref<16x768xf32, #tpu.memory_space<vmem>>, vector<16xf32>,
        tpu.vector_store %arg18[%swap3A_1189, %swap3A_1190], %add3A_1188 {strides = array<i32>} : memref<16x768xf32, #tpu.memory_space<vmem>>, vector<16xf32>,
        %sub3A_1192 = vector.broadcast %mul3A_586 : f32 to vector<16xf32>
        %sub3A_1193 = arith.subf %add3A_546, %sub3A_1192 : vector<16xf32>
        %mul3A_1194 = vector.broadcast %mul3A_620 : f32 to vector<16xf32>
        %mul3A_1195 = arith.mulf %sub3A_1193, %mul3A_1194 : vector<16xf32>
        %get3A_1196 = arith.constant 704 : index
        %get3A_1197 = tpu.vector_load %arg11[%get3A_1196] {strides = array<i32>} : memref<768xf32, #tpu.memory_space<vmem>>, vector<16xf32>,
        %mul3A_1198 = arith.mulf %mul3A_1195, %get3A_1197 : vector<16xf32>
        %get3A_1199 = arith.constant 704 : index
        %get3A_1200 = tpu.vector_load %arg12[%get3A_1199] {strides = array<i32>} : memref<768xf32, #tpu.memory_space<vmem>>, vector<16xf32>,
        %add3A_1201 = arith.addf %mul3A_1198, %get3A_1200 : vector<16xf32>
        %swap3A_1202 = arith.index_cast %add3A_104 : i32 to index
        %swap3A_1203 = arith.constant 704 : index
        %swap3A_1204 = tpu.vector_load %arg18[%swap3A_1202, %swap3A_1203] {strides = array<i32>} : memref<16x768xf32, #tpu.memory_space<vmem>>, vector<16xf32>,
        tpu.vector_store %arg18[%swap3A_1202, %swap3A_1203], %add3A_1201 {strides = array<i32>} : memref<16x768xf32, #tpu.memory_space<vmem>>, vector<16xf32>,
        %sub3A_1205 = vector.broadcast %mul3A_586 : f32 to vector<16xf32>
        %sub3A_1206 = arith.subf %add3A_556, %sub3A_1205 : vector<16xf32>
        %mul3A_1207 = vector.broadcast %mul3A_620 : f32 to vector<16xf32>
        %mul3A_1208 = arith.mulf %sub3A_1206, %mul3A_1207 : vector<16xf32>
        %get3A_1209 = arith.constant 720 : index
        %get3A_1210 = tpu.vector_load %arg11[%get3A_1209] {strides = array<i32>} : memref<768xf32, #tpu.memory_space<vmem>>, vector<16xf32>,
        %mul3A_1211 = arith.mulf %mul3A_1208, %get3A_1210 : vector<16xf32>
        %get3A_1212 = arith.constant 720 : index
        %get3A_1213 = tpu.vector_load %arg12[%get3A_1212] {strides = array<i32>} : memref<768xf32, #tpu.memory_space<vmem>>, vector<16xf32>,
        %add3A_1214 = arith.addf %mul3A_1211, %get3A_1213 : vector<16xf32>
        %swap3A_1215 = arith.index_cast %add3A_104 : i32 to index
        %swap3A_1216 = arith.constant 720 : index
        %swap3A_1217 = tpu.vector_load %arg18[%swap3A_1215, %swap3A_1216] {strides = array<i32>} : memref<16x768xf32, #tpu.memory_space<vmem>>, vector<16xf32>,
        tpu.vector_store %arg18[%swap3A_1215, %swap3A_1216], %add3A_1214 {strides = array<i32>} : memref<16x768xf32, #tpu.memory_space<vmem>>, vector<16xf32>,
        %sub3A_1218 = vector.broadcast %mul3A_586 : f32 to vector<16xf32>
        %sub3A_1219 = arith.subf %add3A_566, %sub3A_1218 : vector<16xf32>
        %mul3A_1220 = vector.broadcast %mul3A_620 : f32 to vector<16xf32>
        %mul3A_1221 = arith.mulf %sub3A_1219, %mul3A_1220 : vector<16xf32>
        %get3A_1222 = arith.constant 736 : index
        %get3A_1223 = tpu.vector_load %arg11[%get3A_1222] {strides = array<i32>} : memref<768xf32, #tpu.memory_space<vmem>>, vector<16xf32>,
        %mul3A_1224 = arith.mulf %mul3A_1221, %get3A_1223 : vector<16xf32>
        %get3A_1225 = arith.constant 736 : index
        %get3A_1226 = tpu.vector_load %arg12[%get3A_1225] {strides = array<i32>} : memref<768xf32, #tpu.memory_space<vmem>>, vector<16xf32>,
        %add3A_1227 = arith.addf %mul3A_1224, %get3A_1226 : vector<16xf32>
        %swap3A_1228 = arith.index_cast %add3A_104 : i32 to index
        %swap3A_1229 = arith.constant 736 : index
        %swap3A_1230 = tpu.vector_load %arg18[%swap3A_1228, %swap3A_1229] {strides = array<i32>} : memref<16x768xf32, #tpu.memory_space<vmem>>, vector<16xf32>,
        tpu.vector_store %arg18[%swap3A_1228, %swap3A_1229], %add3A_1227 {strides = array<i32>} : memref<16x768xf32, #tpu.memory_space<vmem>>, vector<16xf32>,
        %sub3A_1231 = vector.broadcast %mul3A_586 : f32 to vector<16xf32>
        %sub3A_1232 = arith.subf %add3A_576, %sub3A_1231 : vector<16xf32>
        %mul3A_1233 = vector.broadcast %mul3A_620 : f32 to vector<16xf32>
        %mul3A_1234 = arith.mulf %sub3A_1232, %mul3A_1233 : vector<16xf32>
        %get3A_1235 = arith.constant 752 : index
        %get3A_1236 = tpu.vector_load %arg11[%get3A_1235] {strides = array<i32>} : memref<768xf32, #tpu.memory_space<vmem>>, vector<16xf32>,
        %mul3A_1237 = arith.mulf %mul3A_1234, %get3A_1236 : vector<16xf32>
        %get3A_1238 = arith.constant 752 : index
        %get3A_1239 = tpu.vector_load %arg12[%get3A_1238] {strides = array<i32>} : memref<768xf32, #tpu.memory_space<vmem>>, vector<16xf32>,
        %add3A_1240 = arith.addf %mul3A_1237, %get3A_1239 : vector<16xf32>
        %swap3A_1241 = arith.index_cast %add3A_104 : i32 to index
        %swap3A_1242 = arith.constant 752 : index
        %swap3A_1243 = tpu.vector_load %arg18[%swap3A_1241, %swap3A_1242] {strides = array<i32>} : memref<16x768xf32, #tpu.memory_space<vmem>>, vector<16xf32>,
        tpu.vector_store %arg18[%swap3A_1241, %swap3A_1242], %add3A_1240 {strides = array<i32>} : memref<16x768xf32, #tpu.memory_space<vmem>>, vector<16xf32>,
      }
      %scan3A_92 = arith.constant 16 : i32
      %mul3A_93 = arith.constant 16 : i32
      %mul3A_94 = arith.muli %add3A_65, %mul3A_93 : i32
      %add3A_95 = arith.addi %mul3A_2, %mul3A_94 : i32
      %dma_start3A_96 = arith.constant 0 : i32
      %dma_start3A_97 = tpu.memref_slice %arg8[%add3A_95, %dma_start3A_96] : memref<65536x768xf32, #tpu.memory_space<hbm>> -> memref<16x768xf32, #tpu.memory_space<hbm>>
      %dma_start3A_98 = arith.constant 0 : i32
      %dma_start3A_99 = tpu.memref_slice %arg8[%add3A_95, %dma_start3A_98] : memref<65536x768xf32, #tpu.memory_space<hbm>> -> memref<16x768xf32, #tpu.memory_space<hbm>>
      tpu.enqueue_dma source(%arg18 : memref<16x768xf32, #tpu.memory_space<vmem>>) target(%dma_start3A_99 : memref<16x768xf32, #tpu.memory_space<hbm>>) target_semaphore(%arg24 : memref<!tpu.dma_semaphore, #tpu.memory_space<semaphore_mem>>)
    }
    %scan3A_15 = arith.constant 64 : i32
    %add3A_16 = arith.constant 2016 : i32
    %add3A_17 = arith.addi %mul3A_2, %add3A_16 : i32
    %dma_wait3A = arith.constant 0 : i32
    %dma_wait3A_18 = tpu.memref_slice %arg8[%add3A_17, %dma_wait3A] : memref<65536x768xf32, #tpu.memory_space<hbm>> -> memref<16x768xf32, #tpu.memory_space<hbm>>
    %dma_wait3A_19 = arith.constant 0 : i32
    %dma_wait3A_20 = tpu.memref_slice %arg8[%add3A_17, %dma_wait3A_19] : memref<65536x768xf32, #tpu.memory_space<hbm>> -> memref<16x768xf32, #tpu.memory_space<hbm>>
    tpu.wait_dma2 semaphore(%arg23 : memref<!tpu.dma_semaphore, #tpu.memory_space<semaphore_mem>>) src(%arg17 : memref<16x768xf32, #tpu.memory_space<vmem>>) dst(%dma_wait3A_20 : memref<16x768xf32, #tpu.memory_space<hbm>>)
    %add3A_21 = arith.constant 2032 : i32
    %add3A_22 = arith.addi %mul3A_2, %add3A_21 : i32
    %dma_wait3A_23 = arith.constant 0 : i32
    %dma_wait3A_24 = tpu.memref_slice %arg8[%add3A_22, %dma_wait3A_23] : memref<65536x768xf32, #tpu.memory_space<hbm>> -> memref<16x768xf32, #tpu.memory_space<hbm>>
    %dma_wait3A_25 = arith.constant 0 : i32
    %dma_wait3A_26 = tpu.memref_slice %arg8[%add3A_22, %dma_wait3A_25] : memref<65536x768xf32, #tpu.memory_space<hbm>> -> memref<16x768xf32, #tpu.memory_space<hbm>>
    tpu.wait_dma2 semaphore(%arg24 : memref<!tpu.dma_semaphore, #tpu.memory_space<semaphore_mem>>) src(%arg18 : memref<16x768xf32, #tpu.memory_space<vmem>>) dst(%dma_wait3A_26 : memref<16x768xf32, #tpu.memory_space<hbm>>)
    return
  }
}

</mosaic_0001>

<sc_bundles>
// kernel: kernel.3.cloned.1.call-start
scs
__scs_entry_jumppad:
0x0: {  	(pc) =	sbr.rel $0x88, $3  }
0x1: {  	(tag) =	ssettag $0x0;
	lr =	simm.s32 $0x1  }
0x2: {  	[smem:$0x3F9A] =	sst lr;
	_ =	strace $0xD0000000  }
0x3: {  	_ = 	snop  }
0x4: {  	_ = 	snop  }
0x5: {  	_ = 	snop  }
0x6: {  	_ = 	snop  }
0x7: {  	_ = 	snop  }
__scs_overlays_trampoline_lowered:
0x8: {  	[smem:$0x3FA9] =	sst s0  }
0x9: {  	[smem:$0x3FAA] =	sst s1  }
0xa: {  	[smem:$0x3FAB] =	sst s2  }
0xb: {  	[smem:$0x3FAC] =	sst s3  }
0xc: {  	[smem:$0x3FAD] =	sst s4  }
0xd: {  	[smem:$0x3FAE] =	sst s5  }
0xe: {  	[smem:$0x3FAF] =	sst s6  }
0xf: {  	[smem:$0x3FB0] =	sst s7  }
0x10: {  	[smem:$0x3FB1] =	sst s8  }
0x11: {  	[smem:$0x3FB2] =	sst s9;
	s0 =	simm.s32 @!p0 $0x0  }
0x12: {  	s1 =	sld [smem:$0x3F98];
	s0 =	simm.s32 @p0 $0x1  }
0x13: {  	[smem:$0x3FB3] =	sst s0;
	s0 =	simm.s32 @!p1 $0x0  }
0x14: {  	s2 =	sld [smem:$0x3F97];
	s0 =	simm.s32 @p1 $0x1  }
0x15: {  	[smem:$0x3FB4] =	sst s0;
	s0 =	simm.s32 @!p2 $0x0  }
0x16: {  	s3 =	sld [smem:$0x3FDB];
	s0 =	simm.s32 @p2 $0x1  }
0x17: {  	s4 =	simm.s32 $0x1BF5;
	[smem:$0x3FB6] =	sst s0  }
0x18: {  	s0 =	sld [smem:$0x3F99];
	_ =	swait.ge [sflag:s4], $0x0  }
0x19: {  	s7 =	sld [smem:$0x3F9A]  }
0x1a: {  	s8 =	sadd.s32 $0xFFFFE003, lr  }
0x1b: {  	s9 =	sadd.s32 $0xFFFFFEF7, lr;
	s5 =	simm.s32 $0xFFFFFFFF;
	p2 =	slt.u32 s8, $0xFFFFF086  }
0x1c: {  	p1 =	slt.u32 s9, $0xF7A;
	s5 =	simm.s32 @!p2 $0x0  }
0x1d: {  	s5 =	simm.s32 @p1 $0x1;
	p0 =	seq.s32 s7, s2  }
0x1e: {  	s7 =	smul.u32 @!p0 $0xF7A, s2;
	p2 =	seq.s32 @!p0 s5, $0x0  }
0x1f: {  	s9 =	smul.u32 $0xF7A, s1;
	s8 =	simm.s32 @!p0 $0x1BF5;
	p2 =	por !p2, p0  }
0x20: {  	[sflag:s8] =	ssyncset.s32 @!p0 $0xFFFFF086;
	s6 =	sadd.s32 @!p0 s3, s7;
	s7 =	simm.s32 @!p0 $0x108  }
0x21: {  	s3 =	sadd.s32 s3, s9;
	s6 =	sadd.s32 @!p0 $0x88, s6;
	s7 =	simm.s32 @p2 $0x1082  }
0x22: {  	[simem:s7], [sflag:s8] =	dma.local @!p0 [hbm:s6], $0xF7A  }
0x23: {  	s9 =	sor.u32 $0xD0000000, s2;
	s6 =	simm.s32 $0x108;
	_ =	swait.ge @!p0 [sflag:s8], $0x0  }
0x24: {  	s3 =	sadd.s32 $0x88, s3;
	s6 =	simm.s32 @!p1 $0x1082;
	[sflag:s4] =	ssyncset.s32 $0xFFFFF086  }
0x25: {  	[simem:s6], [sflag:s4] =	dma.local [hbm:s3], $0xF7A  }
0x26: {  	[smem:$0x3F9A] =	sst s1;
	(tag) =	ssettag s2;
	_ =	strace s9  }
0x27: {  	s1 =	sld [smem:$0x3FAA]  }
0x28: {  	s2 =	sld [smem:$0x3FAB]  }
0x29: {  	s4 =	sld [smem:$0x3FAD]  }
0x2a: {  	p0 =	seq.s32 s5, $0x0;
	s5 =	sld [smem:$0x3FAE]  }
0x2b: {  	s6 =	sld [smem:$0x3FAF]  }
0x2c: {  	s7 =	sld [smem:$0x3FB0]  }
0x2d: {  	s3 =	simm.s32 $0x108;
	s8 =	sld [smem:$0x3FB1]  }
0x2e: {  	s3 =	simm.s32 @!p0 $0x1082;
	s9 =	sld [smem:$0x3FB2]  }
0x2f: {  	lr =	sadd.s32 s0, s3;
	s0 =	sld [smem:$0x3FA9]  }
0x30: {  	s3 =	sld [smem:$0x3FAC]  }
0x31: {  	[smem:$0x3FB5] =	sst s10  }
0x32: {  	s10 =	sld [smem:$0x3FB3];
	_ =	sdelay $0x3  }
0x33: {  	p0 =	seq.s32 s10, $0x1;
	s10 =	sld [smem:$0x3FB5];
	_ =	sdelay $0x3  }
0x34: {  	[smem:$0x3FB5] =	sst s10  }
0x35: {  	s10 =	sld [smem:$0x3FB4];
	_ =	sdelay $0x3  }
0x36: {  	p1 =	seq.s32 s10, $0x1;
	s10 =	sld [smem:$0x3FB5];
	_ =	sdelay $0x3  }
0x37: {  	[smem:$0x3FB5] =	sst s10  }
0x38: {  	s10 =	sld [smem:$0x3FB6]  }
0x39: {  	_ = 	snop;
	(pc) =	sbr.ind lr, $3  }
0x3a: {  	_ = 	snop  }
0x3b: {  	_ = 	snop  }
0x3c: {  	p2 =	seq.s32 s10, $0x1;
	s10 =	sld [smem:$0x3FB5]  }
0x3d: {  	_ =	shalt  }
0x3e: {  	_ =	shalt  }
0x3f: {  	_ =	shalt  }
0x40: {  	_ =	shalt  }
0x41: {  	_ =	shalt  }
0x42: {  	_ =	shalt  }
0x43: {  	_ =	shalt  }
0x44: {  	_ =	shalt  }
0x45: {  	_ =	shalt  }
0x46: {  	_ =	shalt  }
0x47: {  	_ =	shalt  }
0x48: {  	_ =	shalt  }
0x49: {  	_ =	shalt  }
0x4a: {  	_ =	shalt  }
0x4b: {  	_ =	shalt  }
0x4c: {  	_ =	shalt  }
0x4d: {  	_ =	shalt  }
0x4e: {  	_ =	shalt  }
0x4f: {  	_ =	shalt  }
0x50: {  	_ =	shalt  }
0x51: {  	_ =	shalt  }
0x52: {  	_ =	shalt  }
0x53: {  	_ =	shalt  }
0x54: {  	_ =	shalt  }
0x55: {  	_ =	shalt  }
0x56: {  	_ =	shalt  }
0x57: {  	_ =	shalt  }
0x58: {  	_ =	shalt  }
0x59: {  	_ =	shalt  }
0x5a: {  	_ =	shalt  }
0x5b: {  	_ =	shalt  }
0x5c: {  	_ =	shalt  }
0x5d: {  	_ =	shalt  }
0x5e: {  	_ =	shalt  }
0x5f: {  	_ =	shalt  }
0x60: {  	_ =	shalt  }
0x61: {  	_ =	shalt  }
0x62: {  	_ =	shalt  }
0x63: {  	_ =	shalt  }
0x64: {  	_ =	shalt  }
0x65: {  	_ =	shalt  }
0x66: {  	_ =	shalt  }
0x67: {  	_ =	shalt  }
0x68: {  	_ =	shalt  }
0x69: {  	_ =	shalt  }
0x6a: {  	_ =	shalt  }
0x6b: {  	_ =	shalt  }
0x6c: {  	_ =	shalt  }
0x6d: {  	_ =	shalt  }
0x6e: {  	_ =	shalt  }
0x6f: {  	_ =	shalt  }
0x70: {  	_ =	shalt  }
0x71: {  	_ =	shalt  }
0x72: {  	_ =	shalt  }
0x73: {  	_ =	shalt  }
0x74: {  	_ =	shalt  }
0x75: {  	_ =	shalt  }
0x76: {  	_ =	shalt  }
0x77: {  	_ =	shalt  }
0x78: {  	_ =	shalt  }
0x79: {  	_ =	shalt  }
0x7a: {  	_ =	shalt  }
0x7b: {  	_ =	shalt  }
0x7c: {  	_ =	shalt  }
0x7d: {  	_ =	shalt  }
0x7e: {  	_ =	shalt  }
0x7f: {  	_ =	shalt  }
0x80: {  	_ =	shalt  }
0x81: {  	_ =	shalt  }
0x82: {  	_ =	shalt  }
0x83: {  	_ =	shalt  }
0x84: {  	_ =	shalt  }
0x85: {  	_ =	shalt  }
0x86: {  	_ =	shalt  }
0x87: {  	_ =	shalt  }
.Lfunc_end0:
.L_simem_size_0:
called_computation_lowered:
.L_overlay_start_0:
0x88: {  	s2 =	sld [smem:$0x3FD9]  }
0x89: {  	s3 =	sld [smem:$0x3FFE];
	_ =	sdelay $0x1  }
0x8a: {  	s1 =	srdreg.scid  }
0x8b: {  	s0 =	sand.u32 $0x1, s1  }
0x8c: {  	s17 =	sshll.u32 s0, $0xA;
	s2 =	sadd.s32 s3, s2  }
0x8d: {  	s2 =	sadd.s32 s2, s17  }
0x8e: {  	[smem:$0x3FC1] =	sst s2  }
0x8f: {  	_ = 	snop  }
0x90: {  	s2 =	sld [smem:$0x3FC7]  }
0x91: {  	s18 =	sld [smem:$0x3FC4]  }
0x92: {  	s4 =	sld [smem:$0x3FC3]  }
0x93: {  	s5 =	sld [smem:$0x3FD0];
	(tm) =	ssettm $0x1  }
0x94: {  	s6 =	sld [smem:$0x3FFB];
	_ =	sdelay $0x3  }
0x95: {  	_ =	strace s6  }
0x96: {  	s6 =	sld [smem:$0x3FFC];
	_ =	sdelay $0x3  }
0x97: {  	_ =	strace s6  }
0x98: {  	s6 =	sld [smem:$0x3FFD];
	_ =	sdelay $0x3  }
0x99: {  	_ =	strace s6  }
0x9a: {  	_ =	strace $0x8FFFFFFF  }
0x9b: {  	s19 =	sld [smem:$0x3FDB];
	_ =	sdelay $0x1  }
0x9c: {  	s7 =	simm.s32 $_scs_section_size  }
0x9d: {  	s8 =	simm.s32 $_size__tile_overlayer_lowered;
	s9 =	simm.s32 $_tile_overlayer_lowered  }
0x9e: {  	s22 =	simm.s32 $0x1BFF;
	s21 =	sshll.u32 s9, $0x1;
	s6 =	sadd.s32 s7, s19  }
0x9f: {  	s10 =	simm.s32 $0x0;
	s20 =	sshll.u32 s8, $0x1;
	s8 =	sadd.s32 s21, s6  }
0xa0: {  	[timem:s10], [sflag:s22] =	dma.local [hbm:s8], s20  }
0xa1: {  	_ =	swait.ge [sflag:s22], s20  }
0xa2: {  	s7 =	ssub.s32 $0x0, s20;
	[sflag:s22] =	ssyncset.done $0x0  }
0xa3: {  	[sflag:s22] =	ssyncadd.s32 s7;
	_ =	sdelay $0x1  }
0xa4: {  	s23 =	simm.s32 $0x1B8B  }
0xa5: {  	_ =	swait.ge [sflag:s23], $0x1  }
0xa6: {  	[sflag:s23] =	ssyncset.done $0x0  }
0xa7: {  	s25 =	simm.s32 $0x1B8E;
	s24 =	sld [smem:$0x3FFE];
	[sflag:s23] =	ssyncadd.s32 $0xFFFFFFFF  }
0xa8: {  	s26 =	simm.s32 $execute0_lowered;
	[smem:$0x3FD2] =	sst s25  }
0xa9: {  	s8 =	sshll.u32 s26, $0x1;
	_ =	strace $0x80000046;
	[dreg:$0x1] =	wrdreg $0xFFFFFFFF  }
0xaa: {  	s28 =	simm.s32 $_size_execute0_lowered;
	s6 =	sadd.s32 s6, s8;
	[dreg:$0x0] =	wrdreg $0x0  }
0xab: {  	s8 =	sshll.u32 s28, $0x1;
	[dreg:$0x2] =	wrdreg s6  }
0xac: {  	[dreg:$0x3] =	wrdreg s8  }
0xad: {  	[dreg:$0x4] =	wrdreg $0xC0  }
0xae: {  	_ =	task [dreg:s10], $0x5FFFF  }
0xaf: {  	[dreg:$0x1] =	wrdreg $0xFFFFFFFF  }
0xb0: {  	[dreg:$0x0] =	wrdreg $0x60  }
0xb1: {  	[dreg:$0x2] =	wrdreg s24  }
0xb2: {  	[dreg:$0x3] =	wrdreg s2  }
0xb3: {  	[dreg:$0x4] =	wrdreg s18  }
0xb4: {  	[dreg:$0x5] =	wrdreg s4  }
0xb5: {  	[dreg:$0x6] =	wrdreg s5  }
0xb6: {  	[dreg:$0x7] =	wrdreg $0x9  }
0xb7: {  	_ =	task.clear_ibuf [dreg:s10], $0x8FFFF;
	_ =	strace $0x90000046  }
0xb8: {  	s29 =	simm.s32 $0x9;
	_ =	strace $0x80000048  }
0xb9: {  	_ =	swait.ge [sflag:s29], $0x1  }
0xba: {  	[sflag:s29] =	ssyncadd.s32 $0xFFFFFFFF  }
0xbb: {  	_ =	strace $0x90000048  }
0xbc: {  	_ =	sfence  }
0xbd: {  	s30 =	sld [smem:$0x0];
	_ =	sdelay $0x2  }
0xbe: {  	s31 =	sshll.u32 s1, $0xD;
	s1 =	sshrl.u32 s1, $0x2  }
0xbf: {  	s3 =	sand.u32 $0x4000, s31;
	s1 =	sadd.s32 s1, s30  }
0xc0: {  	s0 =	sor.u32 s3, s0;
	s1 =	sshll.u32 s1, $0x11  }
0xc1: {  	s0 =	sor.u32 s1, s0  }
0xc2: {  	s0 =	sadd.s32 $0x8F2B, s0  }
0xc3: {  	[sflag:s0] =	ssyncadd.remote.s32 $0x1  }
0xc4: {  	_ =	sfence.sel $0xFFFF  }
0xc5: {  	[dreg:$0x0] =	wrdreg $0xFFFFFFFF;
	(pc) =	sbr.abs _section_cstart, $3  }
0xc6: {  	[dreg:$0x1] =	wrdreg $0xFFFFFFFF  }
0xc7: {  	_ =	task.clear_ibuf [dreg:s10], $0x2FFFF;
	_ =	strace $0x9FFFFFFF  }
0xc8: {  	(tm) =	ssettm $0x7FFFFFFF  }
0xc9: {  	_ =	shalt  }
tec
execute0_lowered:
.L_overlay_start_1:
0x0: {  	(tag) =	ssettag $0x1  }
0x1: {  	s0 =	rddreg [dreg:$0x0]  }
0x2: {  	s1 =	rddreg [dreg:$0x1]  }
0x3: {  	s5 =	rddreg [dreg:$0x4]  }
0x4: {  	s2 =	srdreg.scid;
	s3 =	stileid.u32  }
0x5: {  	s6 =	simm.s32 $0x0;
	s20 =	simm.s32 $0xA600;
	s21 =	simm.s32 $0xAE00  }
0x6: {  	s22 =	simm.s32 $0xB600;
	s23 =	simm.s32 $0xBE00;
	s28 =	simm.s32 $0x3  }
0x7: {  	s29 =	simm.s32 $0xD600;
	s30 =	simm.s32 $0x2;
	s31 =	simm.s32 $0x4  }
0x8: {  	s2 =	sand.u32 $0x1, s2;
	s3 =	sshll.u32 s3, $0xC;
	[smem:$0x7FF] =	sst s6  }
0x9: {  	s8 =	sadd.s32 $0x4400, s0;
	s11 =	sadd.s32 $0x100, s1;
	s12 =	sadd.s32 $0x200, s1  }
0xa: {  	s13 =	sadd.s32 $0x4500, s0;
	s4 =	sshll.u32 s2, $0xB;
	s2 =	ssub.s32 $0x2, s2  }
0xb: {  	s14 =	sadd.s32 $0x4600, s0;
	s7 =	sor.u32 s4, s3;
	s24 =	sshrl.u32 s2, $0x1  }
0xc: {  	_ =	strace $0x80000047;
	s3 =	sshrl.u32 s7, $0x3;
	s2 =	ssub.s32 s2, s24  }
0xd: {  	s4 =	simm.s32 $0x0;
	s3 =	sadd.s32 s3, s0;
	s26 =	smax.u32 s2, $0x1  }
0xe: {  	v2 =	vlaneseq.u32;
	s24 =	simm.s32 $0xC600;
	s25 =	sadd.s32 $0x400, s3;
	[dreg:$0x8] =	wrdreg s26  }
0xf: {  	vm0 =	vmmov $0xffff;
	v1 =	vshrl.u32 v2, $0x3;
	s0 =	simm.s32 $0x10600;
	s3 =	sadd.s32 $0x2400, s3;
	[dreg:$0x6] =	wrdreg s25  }
0x10: {  	v0 =	vand.u32 $0x7, v2;
	v2 =	vor.u32 $0x8, v2;
	v1 =	vmul.u32 $0x8, v1;
	s26 =	simm.s32 $0x1;
	[dreg:$0x7] =	wrdreg s3;
	s25 =	simm.s32 $0xCE00  }
.LBB2_1:
0x11: {  	[dreg:$0x9] =	wrdreg s4  }
0x12: {  	s2 =	rddreg [dreg:$0x6];
	s3 =	simm.s32 $0x7  }
0x13: {  	[tilespmem:s6], [sflag:$0x7] =	stream.linear.gather [hbm4b:s2+s6], $0x800, $0x38;
	[tilespmem:$0x13600] =	vst v63  }
0x14: {  	_ =	swait.ge [sflag:s3], $0x800  }
0x15: {  	[sflag:s3] =	ssyncset.done $0x0  }
0x16: {  	s19 =	simm.s32 $0x800;
	s18 =	rddreg [dreg:$0x7];
	[sflag:s3] =	ssyncadd.s32 $0xFFFFF800  }
0x17: {  	[tilespmem:s19], [sflag:$0x7] =	stream.linear.gather [hbm4b:s18+s6], $0x800, $0x38;
	[tilespmem:$0x13600] =	vst v63  }
0x18: {  	_ =	swait.ge [sflag:s3], $0x800  }
0x19: {  	[sflag:s3] =	ssyncset.done $0x0  }
0x1a: {  	[sflag:s3] =	ssyncadd.s32 $0xFFFFF800  }
0x1b: {  	s10 =	simm.s32 $0x1000;
	s9 =	rddreg [dreg:$0x2]  }
0x1c: {  	[tilespmem:s10], [sflag:$0x7] =	stream.linear.gather [hbm4b:s9+s6], $0x300, $0x38;
	[tilespmem:$0x13600] =	vst v63  }
0x1d: {  	_ =	swait.ge [sflag:s3], $0x300  }
0x1e: {  	[sflag:s3] =	ssyncset.done $0x0  }
0x1f: {  	[sflag:s3] =	ssyncadd.s32 $0xFFFFFD00  }
0x20: {  	s16 =	simm.s32 $0x1300;
	s15 =	rddreg [dreg:$0x3]  }
0x21: {  	[tilespmem:s16], [sflag:$0x7] =	stream.linear.gather [hbm4b:s15+s6], $0x300, $0x38;
	[tilespmem:$0x13600] =	vst v63  }
0x22: {  	_ =	swait.ge [sflag:s3], $0x300  }
0x23: {  	[sflag:s3] =	ssyncset.done $0x0  }
0x24: {  	[sflag:s3] =	ssyncadd.s32 $0xFFFFFD00  }
0x25: {  	v3 =	vld [tilespmem:$0x0];
	_ =	sdelay $0x4  }
0x26: {  	v4 =	vshrl.u32 v3, $0x3  }
0x27: {  	v4 =	vmul.u32 $0x30, v4  }
0x28: {  	v3 =	vand.u32 $0x7, v3  }
0x29: {  	v3 =	vor.u32 v3, v4  }
0x2a: {  	v4 =	vperm.xlane v3, v0;
	_ =	sdelay $0x1  }
0x2b: {  	v4 =	vadd.s32 v1, v4;
	_ =	sdelay $0x3  }
0x2c: {  	s17 =	simm.s32 $0x1600;
	v3 =	vperm.xlane v3, v2  }
0x2d: {  	[tilespmem:s17], [sflag:$0x1] =	stream.indirect_vreg.gather [hbm4b:s1+s6], $0x80, v4, vm0, $0xb8;
	[tilespmem:$0x13600] =	vst v63  }
0x2e: {  	s18 =	simm.s32 $0x1E00;
	v3 =	vadd.s32 v1, v3  }
0x2f: {  	[tilespmem:s18], [sflag:$0x1] =	stream.indirect_vreg.gather [hbm4b:s11+s6], $0x80, v4, vm0, $0xb8;
	[tilespmem:$0x13600] =	vst v63  }
0x30: {  	s19 =	simm.s32 $0x2600  }
0x31: {  	[tilespmem:s19], [sflag:$0x1] =	stream.indirect_vreg.gather [hbm4b:s12+s6], $0x80, v4, vm0, $0xb8;
	[tilespmem:$0x13600] =	vst v63  }
0x32: {  	s3 =	simm.s32 $0x2E00  }
0x33: {  	[tilespmem:s3], [sflag:$0x1] =	stream.indirect_vreg.gather [hbm4b:s1+s6], $0x80, v3, vm0, $0xb8;
	[tilespmem:$0x13600] =	vst v63  }
0x34: {  	s4 =	simm.s32 $0x3600  }
0x35: {  	[tilespmem:s4], [sflag:$0x1] =	stream.indirect_vreg.gather [hbm4b:s11+s6], $0x80, v3, vm0, $0xb8;
	[tilespmem:$0x13600] =	vst v63  }
0x36: {  	s9 =	simm.s32 $0x3E00  }
0x37: {  	[tilespmem:s9], [sflag:$0x1] =	stream.indirect_vreg.gather [hbm4b:s12+s6], $0x80, v3, vm0, $0xb8;
	[tilespmem:$0x13600] =	vst v63  }
0x38: {  	v3 =	vld [tilespmem:$0x800];
	_ =	sdelay $0x4  }
0x39: {  	v63 =	vshrl.u32 v3, $0x3  }
0x3a: {  	v4 =	vmul.u32 $0x30, v63  }
0x3b: {  	v3 =	vand.u32 $0x7, v3  }
0x3c: {  	v3 =	vor.u32 v3, v4  }
0x3d: {  	v4 =	vperm.xlane v3, v0;
	_ =	sdelay $0x1  }
0x3e: {  	v4 =	vadd.s32 v1, v4;
	_ =	sdelay $0x3  }
0x3f: {  	s10 =	simm.s32 $0x7600;
	v3 =	vperm.xlane v3, v2  }
0x40: {  	[tilespmem:s10], [sflag:$0x3] =	stream.indirect_vreg.gather [hbm4b:s8+s6], $0x80, v4, vm0, $0xb8;
	[tilespmem:$0x13600] =	vst v63  }
0x41: {  	s15 =	simm.s32 $0x7E00;
	v3 =	vadd.s32 v1, v3  }
0x42: {  	[tilespmem:s15], [sflag:$0x3] =	stream.indirect_vreg.gather [hbm4b:s13+s6], $0x80, v4, vm0, $0xb8;
	[tilespmem:$0x13600] =	vst v63  }
0x43: {  	s16 =	simm.s32 $0x8600  }
0x44: {  	[tilespmem:s16], [sflag:$0x3] =	stream.indirect_vreg.gather [hbm4b:s14+s6], $0x80, v4, vm0, $0xb8;
	[tilespmem:$0x13600] =	vst v63  }
0x45: {  	s17 =	simm.s32 $0x8E00  }
0x46: {  	[tilespmem:s17], [sflag:$0x3] =	stream.indirect_vreg.gather [hbm4b:s8+s6], $0x80, v3, vm0, $0xb8;
	[tilespmem:$0x13600] =	vst v63  }
0x47: {  	s18 =	simm.s32 $0x9600  }
0x48: {  	[tilespmem:s18], [sflag:$0x3] =	stream.indirect_vreg.gather [hbm4b:s13+s6], $0x80, v3, vm0, $0xb8;
	[tilespmem:$0x13600] =	vst v63  }
0x49: {  	s19 =	simm.s32 $0x9E00;
	s9 =	simm.s32 $0x0  }
0x4a: {  	[tilespmem:s19], [sflag:$0x3] =	stream.indirect_vreg.gather [hbm4b:s14+s6], $0x80, v3, vm0, $0xb8;
	[tilespmem:$0x13600] =	vst v63  }
.LBB2_2:
0x4b: {  	s16 =	sshll.u32 s9, $0x5  }
0x4c: {  	v3 =	vld [tilespmem:s16+$0x10];
	_ =	sdelay $0x4  }
0x4d: {  	v4 =	vshrl.u32 v3, $0x3  }
0x4e: {  	v4 =	vmul.u32 $0x30, v4  }
0x4f: {  	v3 =	vand.u32 $0x7, v3  }
0x50: {  	v3 =	vor.u32 v3, v4  }
0x51: {  	v4 =	vperm.xlane v3, v0;
	_ =	sdelay $0x1  }
0x52: {  	v4 =	vadd.s32 v1, v4;
	_ =	sdelay $0x3  }
0x53: {  	s2 =	simm.s32 $0x4600;
	v3 =	vperm.xlane v3, v2  }
0x54: {  	[tilespmem:s2], [sflag:$0x2] =	stream.indirect_vreg.gather [hbm4b:s1+s6], $0x80, v4, vm0, $0xb8;
	[tilespmem:$0x13600] =	vst v63  }
0x55: {  	s10 =	simm.s32 $0x4E00;
	v3 =	vadd.s32 v1, v3  }
0x56: {  	[tilespmem:s10], [sflag:$0x2] =	stream.indirect_vreg.gather [hbm4b:s11+s6], $0x80, v4, vm0, $0xb8;
	[tilespmem:$0x13600] =	vst v63  }
0x57: {  	s15 =	simm.s32 $0x5600  }
0x58: {  	[tilespmem:s15], [sflag:$0x2] =	stream.indirect_vreg.gather [hbm4b:s12+s6], $0x80, v4, vm0, $0xb8;
	[tilespmem:$0x13600] =	vst v63  }
0x59: {  	s17 =	simm.s32 $0x5E00  }
0x5a: {  	[tilespmem:s17], [sflag:$0x2] =	stream.indirect_vreg.gather [hbm4b:s1+s6], $0x80, v3, vm0, $0xb8;
	[tilespmem:$0x13600] =	vst v63  }
0x5b: {  	s18 =	simm.s32 $0x6600  }
0x5c: {  	[tilespmem:s18], [sflag:$0x2] =	stream.indirect_vreg.gather [hbm4b:s11+s6], $0x80, v3, vm0, $0xb8;
	[tilespmem:$0x13600] =	vst v63  }
0x5d: {  	s19 =	simm.s32 $0x6E00  }
0x5e: {  	[tilespmem:s19], [sflag:$0x2] =	stream.indirect_vreg.gather [hbm4b:s12+s6], $0x80, v3, vm0, $0xb8;
	[tilespmem:$0x13600] =	vst v63  }
0x5f: {  	v3 =	vld [tilespmem:s16+$0x810];
	_ =	sdelay $0x4  }
0x60: {  	v63 =	vshrl.u32 v3, $0x3  }
0x61: {  	v4 =	vmul.u32 $0x30, v63  }
0x62: {  	v3 =	vand.u32 $0x7, v3  }
0x63: {  	v3 =	vor.u32 v3, v4  }
0x64: {  	v4 =	vperm.xlane v3, v0;
	_ =	sdelay $0x1  }
0x65: {  	v4 =	vadd.s32 v1, v4;
	_ =	sdelay $0x3  }
0x66: {  	v3 =	vperm.xlane v3, v2  }
0x67: {  	[tilespmem:s20], [sflag:$0x4] =	stream.indirect_vreg.gather [hbm4b:s8+s6], $0x80, v4, vm0, $0xb8;
	[tilespmem:$0x13600] =	vst v63  }
0x68: {  	v3 =	vadd.s32 v1, v3  }
0x69: {  	[tilespmem:s21], [sflag:$0x4] =	stream.indirect_vreg.gather [hbm4b:s13+s6], $0x80, v4, vm0, $0xb8;
	[tilespmem:$0x13600] =	vst v63  }
0x6a: {  	_ = 	snop  }
0x6b: {  	[tilespmem:s22], [sflag:$0x4] =	stream.indirect_vreg.gather [hbm4b:s14+s6], $0x80, v4, vm0, $0xb8;
	[tilespmem:$0x13600] =	vst v63  }
0x6c: {  	_ = 	snop  }
0x6d: {  	[tilespmem:s23], [sflag:$0x4] =	stream.indirect_vreg.gather [hbm4b:s8+s6], $0x80, v3, vm0, $0xb8;
	[tilespmem:$0x13600] =	vst v63  }
0x6e: {  	_ = 	snop  }
0x6f: {  	[tilespmem:s24], [sflag:$0x4] =	stream.indirect_vreg.gather [hbm4b:s13+s6], $0x80, v3, vm0, $0xb8;
	[tilespmem:$0x13600] =	vst v63  }
0x70: {  	_ = 	snop  }
0x71: {  	[tilespmem:s25], [sflag:$0x4] =	stream.indirect_vreg.gather [hbm4b:s14+s6], $0x80, v3, vm0, $0xb8;
	[tilespmem:$0x13600] =	vst v63  }
0x72: {  	_ =	swait.ge [sflag:s26], $0x3000  }
0x73: {  	[sflag:s26] =	ssyncset.done $0x0  }
0x74: {  	[sflag:s26] =	ssyncadd.s32 $0xFFFFD000  }
0x75: {  	_ =	swait.ge [sflag:s28], $0x3000  }
0x76: {  	p0 =	seq.s32 s9, $0x0;
	[sflag:s28] =	ssyncset.done $0x0  }
0x77: {  	s2 =	simm.s32 @!p0 $0x5;
	[sflag:s28] =	ssyncadd.s32 $0xFFFFD000  }
0x78: {  	_ =	swait.ge @!p0 [sflag:s2], $0x3000  }
0x79: {  	s3 =	simm.s32 $0x0;
	[sflag:s2] =	ssyncset.done @!p0 $0x0  }
0x7a: {  	s10 =	sor.u32 $0x10, s16;
	s15 =	simm.s32 $0x0;
	[sflag:s2] =	ssyncadd.s32 @!p0 $0xFFFFD000  }
.LBB2_3:
0x7b: {  	s2 =	sshrl.u32 s3, $0x3  }
0x7c: {  	s2 =	smul.u32 $0x1800, s2  }
0x7d: {  	s4 =	sand.u32 $0x380, s15  }
0x7e: {  	s2 =	sor.u32 s4, s2  }
0x7f: {  	v3 =	vld [tilespmem:s2+$0x1600]  }
0x80: {  	v4 =	vld [tilespmem:s2+$0x7600]  }
0x81: {  	v5 =	vld [tilespmem:s2+$0x1610]  }
0x82: {  	v6 =	vld [tilespmem:s2+$0x7610]  }
0x83: {  	v7 =	vld [tilespmem:s2+$0x1620]  }
0x84: {  	v8 =	vld [tilespmem:s2+$0x7620]  }
0x85: {  	v9 =	vld [tilespmem:s2+$0x1630]  }
0x86: {  	v10 =	vld [tilespmem:s2+$0x7630]  }
0x87: {  	v11 =	vld [tilespmem:s2+$0x1640]  }
0x88: {  	v12 =	vld [tilespmem:s2+$0x7640]  }
0x89: {  	v13 =	vld [tilespmem:s2+$0x1650]  }
0x8a: {  	v14 =	vld [tilespmem:s2+$0x7650]  }
0x8b: {  	v15 =	vld [tilespmem:s2+$0x1660]  }
0x8c: {  	v16 =	vld [tilespmem:s2+$0x7660]  }
0x8d: {  	v17 =	vld [tilespmem:s2+$0x1670]  }
0x8e: {  	v18 =	vld [tilespmem:s2+$0x7670]  }
0x8f: {  	v19 =	vld [tilespmem:s2+$0x1A00]  }
0x90: {  	v20 =	vld [tilespmem:s2+$0x7A00]  }
0x91: {  	v21 =	vld [tilespmem:s2+$0x1A10]  }
0x92: {  	v22 =	vld [tilespmem:s2+$0x7A10]  }
0x93: {  	v23 =	vld [tilespmem:s2+$0x1A20]  }
0x94: {  	v24 =	vld [tilespmem:s2+$0x7A20]  }
0x95: {  	v25 =	vld [tilespmem:s2+$0x1A30]  }
0x96: {  	v26 =	vld [tilespmem:s2+$0x7A30]  }
0x97: {  	v27 =	vld [tilespmem:s2+$0x1A40]  }
0x98: {  	v28 =	vld [tilespmem:s2+$0x7A40]  }
0x99: {  	v29 =	vld [tilespmem:s2+$0x1A50]  }
0x9a: {  	v30 =	vld [tilespmem:s2+$0x7A50]  }
0x9b: {  	v31 =	vld [tilespmem:s2+$0x1A60]  }
0x9c: {  	v33 =	vld [tilespmem:s2+$0x1A70]  }
0x9d: {  	v34 =	vld [tilespmem:s2+$0x7A70]  }
0x9e: {  	v35 =	vld [tilespmem:s2+$0x1E00]  }
0x9f: {  	v51 =	vadd.f32 v4, v3;
	v3 =	vld [tilespmem:s2+$0x7E00]  }
0xa0: {  	v4 =	vld [tilespmem:s2+$0x1E10]  }
0xa1: {  	v49 =	vadd.f32 v8, v7;
	v50 =	vadd.f32 v6, v5;
	v7 =	vld [tilespmem:s2+$0x7E10]  }
0xa2: {  	v48 =	vadd.f32 v10, v9;
	v47 =	vadd.f32 v14, v13;
	v13 =	vld [tilespmem:s2+$0x1E30]  }
0xa3: {  	v46 =	vadd.f32 v12, v11;
	v44 =	vadd.f32 v16, v15;
	v8 =	vld [tilespmem:s2+$0x7E30]  }
0xa4: {  	v15 =	vld [tilespmem:s2+$0x1E40];
	v45 =	vadd.f32 v18, v17;
	v42 =	vadd.f32 v20, v19  }
0xa5: {  	v17 =	vld [tilespmem:s2+$0x7E40];
	v43 =	vadd.f32 v22, v21;
	v40 =	vadd.f32 v24, v23  }
0xa6: {  	v21 =	vld [tilespmem:s2+$0x1E70];
	v41 =	vadd.f32 v26, v25;
	v38 =	vadd.f32 v28, v27  }
0xa7: {  	v23 =	vld [tilespmem:s2+$0x7E70];
	v39 =	vadd.f32 v30, v29;
	v53 =	vmul.f32 v51, v51;
	v54 =	vmul.f32 v49, v49  }
0xa8: {  	v27 =	vld [tilespmem:s2+$0x2210];
	v37 =	vadd.f32 v34, v33;
	v55 =	vmul.f32 v50, v50;
	v57 =	vmul.f32 v48, v48  }
0xa9: {  	v22 =	vld [tilespmem:s2+$0x8210];
	v56 =	vadd.f32 v49, v51;
	v58 =	vadd.f32 v48, v50  }
0xaa: {  	v32 =	vld [tilespmem:s2+$0x7A60];
	v5 =	vadd.f32 v54, v53;
	v6 =	vadd.f32 v57, v55  }
0xab: {  	v52 =	vld [tilespmem:s2+$0x2220];
	v10 =	vadd.f32 v46, v56;
	v12 =	vadd.f32 v47, v58  }
0xac: {  	v9 =	vld [tilespmem:s2+$0x1E20];
	v36 =	vmul.f32 v46, v46;
	v34 =	vadd.f32 v3, v35;
	v35 =	vadd.f32 v7, v4  }
0xad: {  	v11 =	vld [tilespmem:s2+$0x7E20];
	v14 =	vmul.f32 v47, v47;
	v33 =	vadd.f32 v8, v13;
	v30 =	vadd.f32 v17, v15  }
0xae: {  	v18 =	vld [tilespmem:s2+$0x7E50];
	v29 =	vadd.f32 v23, v21;
	v27 =	vadd.f32 v22, v27  }
0xaf: {  	v16 =	vmul.f32 v44, v44;
	v4 =	vld [tilespmem:s2+$0x2240];
	v5 =	vadd.f32 v36, v5;
	v6 =	vadd.f32 v14, v6  }
0xb0: {  	v59 =	vmul.f32 v45, v45;
	v7 =	vld [tilespmem:s2+$0x8240];
	v10 =	vadd.f32 v44, v10;
	v12 =	vadd.f32 v45, v12  }
0xb1: {  	v19 =	vmul.f32 v42, v42;
	v14 =	vld [tilespmem:s2+$0x1E50];
	v36 =	vadd.f32 v32, v31;
	v5 =	vadd.f32 v16, v5  }
0xb2: {  	v20 =	vld [tilespmem:s2+$0x1E60];
	v60 =	vmul.f32 v43, v43;
	v6 =	vadd.f32 v59, v6;
	v10 =	vadd.f32 v42, v10  }
0xb3: {  	v16 =	vld [tilespmem:s2+$0x7E60];
	v12 =	vadd.f32 v43, v12;
	v5 =	vadd.f32 v19, v5  }
0xb4: {  	v24 =	vld [tilespmem:s2+$0x8200];
	v61 =	vmul.f32 v40, v40;
	v6 =	vadd.f32 v60, v6;
	v10 =	vadd.f32 v40, v10  }
0xb5: {  	v62 =	vmul.f32 v41, v41;
	v54 =	vld [tilespmem:s2+$0x8230];
	v12 =	vadd.f32 v41, v12;
	v21 =	vadd.f32 v7, v4  }
0xb6: {  	v63 =	vmul.f32 v38, v38;
	v19 =	vld [tilespmem:s2+$0x2200];
	v31 =	vadd.f32 v18, v14;
	v5 =	vadd.f32 v61, v5  }
0xb7: {  	v3 =	vld [tilespmem:s2+$0x2230];
	v32 =	vmul.f32 v39, v39;
	v6 =	vadd.f32 v62, v6;
	v10 =	vadd.f32 v38, v10  }
0xb8: {  	v25 =	vld [tilespmem:s2+$0x8600];
	v12 =	vadd.f32 v39, v12;
	v28 =	vadd.f32 v16, v20  }
0xb9: {  	v55 =	vld [tilespmem:s2+$0x8610];
	v5 =	vadd.f32 v63, v5;
	v6 =	vadd.f32 v32, v6  }
0xba: {  	v8 =	vld [tilespmem:s2+$0x8250];
	v56 =	vmul.f32 v36, v36;
	v10 =	vadd.f32 v36, v10;
	v12 =	vadd.f32 v37, v12  }
0xbb: {  	v57 =	vmul.f32 v37, v37;
	v16 =	vld [tilespmem:s2+$0x2610];
	v32 =	vadd.f32 v11, v9;
	v26 =	vadd.f32 v24, v19  }
0xbc: {  	v58 =	vmul.f32 v34, v34;
	v11 =	vld [tilespmem:s2+$0x2250];
	v24 =	vadd.f32 v54, v3;
	v5 =	vadd.f32 v56, v5  }
0xbd: {  	v60 =	vmul.f32 v35, v35;
	v4 =	vld [tilespmem:s2+$0x2640];
	v6 =	vadd.f32 v57, v6;
	v59 =	vadd.f32 v34, v10  }
0xbe: {  	v54 =	vld [tilespmem:s2+$0x8640];
	v12 =	vadd.f32 v35, v12;
	v5 =	vadd.f32 v58, v5  }
0xbf: {  	v53 =	vld [tilespmem:s2+$0x8220];
	v61 =	vmul.f32 v32, v32;
	v6 =	vadd.f32 v60, v6;
	v9 =	vadd.f32 v32, v59  }
0xc0: {  	v15 =	vld [tilespmem:s2+$0x8260];
	v13 =	vmul.f32 v33, v33;
	v12 =	vadd.f32 v33, v12;
	v18 =	vadd.f32 v55, v16  }
0xc1: {  	v17 =	vmul.f32 v30, v30;
	v14 =	vld [tilespmem:s2+$0x2270];
	v22 =	vadd.f32 v8, v11;
	v5 =	vadd.f32 v61, v5  }
0xc2: {  	v62 =	vmul.f32 v31, v31;
	v3 =	vld [tilespmem:s2+$0x8630];
	v6 =	vadd.f32 v13, v6;
	v9 =	vadd.f32 v30, v9  }
0xc3: {  	v23 =	vmul.f32 v29, v29;
	v13 =	vld [tilespmem:s2+$0x8270];
	v12 =	vadd.f32 v31, v12;
	v16 =	vadd.f32 v54, v4  }
0xc4: {  	v63 =	vmul.f32 v28, v28;
	v10 =	vld [tilespmem:s2+$0x2260];
	v5 =	vadd.f32 v17, v5;
	v6 =	vadd.f32 v62, v6  }
0xc5: {  	v56 =	vld [tilespmem:s2+$0x2620];
	v9 =	vadd.f32 v28, v9;
	v12 =	vadd.f32 v29, v12  }
0xc6: {  	v57 =	vmul.f32 v27, v27;
	v17 =	vld [tilespmem:s2+$0x2600];
	v5 =	vadd.f32 v63, v5;
	v6 =	vadd.f32 v23, v6  }
0xc7: {  	v19 =	vmul.f32 v26, v26;
	v55 =	vld [tilespmem:s2+$0x2A00];
	v23 =	vadd.f32 v53, v52;
	v9 =	vadd.f32 v26, v9  }
0xc8: {  	v8 =	vld [tilespmem:s2+$0x2650];
	v12 =	vadd.f32 v27, v12;
	v20 =	vadd.f32 v13, v14  }
0xc9: {  	v60 =	vmul.f32 v24, v24;
	v52 =	vld [tilespmem:s2+$0x8620];
	v5 =	vadd.f32 v19, v5;
	v6 =	vadd.f32 v57, v6  }
0xca: {  	v4 =	vld [tilespmem:s2+$0x8A20];
	v58 =	vmul.f32 v23, v23;
	v59 =	vadd.f32 v23, v9;
	v12 =	vadd.f32 v24, v12  }
0xcb: {  	v53 =	vld [tilespmem:s2+$0x2630];
	v19 =	vadd.f32 v15, v10;
	v17 =	vadd.f32 v25, v17  }
0xcc: {  	v61 =	vmul.f32 v21, v21;
	v9 =	vld [tilespmem:s2+$0x8650];
	v5 =	vadd.f32 v58, v5;
	v6 =	vadd.f32 v60, v6  }
0xcd: {  	v62 =	vmul.f32 v22, v22;
	v10 =	vld [tilespmem:s2+$0x2670];
	v7 =	vadd.f32 v21, v59;
	v12 =	vadd.f32 v22, v12  }
0xce: {  	v25 =	vld [tilespmem:s2+$0x8670];
	v15 =	vmul.f32 v19, v19;
	v14 =	vadd.f32 v52, v56;
	v5 =	vadd.f32 v61, v5  }
0xcf: {  	v63 =	vld [tilespmem:s2+$0x2660];
	v13 =	vmul.f32 v20, v20;
	v6 =	vadd.f32 v62, v6;
	v7 =	vadd.f32 v19, v7  }
0xd0: {  	v57 =	vld [tilespmem:s2+$0x8660];
	v12 =	vadd.f32 v20, v12;
	v5 =	vadd.f32 v15, v5  }
0xd1: {  	v60 =	vmul.f32 v18, v18;
	v52 =	vld [tilespmem:s2+$0x8A00];
	v6 =	vadd.f32 v13, v6;
	v7 =	vadd.f32 v17, v7  }
0xd2: {  	v59 =	vmul.f32 v17, v17;
	v56 =	vld [tilespmem:s2+$0x2A10];
	v12 =	vadd.f32 v18, v12;
	v15 =	vadd.f32 v3, v53  }
0xd3: {  	v3 =	vld [tilespmem:s2+$0x8A10];
	v13 =	vadd.f32 v9, v8;
	v11 =	vadd.f32 v25, v10  }
0xd4: {  	v61 =	vmul.f32 v14, v14;
	v53 =	vld [tilespmem:s2+$0x2A20];
	v5 =	vadd.f32 v59, v5;
	v6 =	vadd.f32 v60, v6  }
0xd5: {  	v9 =	vld [tilespmem:s2+$0x2A30];
	v7 =	vadd.f32 v14, v7;
	v58 =	vmul.f32 v15, v15;
	v54 =	vadd.f32 v15, v12  }
0xd6: {  	v62 =	vmul.f32 v16, v16;
	v25 =	vld [tilespmem:s2+$0x2A40];
	v12 =	vadd.f32 v57, v63;
	v10 =	vadd.f32 v52, v55  }
0xd7: {  	v57 =	vld [tilespmem:s2+$0x8A30];
	v63 =	vmul.f32 v13, v13;
	v5 =	vadd.f32 v61, v5;
	v6 =	vadd.f32 v58, v6  }
0xd8: {  	v52 =	vld [tilespmem:s2+$0x8A40];
	v7 =	vadd.f32 v16, v7;
	v59 =	vmul.f32 v12, v12;
	v8 =	vadd.f32 v3, v56  }
0xd9: {  	v61 =	vmul.f32 v11, v11;
	v3 =	vld [tilespmem:s2+$0x2A50];
	v5 =	vadd.f32 v62, v5;
	v60 =	vadd.f32 v63, v6  }
0xda: {  	v6 =	vadd.f32 v4, v53;
	v4 =	vld [tilespmem:s2+$0x8A50];
	v7 =	vadd.f32 v12, v7  }
0xdb: {  	v58 =	vld [tilespmem:s2+$0x8A60];
	v62 =	vmul.f32 v10, v10;
	v56 =	vadd.f32 v59, v5;
	v63 =	vadd.f32 v61, v60  }
0xdc: {  	v60 =	vmul.f32 v8, v8;
	v5 =	vadd.f32 v57, v9;
	v57 =	vld [tilespmem:s2+$0x2A60];
	v61 =	vadd.f32 v13, v54  }
0xdd: {  	v59 =	vld [tilespmem:s2+$0x2A70];
	v9 =	vadd.f32 v52, v25;
	v54 =	vadd.f32 v62, v56  }
0xde: {  	v56 =	vmul.f32 v6, v6;
	v53 =	vadd.f32 v60, v63;
	v60 =	vadd.f32 v11, v61;
	v62 =	vld [tilespmem:s2+$0x8A70]  }
0xdf: {  	v55 =	vmul.f32 v5, v5;
	v63 =	vadd.f32 v10, v7;
	v7 =	vadd.f32 v4, v3  }
0xe0: {  	v54 =	vadd.f32 v56, v54;
	v60 =	vadd.f32 v8, v60  }
0xe1: {  	v53 =	vadd.f32 v55, v53;
	v3 =	vadd.f32 v6, v63  }
0xe2: {  	v52 =	vmul.f32 v9, v9;
	v4 =	vadd.f32 v58, v57;
	v25 =	vadd.f32 v5, v60  }
0xe3: {  	v61 =	vmul.f32 v7, v7;
	v55 =	vadd.f32 v9, v3;
	v3 =	vadd.f32 v62, v59  }
0xe4: {  	v52 =	vadd.f32 v52, v54;
	v25 =	vadd.f32 v7, v25  }
0xe5: {  	v53 =	vadd.f32 v61, v53;
	v62 =	vmul.f32 v4, v4;
	v63 =	vmul.f32 v3, v3  }
0xe6: {  	v55 =	vadd.f32 v4, v55;
	v25 =	vadd.f32 v3, v25  }
0xe7: {  	v52 =	vadd.f32 v62, v52;
	v53 =	vadd.f32 v63, v53  }
0xe8: {  	v25 =	vadd.f32 v25, v55  }
0xe9: {  	v52 =	vadd.f32 v53, v52  }
0xea: {  	(xrf2) =	vadd.scan.msk.f32 $0xffff, v25  }
0xeb: {  	(xrf2) =	vadd.scan.msk.f32 $0xffff, v52;
	_ =	sdelay $0x8  }
0xec: {  	v25, _, _ =	vpop (xrf2)  }
0xed: {  	(v2sf) =	vpush v25, $0xF;
	v56, _, _ =	vpop (xrf2)  }
0xee: {  	(v2sf) =	vpush v56, $0xF;
	_ =	sdelay $0xd  }
0xef: {  	s18 =	spop (v2sf)  }
0xf0: {  	s4 =	smul.f32 $1.302083370e-03, s18;
	s17 =	spop (v2sf)  }
0xf1: {  	s17 =	smul.f32 $1.302083370e-03, s17  }
0xf2: {  	s18 =	smul.f32 s4, s4;
	_ =	sdelay $0x1  }
0xf3: {  	s17 =	ssub.f32 s17, s18;
	_ =	sdelay $0x1  }
0xf4: {  	s17 =	sadd.f32 $9.999999960e-13, s17;
	_ =	sdelay $0x1  }
0xf5: {  	s19 =	sshra.s32 s17, $0x1;
	s17 =	smul.f32 $5.000000000e-01, s17  }
0xf6: {  	s18 =	ssub.s32 $0x5F3759DF, s19  }
0xf7: {  	s19 =	smul.f32 s18, s17;
	_ =	sdelay $0x1  }
0xf8: {  	s19 =	smul.f32 s18, s19;
	_ =	sdelay $0x1  }
0xf9: {  	s19 =	ssub.f32 $1.500000000e+00, s19;
	_ =	sdelay $0x1  }
0xfa: {  	s18 =	smul.f32 s18, s19;
	_ =	sdelay $0x1  }
0xfb: {  	s19 =	smul.f32 s18, s17;
	_ =	sdelay $0x1  }
0xfc: {  	s19 =	smul.f32 s19, s18;
	_ =	sdelay $0x1  }
0xfd: {  	s19 =	ssub.f32 $1.500000000e+00, s19;
	_ =	sdelay $0x1  }
0xfe: {  	s18 =	smul.f32 s19, s18;
	_ =	sdelay $0x1  }
0xff: {  	s17 =	smul.f32 s18, s17;
	_ =	sdelay $0x1  }
0x100: {  	s17 =	smul.f32 s17, s18;
	_ =	sdelay $0x1  }
0x101: {  	s17 =	ssub.f32 $1.500000000e+00, s17  }
0x102: {  	v57 =	vld [tilespmem:$0x1000];
	v25 =	vmov s4  }
0x103: {  	v51 =	vsub.f32 v51, v25;
	s19 =	smul.f32 s17, s18  }
0x104: {  	v58 =	vld [tilespmem:$0x1300]  }
0x105: {  	v51 =	vmul.f32 s19, v51;
	_ =	sdelay $0x1  }
0x106: {  	v51 =	vmul.f32 v51, v57;
	_ =	sdelay $0x1  }
0x107: {  	v51 =	vadd.f32 v51, v58;
	_ =	sdelay $0x1  }
0x108: {  	[tilespmem:s2+$0xD600] =	vst v51  }
0x109: {  	v51 =	vld [tilespmem:$0x1010]  }
0x10a: {  	v50 =	vsub.f32 v50, v25  }
0x10b: {  	v59 =	vld [tilespmem:$0x1310]  }
0x10c: {  	v50 =	vmul.f32 s19, v50;
	_ =	sdelay $0x1  }
0x10d: {  	v50 =	vmul.f32 v50, v51;
	_ =	sdelay $0x1  }
0x10e: {  	v50 =	vadd.f32 v50, v59;
	_ =	sdelay $0x1  }
0x10f: {  	[tilespmem:s2+$0xD610] =	vst v50  }
0x110: {  	v50 =	vld [tilespmem:$0x1020]  }
0x111: {  	v49 =	vsub.f32 v49, v25  }
0x112: {  	v60 =	vld [tilespmem:$0x1320]  }
0x113: {  	v49 =	vmul.f32 s19, v49;
	_ =	sdelay $0x1  }
0x114: {  	v49 =	vmul.f32 v49, v50;
	_ =	sdelay $0x1  }
0x115: {  	v49 =	vadd.f32 v49, v60;
	_ =	sdelay $0x1  }
0x116: {  	[tilespmem:s2+$0xD620] =	vst v49  }
0x117: {  	v49 =	vld [tilespmem:$0x1030]  }
0x118: {  	v48 =	vsub.f32 v48, v25  }
0x119: {  	v61 =	vld [tilespmem:$0x1330]  }
0x11a: {  	v48 =	vmul.f32 s19, v48;
	_ =	sdelay $0x1  }
0x11b: {  	v48 =	vmul.f32 v48, v49;
	_ =	sdelay $0x1  }
0x11c: {  	v48 =	vadd.f32 v48, v61;
	_ =	sdelay $0x1  }
0x11d: {  	[tilespmem:s2+$0xD630] =	vst v48  }
0x11e: {  	v48 =	vld [tilespmem:$0x1040]  }
0x11f: {  	v46 =	vsub.f32 v46, v25  }
0x120: {  	v62 =	vld [tilespmem:$0x1340]  }
0x121: {  	v46 =	vmul.f32 s19, v46;
	_ =	sdelay $0x1  }
0x122: {  	v46 =	vmul.f32 v46, v48;
	_ =	sdelay $0x1  }
0x123: {  	v46 =	vadd.f32 v46, v62;
	_ =	sdelay $0x1  }
0x124: {  	[tilespmem:s2+$0xD640] =	vst v46  }
0x125: {  	v46 =	vld [tilespmem:$0x1050]  }
0x126: {  	v47 =	vsub.f32 v47, v25  }
0x127: {  	v63 =	vld [tilespmem:$0x1350]  }
0x128: {  	v47 =	vmul.f32 s19, v47;
	_ =	sdelay $0x1  }
0x129: {  	v46 =	vmul.f32 v47, v46;
	_ =	sdelay $0x1  }
0x12a: {  	v46 =	vadd.f32 v46, v63;
	_ =	sdelay $0x1  }
0x12b: {  	[tilespmem:s2+$0xD650] =	vst v46  }
0x12c: {  	v46 =	vld [tilespmem:$0x1060]  }
0x12d: {  	v44 =	vsub.f32 v44, v25  }
0x12e: {  	v48 =	vld [tilespmem:$0x1360]  }
0x12f: {  	v44 =	vmul.f32 s19, v44;
	_ =	sdelay $0x1  }
0x130: {  	v44 =	vmul.f32 v44, v46;
	_ =	sdelay $0x1  }
0x131: {  	v44 =	vadd.f32 v44, v48;
	_ =	sdelay $0x1  }
0x132: {  	[tilespmem:s2+$0xD660] =	vst v44  }
0x133: {  	v44 =	vld [tilespmem:$0x1070]  }
0x134: {  	v45 =	vsub.f32 v45, v25  }
0x135: {  	v49 =	vld [tilespmem:$0x1370]  }
0x136: {  	v45 =	vmul.f32 s19, v45;
	_ =	sdelay $0x1  }
0x137: {  	v44 =	vmul.f32 v45, v44;
	_ =	sdelay $0x1  }
0x138: {  	v44 =	vadd.f32 v44, v49;
	_ =	sdelay $0x1  }
0x139: {  	[tilespmem:s2+$0xD670] =	vst v44  }
0x13a: {  	v44 =	vld [tilespmem:$0x1080]  }
0x13b: {  	v42 =	vsub.f32 v42, v25  }
0x13c: {  	v50 =	vld [tilespmem:$0x1380]  }
0x13d: {  	v42 =	vmul.f32 s19, v42;
	_ =	sdelay $0x1  }
0x13e: {  	v42 =	vmul.f32 v42, v44;
	_ =	sdelay $0x1  }
0x13f: {  	v42 =	vadd.f32 v42, v50;
	_ =	sdelay $0x1  }
0x140: {  	[tilespmem:s2+$0xDA00] =	vst v42  }
0x141: {  	v42 =	vld [tilespmem:$0x1090]  }
0x142: {  	v43 =	vsub.f32 v43, v25  }
0x143: {  	v51 =	vld [tilespmem:$0x1390]  }
0x144: {  	v43 =	vmul.f32 s19, v43;
	_ =	sdelay $0x1  }
0x145: {  	v42 =	vmul.f32 v43, v42;
	_ =	sdelay $0x1  }
0x146: {  	v42 =	vadd.f32 v42, v51;
	_ =	sdelay $0x1  }
0x147: {  	[tilespmem:s2+$0xDA10] =	vst v42  }
0x148: {  	v42 =	vld [tilespmem:$0x10A0]  }
0x149: {  	v40 =	vsub.f32 v40, v25  }
0x14a: {  	v52 =	vld [tilespmem:$0x13A0]  }
0x14b: {  	v40 =	vmul.f32 s19, v40;
	_ =	sdelay $0x1  }
0x14c: {  	v40 =	vmul.f32 v42, v40;
	_ =	sdelay $0x1  }
0x14d: {  	v40 =	vadd.f32 v52, v40;
	_ =	sdelay $0x1  }
0x14e: {  	[tilespmem:s2+$0xDA20] =	vst v40  }
0x14f: {  	v40 =	vld [tilespmem:$0x10B0]  }
0x150: {  	v41 =	vsub.f32 v41, v25  }
0x151: {  	v53 =	vld [tilespmem:$0x13B0]  }
0x152: {  	v41 =	vmul.f32 s19, v41;
	_ =	sdelay $0x1  }
0x153: {  	v40 =	vmul.f32 v40, v41;
	_ =	sdelay $0x1  }
0x154: {  	v40 =	vadd.f32 v53, v40;
	_ =	sdelay $0x1  }
0x155: {  	[tilespmem:s2+$0xDA30] =	vst v40  }
0x156: {  	v40 =	vld [tilespmem:$0x10C0]  }
0x157: {  	v38 =	vsub.f32 v38, v25  }
0x158: {  	v54 =	vld [tilespmem:$0x13C0]  }
0x159: {  	v38 =	vmul.f32 s19, v38;
	_ =	sdelay $0x1  }
0x15a: {  	v38 =	vmul.f32 v40, v38;
	_ =	sdelay $0x1  }
0x15b: {  	v38 =	vadd.f32 v54, v38;
	_ =	sdelay $0x1  }
0x15c: {  	[tilespmem:s2+$0xDA40] =	vst v38  }
0x15d: {  	v38 =	vld [tilespmem:$0x10D0]  }
0x15e: {  	v39 =	vsub.f32 v39, v25  }
0x15f: {  	v55 =	vld [tilespmem:$0x13D0]  }
0x160: {  	v39 =	vmul.f32 s19, v39;
	_ =	sdelay $0x1  }
0x161: {  	v38 =	vmul.f32 v38, v39;
	_ =	sdelay $0x1  }
0x162: {  	v38 =	vadd.f32 v55, v38;
	_ =	sdelay $0x1  }
0x163: {  	[tilespmem:s2+$0xDA50] =	vst v38  }
0x164: {  	v38 =	vld [tilespmem:$0x10E0]  }
0x165: {  	v36 =	vsub.f32 v36, v25  }
0x166: {  	v56 =	vld [tilespmem:$0x13E0]  }
0x167: {  	v36 =	vmul.f32 s19, v36;
	_ =	sdelay $0x1  }
0x168: {  	v36 =	vmul.f32 v38, v36;
	_ =	sdelay $0x1  }
0x169: {  	v36 =	vadd.f32 v56, v36;
	_ =	sdelay $0x1  }
0x16a: {  	[tilespmem:s2+$0xDA60] =	vst v36  }
0x16b: {  	v36 =	vld [tilespmem:$0x10F0]  }
0x16c: {  	v37 =	vsub.f32 v37, v25  }
0x16d: {  	v57 =	vld [tilespmem:$0x13F0]  }
0x16e: {  	v37 =	vmul.f32 s19, v37;
	_ =	sdelay $0x1  }
0x16f: {  	v36 =	vmul.f32 v36, v37;
	_ =	sdelay $0x1  }
0x170: {  	v36 =	vadd.f32 v57, v36;
	_ =	sdelay $0x1  }
0x171: {  	[tilespmem:s2+$0xDA70] =	vst v36  }
0x172: {  	v36 =	vld [tilespmem:$0x1100]  }
0x173: {  	v34 =	vsub.f32 v34, v25  }
0x174: {  	v58 =	vld [tilespmem:$0x1400]  }
0x175: {  	v34 =	vmul.f32 s19, v34;
	_ =	sdelay $0x1  }
0x176: {  	v34 =	vmul.f32 v36, v34;
	_ =	sdelay $0x1  }
0x177: {  	v34 =	vadd.f32 v58, v34;
	_ =	sdelay $0x1  }
0x178: {  	[tilespmem:s2+$0xDE00] =	vst v34  }
0x179: {  	v34 =	vld [tilespmem:$0x1110]  }
0x17a: {  	v35 =	vsub.f32 v35, v25  }
0x17b: {  	v59 =	vld [tilespmem:$0x1410]  }
0x17c: {  	v35 =	vmul.f32 s19, v35;
	_ =	sdelay $0x1  }
0x17d: {  	v34 =	vmul.f32 v34, v35;
	_ =	sdelay $0x1  }
0x17e: {  	v34 =	vadd.f32 v59, v34;
	_ =	sdelay $0x1  }
0x17f: {  	[tilespmem:s2+$0xDE10] =	vst v34  }
0x180: {  	v34 =	vld [tilespmem:$0x1120]  }
0x181: {  	v32 =	vsub.f32 v32, v25  }
0x182: {  	v60 =	vld [tilespmem:$0x1420]  }
0x183: {  	v32 =	vmul.f32 s19, v32;
	_ =	sdelay $0x1  }
0x184: {  	v32 =	vmul.f32 v34, v32;
	_ =	sdelay $0x1  }
0x185: {  	v32 =	vadd.f32 v60, v32;
	_ =	sdelay $0x1  }
0x186: {  	[tilespmem:s2+$0xDE20] =	vst v32  }
0x187: {  	v32 =	vld [tilespmem:$0x1130]  }
0x188: {  	v33 =	vsub.f32 v33, v25  }
0x189: {  	v61 =	vld [tilespmem:$0x1430]  }
0x18a: {  	v33 =	vmul.f32 s19, v33;
	_ =	sdelay $0x1  }
0x18b: {  	v32 =	vmul.f32 v32, v33;
	_ =	sdelay $0x1  }
0x18c: {  	v32 =	vadd.f32 v61, v32;
	_ =	sdelay $0x1  }
0x18d: {  	[tilespmem:s2+$0xDE30] =	vst v32  }
0x18e: {  	v32 =	vld [tilespmem:$0x1140]  }
0x18f: {  	v30 =	vsub.f32 v30, v25  }
0x190: {  	v62 =	vld [tilespmem:$0x1440]  }
0x191: {  	v30 =	vmul.f32 s19, v30;
	_ =	sdelay $0x1  }
0x192: {  	v30 =	vmul.f32 v32, v30;
	_ =	sdelay $0x1  }
0x193: {  	v30 =	vadd.f32 v62, v30;
	_ =	sdelay $0x1  }
0x194: {  	[tilespmem:s2+$0xDE40] =	vst v30  }
0x195: {  	v30 =	vld [tilespmem:$0x1150]  }
0x196: {  	v31 =	vsub.f32 v31, v25  }
0x197: {  	v63 =	vld [tilespmem:$0x1450]  }
0x198: {  	v31 =	vmul.f32 s19, v31;
	_ =	sdelay $0x1  }
0x199: {  	v30 =	vmul.f32 v30, v31;
	_ =	sdelay $0x1  }
0x19a: {  	v30 =	vadd.f32 v63, v30;
	_ =	sdelay $0x1  }
0x19b: {  	[tilespmem:s2+$0xDE50] =	vst v30  }
0x19c: {  	v30 =	vld [tilespmem:$0x1160]  }
0x19d: {  	v28 =	vsub.f32 v28, v25  }
0x19e: {  	v35 =	vld [tilespmem:$0x1460]  }
0x19f: {  	v28 =	vmul.f32 s19, v28;
	_ =	sdelay $0x1  }
0x1a0: {  	v28 =	vmul.f32 v30, v28;
	_ =	sdelay $0x1  }
0x1a1: {  	v28 =	vadd.f32 v35, v28;
	_ =	sdelay $0x1  }
0x1a2: {  	[tilespmem:s2+$0xDE60] =	vst v28  }
0x1a3: {  	v28 =	vld [tilespmem:$0x1170]  }
0x1a4: {  	v29 =	vsub.f32 v29, v25  }
0x1a5: {  	v36 =	vld [tilespmem:$0x1470]  }
0x1a6: {  	v29 =	vmul.f32 s19, v29;
	_ =	sdelay $0x1  }
0x1a7: {  	v28 =	vmul.f32 v28, v29;
	_ =	sdelay $0x1  }
0x1a8: {  	v28 =	vadd.f32 v36, v28;
	_ =	sdelay $0x1  }
0x1a9: {  	[tilespmem:s2+$0xDE70] =	vst v28  }
0x1aa: {  	v28 =	vld [tilespmem:$0x1180]  }
0x1ab: {  	v26 =	vsub.f32 v26, v25  }
0x1ac: {  	v37 =	vld [tilespmem:$0x1480]  }
0x1ad: {  	v26 =	vmul.f32 s19, v26;
	_ =	sdelay $0x1  }
0x1ae: {  	v26 =	vmul.f32 v28, v26;
	_ =	sdelay $0x1  }
0x1af: {  	v26 =	vadd.f32 v37, v26;
	_ =	sdelay $0x1  }
0x1b0: {  	[tilespmem:s2+$0xE200] =	vst v26  }
0x1b1: {  	v26 =	vld [tilespmem:$0x1190]  }
0x1b2: {  	v27 =	vsub.f32 v27, v25  }
0x1b3: {  	v38 =	vld [tilespmem:$0x1490]  }
0x1b4: {  	v27 =	vmul.f32 s19, v27;
	_ =	sdelay $0x1  }
0x1b5: {  	v26 =	vmul.f32 v26, v27;
	_ =	sdelay $0x1  }
0x1b6: {  	v26 =	vadd.f32 v38, v26;
	_ =	sdelay $0x1  }
0x1b7: {  	[tilespmem:s2+$0xE210] =	vst v26  }
0x1b8: {  	v26 =	vld [tilespmem:$0x11A0]  }
0x1b9: {  	v23 =	vsub.f32 v23, v25  }
0x1ba: {  	v39 =	vld [tilespmem:$0x14A0]  }
0x1bb: {  	v23 =	vmul.f32 s19, v23;
	_ =	sdelay $0x1  }
0x1bc: {  	v23 =	vmul.f32 v26, v23;
	_ =	sdelay $0x1  }
0x1bd: {  	v23 =	vadd.f32 v39, v23;
	_ =	sdelay $0x1  }
0x1be: {  	[tilespmem:s2+$0xE220] =	vst v23  }
0x1bf: {  	v23 =	vld [tilespmem:$0x11B0]  }
0x1c0: {  	v24 =	vsub.f32 v24, v25  }
0x1c1: {  	v40 =	vld [tilespmem:$0x14B0]  }
0x1c2: {  	v24 =	vmul.f32 s19, v24;
	_ =	sdelay $0x1  }
0x1c3: {  	v23 =	vmul.f32 v23, v24;
	_ =	sdelay $0x1  }
0x1c4: {  	v23 =	vadd.f32 v40, v23;
	_ =	sdelay $0x1  }
0x1c5: {  	[tilespmem:s2+$0xE230] =	vst v23  }
0x1c6: {  	v23 =	vld [tilespmem:$0x11C0]  }
0x1c7: {  	v21 =	vsub.f32 v21, v25  }
0x1c8: {  	v41 =	vld [tilespmem:$0x14C0]  }
0x1c9: {  	v21 =	vmul.f32 s19, v21;
	_ =	sdelay $0x1  }
0x1ca: {  	v21 =	vmul.f32 v23, v21;
	_ =	sdelay $0x1  }
0x1cb: {  	v21 =	vadd.f32 v41, v21;
	_ =	sdelay $0x1  }
0x1cc: {  	[tilespmem:s2+$0xE240] =	vst v21  }
0x1cd: {  	v21 =	vld [tilespmem:$0x11D0]  }
0x1ce: {  	v22 =	vsub.f32 v22, v25  }
0x1cf: {  	v42 =	vld [tilespmem:$0x14D0]  }
0x1d0: {  	v22 =	vmul.f32 s19, v22;
	_ =	sdelay $0x1  }
0x1d1: {  	v21 =	vmul.f32 v21, v22;
	_ =	sdelay $0x1  }
0x1d2: {  	v21 =	vadd.f32 v42, v21;
	_ =	sdelay $0x1  }
0x1d3: {  	[tilespmem:s2+$0xE250] =	vst v21  }
0x1d4: {  	v21 =	vld [tilespmem:$0x11E0]  }
0x1d5: {  	v19 =	vsub.f32 v19, v25  }
0x1d6: {  	v43 =	vld [tilespmem:$0x14E0]  }
0x1d7: {  	v19 =	vmul.f32 s19, v19;
	_ =	sdelay $0x1  }
0x1d8: {  	v19 =	vmul.f32 v21, v19;
	_ =	sdelay $0x1  }
0x1d9: {  	v19 =	vadd.f32 v43, v19;
	_ =	sdelay $0x1  }
0x1da: {  	[tilespmem:s2+$0xE260] =	vst v19  }
0x1db: {  	v19 =	vld [tilespmem:$0x11F0]  }
0x1dc: {  	v20 =	vsub.f32 v20, v25  }
0x1dd: {  	v44 =	vld [tilespmem:$0x14F0]  }
0x1de: {  	v20 =	vmul.f32 s19, v20;
	_ =	sdelay $0x1  }
0x1df: {  	v19 =	vmul.f32 v19, v20;
	_ =	sdelay $0x1  }
0x1e0: {  	v19 =	vadd.f32 v44, v19;
	_ =	sdelay $0x1  }
0x1e1: {  	[tilespmem:s2+$0xE270] =	vst v19  }
0x1e2: {  	v19 =	vld [tilespmem:$0x1200]  }
0x1e3: {  	v17 =	vsub.f32 v17, v25  }
0x1e4: {  	v45 =	vld [tilespmem:$0x1500]  }
0x1e5: {  	v17 =	vmul.f32 s19, v17;
	_ =	sdelay $0x1  }
0x1e6: {  	v17 =	vmul.f32 v19, v17;
	_ =	sdelay $0x1  }
0x1e7: {  	v17 =	vadd.f32 v45, v17;
	_ =	sdelay $0x1  }
0x1e8: {  	[tilespmem:s2+$0xE600] =	vst v17  }
0x1e9: {  	v17 =	vld [tilespmem:$0x1210]  }
0x1ea: {  	v18 =	vsub.f32 v18, v25  }
0x1eb: {  	v46 =	vld [tilespmem:$0x1510]  }
0x1ec: {  	v18 =	vmul.f32 s19, v18;
	_ =	sdelay $0x1  }
0x1ed: {  	v17 =	vmul.f32 v17, v18;
	_ =	sdelay $0x1  }
0x1ee: {  	v17 =	vadd.f32 v46, v17;
	_ =	sdelay $0x1  }
0x1ef: {  	[tilespmem:s2+$0xE610] =	vst v17  }
0x1f0: {  	v17 =	vld [tilespmem:$0x1220]  }
0x1f1: {  	v14 =	vsub.f32 v14, v25  }
0x1f2: {  	v47 =	vld [tilespmem:$0x1520]  }
0x1f3: {  	v14 =	vmul.f32 s19, v14;
	_ =	sdelay $0x1  }
0x1f4: {  	v14 =	vmul.f32 v17, v14;
	_ =	sdelay $0x1  }
0x1f5: {  	v14 =	vadd.f32 v47, v14;
	_ =	sdelay $0x1  }
0x1f6: {  	[tilespmem:s2+$0xE620] =	vst v14  }
0x1f7: {  	v14 =	vld [tilespmem:$0x1230]  }
0x1f8: {  	v15 =	vsub.f32 v15, v25  }
0x1f9: {  	v48 =	vld [tilespmem:$0x1530]  }
0x1fa: {  	v15 =	vmul.f32 s19, v15;
	_ =	sdelay $0x1  }
0x1fb: {  	v14 =	vmul.f32 v14, v15;
	_ =	sdelay $0x1  }
0x1fc: {  	v14 =	vadd.f32 v48, v14;
	_ =	sdelay $0x1  }
0x1fd: {  	[tilespmem:s2+$0xE630] =	vst v14  }
0x1fe: {  	v14 =	vld [tilespmem:$0x1240]  }
0x1ff: {  	v49 =	vsub.f32 v16, v25  }
0x200: {  	v50 =	vld [tilespmem:$0x1540]  }
0x201: {  	v15 =	vmul.f32 s19, v49;
	_ =	sdelay $0x1  }
0x202: {  	v14 =	vmul.f32 v14, v15;
	_ =	sdelay $0x1  }
0x203: {  	v14 =	vadd.f32 v50, v14;
	_ =	sdelay $0x1  }
0x204: {  	[tilespmem:s2+$0xE640] =	vst v14  }
0x205: {  	v14 =	vld [tilespmem:$0x1250]  }
0x206: {  	v13 =	vsub.f32 v13, v25  }
0x207: {  	v51 =	vld [tilespmem:$0x1550]  }
0x208: {  	v13 =	vmul.f32 s19, v13;
	_ =	sdelay $0x1  }
0x209: {  	v13 =	vmul.f32 v14, v13;
	_ =	sdelay $0x1  }
0x20a: {  	v13 =	vadd.f32 v51, v13;
	_ =	sdelay $0x1  }
0x20b: {  	[tilespmem:s2+$0xE650] =	vst v13  }
0x20c: {  	v13 =	vld [tilespmem:$0x1260]  }
0x20d: {  	v12 =	vsub.f32 v12, v25  }
0x20e: {  	v52 =	vld [tilespmem:$0x1560]  }
0x20f: {  	v12 =	vmul.f32 s19, v12;
	_ =	sdelay $0x1  }
0x210: {  	v12 =	vmul.f32 v13, v12;
	_ =	sdelay $0x1  }
0x211: {  	v12 =	vadd.f32 v52, v12;
	_ =	sdelay $0x1  }
0x212: {  	[tilespmem:s2+$0xE660] =	vst v12  }
0x213: {  	v12 =	vld [tilespmem:$0x1270]  }
0x214: {  	v11 =	vsub.f32 v11, v25  }
0x215: {  	v53 =	vld [tilespmem:$0x1570]  }
0x216: {  	v11 =	vmul.f32 s19, v11;
	_ =	sdelay $0x1  }
0x217: {  	v11 =	vmul.f32 v12, v11;
	_ =	sdelay $0x1  }
0x218: {  	v11 =	vadd.f32 v53, v11;
	_ =	sdelay $0x1  }
0x219: {  	[tilespmem:s2+$0xE670] =	vst v11  }
0x21a: {  	v11 =	vld [tilespmem:$0x1280]  }
0x21b: {  	v10 =	vsub.f32 v10, v25  }
0x21c: {  	v54 =	vld [tilespmem:$0x1580]  }
0x21d: {  	v10 =	vmul.f32 s19, v10;
	_ =	sdelay $0x1  }
0x21e: {  	v10 =	vmul.f32 v11, v10;
	_ =	sdelay $0x1  }
0x21f: {  	v10 =	vadd.f32 v54, v10;
	_ =	sdelay $0x1  }
0x220: {  	[tilespmem:s2+$0xEA00] =	vst v10  }
0x221: {  	v10 =	vld [tilespmem:$0x1290]  }
0x222: {  	v8 =	vsub.f32 v8, v25  }
0x223: {  	v55 =	vld [tilespmem:$0x1590]  }
0x224: {  	v8 =	vmul.f32 s19, v8;
	_ =	sdelay $0x1  }
0x225: {  	v8 =	vmul.f32 v10, v8;
	_ =	sdelay $0x1  }
0x226: {  	v8 =	vadd.f32 v55, v8;
	_ =	sdelay $0x1  }
0x227: {  	[tilespmem:s2+$0xEA10] =	vst v8  }
0x228: {  	v8 =	vld [tilespmem:$0x12A0]  }
0x229: {  	v6 =	vsub.f32 v6, v25  }
0x22a: {  	v56 =	vld [tilespmem:$0x15A0]  }
0x22b: {  	v6 =	vmul.f32 s19, v6;
	_ =	sdelay $0x1  }
0x22c: {  	v6 =	vmul.f32 v8, v6;
	_ =	sdelay $0x1  }
0x22d: {  	v6 =	vadd.f32 v56, v6;
	_ =	sdelay $0x1  }
0x22e: {  	[tilespmem:s2+$0xEA20] =	vst v6  }
0x22f: {  	v6 =	vld [tilespmem:$0x12B0]  }
0x230: {  	v5 =	vsub.f32 v5, v25  }
0x231: {  	v57 =	vld [tilespmem:$0x15B0]  }
0x232: {  	v5 =	vmul.f32 s19, v5;
	_ =	sdelay $0x1  }
0x233: {  	v5 =	vmul.f32 v6, v5;
	_ =	sdelay $0x1  }
0x234: {  	v5 =	vadd.f32 v57, v5;
	_ =	sdelay $0x1  }
0x235: {  	[tilespmem:s2+$0xEA30] =	vst v5  }
0x236: {  	v5 =	vld [tilespmem:$0x12C0]  }
0x237: {  	v58 =	vsub.f32 v9, v25  }
0x238: {  	v59 =	vld [tilespmem:$0x15C0]  }
0x239: {  	v6 =	vmul.f32 s19, v58;
	_ =	sdelay $0x1  }
0x23a: {  	v5 =	vmul.f32 v5, v6;
	_ =	sdelay $0x1  }
0x23b: {  	v5 =	vadd.f32 v59, v5;
	_ =	sdelay $0x1  }
0x23c: {  	[tilespmem:s2+$0xEA40] =	vst v5  }
0x23d: {  	v5 =	vld [tilespmem:$0x12D0]  }
0x23e: {  	v60 =	vsub.f32 v7, v25  }
0x23f: {  	v61 =	vld [tilespmem:$0x15D0]  }
0x240: {  	v6 =	vmul.f32 s19, v60;
	_ =	sdelay $0x1  }
0x241: {  	v5 =	vmul.f32 v5, v6;
	_ =	sdelay $0x1  }
0x242: {  	v5 =	vadd.f32 v61, v5;
	_ =	sdelay $0x1  }
0x243: {  	[tilespmem:s2+$0xEA50] =	vst v5  }
0x244: {  	v5 =	vld [tilespmem:$0x12E0]  }
0x245: {  	v4 =	vsub.f32 v4, v25  }
0x246: {  	v62 =	vld [tilespmem:$0x15E0]  }
0x247: {  	v4 =	vmul.f32 s19, v4;
	_ =	sdelay $0x1  }
0x248: {  	v4 =	vmul.f32 v5, v4;
	_ =	sdelay $0x1  }
0x249: {  	v4 =	vadd.f32 v62, v4;
	_ =	sdelay $0x1  }
0x24a: {  	[tilespmem:s2+$0xEA60] =	vst v4  }
0x24b: {  	v4 =	vld [tilespmem:$0x12F0]  }
0x24c: {  	v3 =	vsub.f32 v3, v25  }
0x24d: {  	v63 =	vld [tilespmem:$0x15F0]  }
0x24e: {  	v3 =	vmul.f32 s19, v3  }
0x24f: {  	p1 =	sne.s32 s3, $0xF  }
.Ltmp0:
0x250: {  	v3 =	vmul.f32 v4, v3;
	(pc) =	sbr.rel @p1 .LBB2_3-.Ltmp0, $3  }
0x251: {  	_ = 	snop  }
0x252: {  	v3 =	vadd.f32 v63, v3;
	_ =	sdelay $0x1  }
0x253: {  	s15 =	sadd.s32 $0x80, s15;
	s3 =	sadd.s32 $0x1, s3;
	[tilespmem:s2+$0xEA70] =	vst v3  }
0x254: {  	s2 =	sor.u32 s7, s16  }
0x255: {  	s2 =	sshrl.u32 s2, $0x3  }
0x256: {  	s2 =	smul.u32 $0x300, s2;
	_ =	sdelay $0x1  }
0x257: {  	p1 =	seq.s32 s9, $0x3F;
	s2 =	sadd.s32 s5, s2  }
0x258: {  	[hbm4b:s2+s6] =	stream.linear.scatter [tilespmem:s29], [sflag:$0x5], $0x3000, $0x38;
	[tilespmem:$0x13600] =	vst v63  }
0x259: {  	v3 =	vld @!p1 [tilespmem:s16+$0x20];
	_ =	sdelay $0x4  }
0x25a: {  	v4 =	vshrl.u32 @!p1 v3, $0x3  }
0x25b: {  	v4 =	vmul.u32 @!p1 $0x30, v4  }
0x25c: {  	v5 =	vlaneseq.u32 @!p1;
	v3 =	vand.u32 @!p1 $0x7, v3  }
0x25d: {  	v6 =	vshrl.u32 @!p1 v5, $0x3;
	v3 =	vor.u32 @!p1 v3, v4;
	v4 =	vand.u32 @!p1 $0x7, v5  }
0x25e: {  	v6 =	vmul.u32 @!p1 $0x8, v6;
	v7 =	vperm.xlane @!p1 v3, v4;
	_ =	sdelay $0x1  }
0x25f: {  	v7 =	vadd.s32 @!p1 v6, v7;
	_ =	sdelay $0x2  }
0x260: {  	v5 =	vor.u32 @!p1 $0x8, v5  }
0x261: {  	vm1 =	vmmov @!p1 $0xffff;
	s3 =	simm.s32 @!p1 $0x1600;
	s2 =	simm.s32 @!p1 $0x0;
	v3 =	vperm.xlane @!p1 v3, v5  }
0x262: {  	[tilespmem:s3], [sflag:$0x1] =	stream.indirect_vreg.gather @!p1 [hbm4b:s1+s2], $0x80, v7, vm1, $0xb8;
	[tilespmem:$0x13600] =	vst v63  }
0x263: {  	v3 =	vadd.s32 @!p1 v6, v3;
	s3 =	simm.s32 @!p1 $0x1E00  }
0x264: {  	[tilespmem:s3], [sflag:$0x1] =	stream.indirect_vreg.gather @!p1 [hbm4b:s11+s2], $0x80, v7, vm1, $0xb8;
	[tilespmem:$0x13600] =	vst v63  }
0x265: {  	s3 =	simm.s32 @!p1 $0x2600  }
0x266: {  	[tilespmem:s3], [sflag:$0x1] =	stream.indirect_vreg.gather @!p1 [hbm4b:s12+s2], $0x80, v7, vm1, $0xb8;
	[tilespmem:$0x13600] =	vst v63  }
0x267: {  	s3 =	simm.s32 @!p1 $0x2E00  }
0x268: {  	[tilespmem:s3], [sflag:$0x1] =	stream.indirect_vreg.gather @!p1 [hbm4b:s1+s2], $0x80, v3, vm1, $0xb8;
	[tilespmem:$0x13600] =	vst v63  }
0x269: {  	s3 =	simm.s32 @!p1 $0x3600  }
0x26a: {  	[tilespmem:s3], [sflag:$0x1] =	stream.indirect_vreg.gather @!p1 [hbm4b:s11+s2], $0x80, v3, vm1, $0xb8;
	[tilespmem:$0x13600] =	vst v63  }
0x26b: {  	s3 =	simm.s32 @!p1 $0x3E00  }
0x26c: {  	[tilespmem:s3], [sflag:$0x1] =	stream.indirect_vreg.gather @!p1 [hbm4b:s12+s2], $0x80, v3, vm1, $0xb8;
	[tilespmem:$0x13600] =	vst v63  }
0x26d: {  	v3 =	vld @!p1 [tilespmem:s16+$0x820];
	_ =	sdelay $0x4  }
0x26e: {  	v7 =	vshrl.u32 @!p1 v3, $0x3  }
0x26f: {  	v7 =	vmul.u32 @!p1 $0x30, v7  }
0x270: {  	v3 =	vand.u32 @!p1 $0x7, v3  }
0x271: {  	v3 =	vor.u32 @!p1 v3, v7  }
0x272: {  	v4 =	vperm.xlane @!p1 v3, v4;
	_ =	sdelay $0x1  }
0x273: {  	v4 =	vadd.s32 @!p1 v6, v4;
	_ =	sdelay $0x3  }
0x274: {  	s3 =	simm.s32 @!p1 $0x7600;
	v3 =	vperm.xlane @!p1 v3, v5  }
0x275: {  	[tilespmem:s3], [sflag:$0x3] =	stream.indirect_vreg.gather @!p1 [hbm4b:s8+s2], $0x80, v4, vm1, $0xb8;
	[tilespmem:$0x13600] =	vst v63  }
0x276: {  	v3 =	vadd.s32 @!p1 v6, v3;
	s3 =	simm.s32 @!p1 $0x7E00  }
0x277: {  	[tilespmem:s3], [sflag:$0x3] =	stream.indirect_vreg.gather @!p1 [hbm4b:s13+s2], $0x80, v4, vm1, $0xb8;
	[tilespmem:$0x13600] =	vst v63  }
0x278: {  	s3 =	simm.s32 @!p1 $0x8600  }
0x279: {  	[tilespmem:s3], [sflag:$0x3] =	stream.indirect_vreg.gather @!p1 [hbm4b:s14+s2], $0x80, v4, vm1, $0xb8;
	[tilespmem:$0x13600] =	vst v63  }
0x27a: {  	s3 =	simm.s32 @!p1 $0x8E00  }
0x27b: {  	[tilespmem:s3], [sflag:$0x3] =	stream.indirect_vreg.gather @!p1 [hbm4b:s8+s2], $0x80, v3, vm1, $0xb8;
	[tilespmem:$0x13600] =	vst v63  }
0x27c: {  	s3 =	simm.s32 @!p1 $0x9600  }
0x27d: {  	[tilespmem:s3], [sflag:$0x3] =	stream.indirect_vreg.gather @!p1 [hbm4b:s13+s2], $0x80, v3, vm1, $0xb8;
	[tilespmem:$0x13600] =	vst v63  }
0x27e: {  	s3 =	simm.s32 @!p1 $0x9E00  }
0x27f: {  	[tilespmem:s3], [sflag:$0x3] =	stream.indirect_vreg.gather @!p1 [hbm4b:s14+s2], $0x80, v3, vm1, $0xb8;
	[tilespmem:$0x13600] =	vst v63  }
0x280: {  	_ =	swait.ge [sflag:s30], $0x3000  }
0x281: {  	[sflag:s30] =	ssyncset.done $0x0  }
0x282: {  	[sflag:s30] =	ssyncadd.s32 $0xFFFFD000  }
0x283: {  	_ =	swait.ge [sflag:s31], $0x3000  }
0x284: {  	[sflag:s31] =	ssyncset.done $0x0  }
0x285: {  	s2 =	simm.s32 @!p0 $0x6;
	[sflag:s31] =	ssyncadd.s32 $0xFFFFD000  }
0x286: {  	_ =	swait.ge @!p0 [sflag:s2], $0x3000  }
0x287: {  	[sflag:s2] =	ssyncset.done @!p0 $0x0  }
0x288: {  	s15 =	simm.s32 $0x0;
	s3 =	simm.s32 $0x0;
	[sflag:s2] =	ssyncadd.s32 @!p0 $0xFFFFD000  }
.LBB2_5:
0x289: {  	s2 =	sshrl.u32 s3, $0x3  }
0x28a: {  	s2 =	smul.u32 $0x1800, s2  }
0x28b: {  	s4 =	sand.u32 $0x380, s15  }
0x28c: {  	s2 =	sor.u32 s4, s2  }
0x28d: {  	v3 =	vld [tilespmem:s2+$0x4600]  }
0x28e: {  	v4 =	vld [tilespmem:s2+$0xA600]  }
0x28f: {  	v5 =	vld [tilespmem:s2+$0x4610]  }
0x290: {  	v6 =	vld [tilespmem:s2+$0xA610]  }
0x291: {  	v7 =	vld [tilespmem:s2+$0x4620]  }
0x292: {  	v8 =	vld [tilespmem:s2+$0xA620]  }
0x293: {  	v9 =	vld [tilespmem:s2+$0x4630]  }
0x294: {  	v10 =	vld [tilespmem:s2+$0xA630]  }
0x295: {  	v11 =	vld [tilespmem:s2+$0x4640]  }
0x296: {  	v12 =	vld [tilespmem:s2+$0xA640]  }
0x297: {  	v13 =	vld [tilespmem:s2+$0x4650]  }
0x298: {  	v14 =	vld [tilespmem:s2+$0xA650]  }
0x299: {  	v15 =	vld [tilespmem:s2+$0x4660]  }
0x29a: {  	v16 =	vld [tilespmem:s2+$0xA660]  }
0x29b: {  	v17 =	vld [tilespmem:s2+$0x4670]  }
0x29c: {  	v18 =	vld [tilespmem:s2+$0xA670]  }
0x29d: {  	v19 =	vld [tilespmem:s2+$0x4A00]  }
0x29e: {  	v20 =	vld [tilespmem:s2+$0xAA00]  }
0x29f: {  	v21 =	vld [tilespmem:s2+$0x4A10]  }
0x2a0: {  	v22 =	vld [tilespmem:s2+$0xAA10]  }
0x2a1: {  	v23 =	vld [tilespmem:s2+$0x4A20]  }
0x2a2: {  	v24 =	vld [tilespmem:s2+$0xAA20]  }
0x2a3: {  	v25 =	vld [tilespmem:s2+$0x4A30]  }
0x2a4: {  	v26 =	vld [tilespmem:s2+$0xAA30]  }
0x2a5: {  	v27 =	vld [tilespmem:s2+$0x4A40]  }
0x2a6: {  	v28 =	vld [tilespmem:s2+$0xAA40]  }
0x2a7: {  	v29 =	vld [tilespmem:s2+$0x4A50]  }
0x2a8: {  	v30 =	vld [tilespmem:s2+$0xAA50]  }
0x2a9: {  	v31 =	vld [tilespmem:s2+$0x4A60]  }
0x2aa: {  	v33 =	vld [tilespmem:s2+$0x4A70]  }
0x2ab: {  	v34 =	vld [tilespmem:s2+$0xAA70]  }
0x2ac: {  	v35 =	vld [tilespmem:s2+$0x4E00]  }
0x2ad: {  	v51 =	vadd.f32 v4, v3;
	v3 =	vld [tilespmem:s2+$0xAE00]  }
0x2ae: {  	v4 =	vld [tilespmem:s2+$0x4E10]  }
0x2af: {  	v49 =	vadd.f32 v8, v7;
	v50 =	vadd.f32 v6, v5;
	v7 =	vld [tilespmem:s2+$0xAE10]  }
0x2b0: {  	v48 =	vadd.f32 v10, v9;
	v47 =	vadd.f32 v14, v13;
	v13 =	vld [tilespmem:s2+$0x4E30]  }
0x2b1: {  	v46 =	vadd.f32 v12, v11;
	v44 =	vadd.f32 v16, v15;
	v8 =	vld [tilespmem:s2+$0xAE30]  }
0x2b2: {  	v15 =	vld [tilespmem:s2+$0x4E40];
	v45 =	vadd.f32 v18, v17;
	v42 =	vadd.f32 v20, v19  }
0x2b3: {  	v17 =	vld [tilespmem:s2+$0xAE40];
	v43 =	vadd.f32 v22, v21;
	v40 =	vadd.f32 v24, v23  }
0x2b4: {  	v21 =	vld [tilespmem:s2+$0x4E70];
	v41 =	vadd.f32 v26, v25;
	v38 =	vadd.f32 v28, v27  }
0x2b5: {  	v23 =	vld [tilespmem:s2+$0xAE70];
	v39 =	vadd.f32 v30, v29;
	v53 =	vmul.f32 v51, v51;
	v54 =	vmul.f32 v49, v49  }
0x2b6: {  	v27 =	vld [tilespmem:s2+$0x5210];
	v37 =	vadd.f32 v34, v33;
	v55 =	vmul.f32 v50, v50;
	v57 =	vmul.f32 v48, v48  }
0x2b7: {  	v22 =	vld [tilespmem:s2+$0xB210];
	v56 =	vadd.f32 v49, v51;
	v58 =	vadd.f32 v48, v50  }
0x2b8: {  	v32 =	vld [tilespmem:s2+$0xAA60];
	v5 =	vadd.f32 v54, v53;
	v6 =	vadd.f32 v57, v55  }
0x2b9: {  	v52 =	vld [tilespmem:s2+$0x5220];
	v10 =	vadd.f32 v46, v56;
	v12 =	vadd.f32 v47, v58  }
0x2ba: {  	v9 =	vld [tilespmem:s2+$0x4E20];
	v36 =	vmul.f32 v46, v46;
	v34 =	vadd.f32 v3, v35;
	v35 =	vadd.f32 v7, v4  }
0x2bb: {  	v11 =	vld [tilespmem:s2+$0xAE20];
	v14 =	vmul.f32 v47, v47;
	v33 =	vadd.f32 v8, v13;
	v30 =	vadd.f32 v17, v15  }
0x2bc: {  	v18 =	vld [tilespmem:s2+$0xAE50];
	v29 =	vadd.f32 v23, v21;
	v27 =	vadd.f32 v22, v27  }
0x2bd: {  	v16 =	vmul.f32 v44, v44;
	v4 =	vld [tilespmem:s2+$0x5240];
	v5 =	vadd.f32 v36, v5;
	v6 =	vadd.f32 v14, v6  }
0x2be: {  	v59 =	vmul.f32 v45, v45;
	v7 =	vld [tilespmem:s2+$0xB240];
	v10 =	vadd.f32 v44, v10;
	v12 =	vadd.f32 v45, v12  }
0x2bf: {  	v19 =	vmul.f32 v42, v42;
	v14 =	vld [tilespmem:s2+$0x4E50];
	v36 =	vadd.f32 v32, v31;
	v5 =	vadd.f32 v16, v5  }
0x2c0: {  	v20 =	vld [tilespmem:s2+$0x4E60];
	v60 =	vmul.f32 v43, v43;
	v6 =	vadd.f32 v59, v6;
	v10 =	vadd.f32 v42, v10  }
0x2c1: {  	v16 =	vld [tilespmem:s2+$0xAE60];
	v12 =	vadd.f32 v43, v12;
	v5 =	vadd.f32 v19, v5  }
0x2c2: {  	v24 =	vld [tilespmem:s2+$0xB200];
	v61 =	vmul.f32 v40, v40;
	v6 =	vadd.f32 v60, v6;
	v10 =	vadd.f32 v40, v10  }
0x2c3: {  	v62 =	vmul.f32 v41, v41;
	v54 =	vld [tilespmem:s2+$0xB230];
	v12 =	vadd.f32 v41, v12;
	v21 =	vadd.f32 v7, v4  }
0x2c4: {  	v63 =	vmul.f32 v38, v38;
	v19 =	vld [tilespmem:s2+$0x5200];
	v31 =	vadd.f32 v18, v14;
	v5 =	vadd.f32 v61, v5  }
0x2c5: {  	v3 =	vld [tilespmem:s2+$0x5230];
	v32 =	vmul.f32 v39, v39;
	v6 =	vadd.f32 v62, v6;
	v10 =	vadd.f32 v38, v10  }
0x2c6: {  	v25 =	vld [tilespmem:s2+$0xB600];
	v12 =	vadd.f32 v39, v12;
	v28 =	vadd.f32 v16, v20  }
0x2c7: {  	v55 =	vld [tilespmem:s2+$0xB610];
	v5 =	vadd.f32 v63, v5;
	v6 =	vadd.f32 v32, v6  }
0x2c8: {  	v8 =	vld [tilespmem:s2+$0xB250];
	v56 =	vmul.f32 v36, v36;
	v10 =	vadd.f32 v36, v10;
	v12 =	vadd.f32 v37, v12  }
0x2c9: {  	v57 =	vmul.f32 v37, v37;
	v16 =	vld [tilespmem:s2+$0x5610];
	v32 =	vadd.f32 v11, v9;
	v26 =	vadd.f32 v24, v19  }
0x2ca: {  	v58 =	vmul.f32 v34, v34;
	v11 =	vld [tilespmem:s2+$0x5250];
	v24 =	vadd.f32 v54, v3;
	v5 =	vadd.f32 v56, v5  }
0x2cb: {  	v60 =	vmul.f32 v35, v35;
	v4 =	vld [tilespmem:s2+$0x5640];
	v6 =	vadd.f32 v57, v6;
	v59 =	vadd.f32 v34, v10  }
0x2cc: {  	v54 =	vld [tilespmem:s2+$0xB640];
	v12 =	vadd.f32 v35, v12;
	v5 =	vadd.f32 v58, v5  }
0x2cd: {  	v53 =	vld [tilespmem:s2+$0xB220];
	v61 =	vmul.f32 v32, v32;
	v6 =	vadd.f32 v60, v6;
	v9 =	vadd.f32 v32, v59  }
0x2ce: {  	v15 =	vld [tilespmem:s2+$0xB260];
	v13 =	vmul.f32 v33, v33;
	v12 =	vadd.f32 v33, v12;
	v18 =	vadd.f32 v55, v16  }
0x2cf: {  	v17 =	vmul.f32 v30, v30;
	v14 =	vld [tilespmem:s2+$0x5270];
	v22 =	vadd.f32 v8, v11;
	v5 =	vadd.f32 v61, v5  }
0x2d0: {  	v62 =	vmul.f32 v31, v31;
	v3 =	vld [tilespmem:s2+$0xB630];
	v6 =	vadd.f32 v13, v6;
	v9 =	vadd.f32 v30, v9  }
0x2d1: {  	v23 =	vmul.f32 v29, v29;
	v13 =	vld [tilespmem:s2+$0xB270];
	v12 =	vadd.f32 v31, v12;
	v16 =	vadd.f32 v54, v4  }
0x2d2: {  	v63 =	vmul.f32 v28, v28;
	v10 =	vld [tilespmem:s2+$0x5260];
	v5 =	vadd.f32 v17, v5;
	v6 =	vadd.f32 v62, v6  }
0x2d3: {  	v56 =	vld [tilespmem:s2+$0x5620];
	v9 =	vadd.f32 v28, v9;
	v12 =	vadd.f32 v29, v12  }
0x2d4: {  	v57 =	vmul.f32 v27, v27;
	v17 =	vld [tilespmem:s2+$0x5600];
	v5 =	vadd.f32 v63, v5;
	v6 =	vadd.f32 v23, v6  }
0x2d5: {  	v19 =	vmul.f32 v26, v26;
	v55 =	vld [tilespmem:s2+$0x5A00];
	v23 =	vadd.f32 v53, v52;
	v9 =	vadd.f32 v26, v9  }
0x2d6: {  	v8 =	vld [tilespmem:s2+$0x5650];
	v12 =	vadd.f32 v27, v12;
	v20 =	vadd.f32 v13, v14  }
0x2d7: {  	v60 =	vmul.f32 v24, v24;
	v52 =	vld [tilespmem:s2+$0xB620];
	v5 =	vadd.f32 v19, v5;
	v6 =	vadd.f32 v57, v6  }
0x2d8: {  	v4 =	vld [tilespmem:s2+$0xBA20];
	v58 =	vmul.f32 v23, v23;
	v59 =	vadd.f32 v23, v9;
	v12 =	vadd.f32 v24, v12  }
0x2d9: {  	v53 =	vld [tilespmem:s2+$0x5630];
	v19 =	vadd.f32 v15, v10;
	v17 =	vadd.f32 v25, v17  }
0x2da: {  	v61 =	vmul.f32 v21, v21;
	v9 =	vld [tilespmem:s2+$0xB650];
	v5 =	vadd.f32 v58, v5;
	v6 =	vadd.f32 v60, v6  }
0x2db: {  	v62 =	vmul.f32 v22, v22;
	v10 =	vld [tilespmem:s2+$0x5670];
	v7 =	vadd.f32 v21, v59;
	v12 =	vadd.f32 v22, v12  }
0x2dc: {  	v25 =	vld [tilespmem:s2+$0xB670];
	v15 =	vmul.f32 v19, v19;
	v14 =	vadd.f32 v52, v56;
	v5 =	vadd.f32 v61, v5  }
0x2dd: {  	v63 =	vld [tilespmem:s2+$0x5660];
	v13 =	vmul.f32 v20, v20;
	v6 =	vadd.f32 v62, v6;
	v7 =	vadd.f32 v19, v7  }
0x2de: {  	v57 =	vld [tilespmem:s2+$0xB660];
	v12 =	vadd.f32 v20, v12;
	v5 =	vadd.f32 v15, v5  }
0x2df: {  	v60 =	vmul.f32 v18, v18;
	v52 =	vld [tilespmem:s2+$0xBA00];
	v6 =	vadd.f32 v13, v6;
	v7 =	vadd.f32 v17, v7  }
0x2e0: {  	v59 =	vmul.f32 v17, v17;
	v56 =	vld [tilespmem:s2+$0x5A10];
	v12 =	vadd.f32 v18, v12;
	v15 =	vadd.f32 v3, v53  }
0x2e1: {  	v3 =	vld [tilespmem:s2+$0xBA10];
	v13 =	vadd.f32 v9, v8;
	v11 =	vadd.f32 v25, v10  }
0x2e2: {  	v61 =	vmul.f32 v14, v14;
	v53 =	vld [tilespmem:s2+$0x5A20];
	v5 =	vadd.f32 v59, v5;
	v6 =	vadd.f32 v60, v6  }
0x2e3: {  	v9 =	vld [tilespmem:s2+$0x5A30];
	v7 =	vadd.f32 v14, v7;
	v58 =	vmul.f32 v15, v15;
	v54 =	vadd.f32 v15, v12  }
0x2e4: {  	v62 =	vmul.f32 v16, v16;
	v25 =	vld [tilespmem:s2+$0x5A40];
	v12 =	vadd.f32 v57, v63;
	v10 =	vadd.f32 v52, v55  }
0x2e5: {  	v57 =	vld [tilespmem:s2+$0xBA30];
	v63 =	vmul.f32 v13, v13;
	v5 =	vadd.f32 v61, v5;
	v6 =	vadd.f32 v58, v6  }
0x2e6: {  	v52 =	vld [tilespmem:s2+$0xBA40];
	v7 =	vadd.f32 v16, v7;
	v59 =	vmul.f32 v12, v12;
	v8 =	vadd.f32 v3, v56  }
0x2e7: {  	v61 =	vmul.f32 v11, v11;
	v3 =	vld [tilespmem:s2+$0x5A50];
	v5 =	vadd.f32 v62, v5;
	v60 =	vadd.f32 v63, v6  }
0x2e8: {  	v6 =	vadd.f32 v4, v53;
	v4 =	vld [tilespmem:s2+$0xBA50];
	v7 =	vadd.f32 v12, v7  }
0x2e9: {  	v58 =	vld [tilespmem:s2+$0xBA60];
	v62 =	vmul.f32 v10, v10;
	v56 =	vadd.f32 v59, v5;
	v63 =	vadd.f32 v61, v60  }
0x2ea: {  	v60 =	vmul.f32 v8, v8;
	v5 =	vadd.f32 v57, v9;
	v57 =	vld [tilespmem:s2+$0x5A60];
	v61 =	vadd.f32 v13, v54  }
0x2eb: {  	v59 =	vld [tilespmem:s2+$0x5A70];
	v9 =	vadd.f32 v52, v25;
	v54 =	vadd.f32 v62, v56  }
0x2ec: {  	v56 =	vmul.f32 v6, v6;
	v53 =	vadd.f32 v60, v63;
	v60 =	vadd.f32 v11, v61;
	v62 =	vld [tilespmem:s2+$0xBA70]  }
0x2ed: {  	v55 =	vmul.f32 v5, v5;
	v63 =	vadd.f32 v10, v7;
	v7 =	vadd.f32 v4, v3  }
0x2ee: {  	v54 =	vadd.f32 v56, v54;
	v60 =	vadd.f32 v8, v60  }
0x2ef: {  	v53 =	vadd.f32 v55, v53;
	v3 =	vadd.f32 v6, v63  }
0x2f0: {  	v52 =	vmul.f32 v9, v9;
	v4 =	vadd.f32 v58, v57;
	v25 =	vadd.f32 v5, v60  }
0x2f1: {  	v61 =	vmul.f32 v7, v7;
	v55 =	vadd.f32 v9, v3;
	v3 =	vadd.f32 v62, v59  }
0x2f2: {  	v52 =	vadd.f32 v52, v54;
	v25 =	vadd.f32 v7, v25  }
0x2f3: {  	v53 =	vadd.f32 v61, v53;
	v62 =	vmul.f32 v4, v4;
	v63 =	vmul.f32 v3, v3  }
0x2f4: {  	v55 =	vadd.f32 v4, v55;
	v25 =	vadd.f32 v3, v25  }
0x2f5: {  	v52 =	vadd.f32 v62, v52;
	v53 =	vadd.f32 v63, v53  }
0x2f6: {  	v25 =	vadd.f32 v25, v55  }
0x2f7: {  	v52 =	vadd.f32 v53, v52  }
0x2f8: {  	(xrf2) =	vadd.scan.msk.f32 $0xffff, v25  }
0x2f9: {  	(xrf2) =	vadd.scan.msk.f32 $0xffff, v52;
	_ =	sdelay $0x8  }
0x2fa: {  	v25, _, _ =	vpop (xrf2)  }
0x2fb: {  	(v2sf) =	vpush v25, $0xF;
	v56, _, _ =	vpop (xrf2)  }
0x2fc: {  	(v2sf) =	vpush v56, $0xF;
	_ =	sdelay $0xd  }
0x2fd: {  	s17 =	spop (v2sf)  }
0x2fe: {  	s4 =	smul.f32 $1.302083370e-03, s17;
	s16 =	spop (v2sf)  }
0x2ff: {  	s16 =	smul.f32 $1.302083370e-03, s16  }
0x300: {  	s17 =	smul.f32 s4, s4;
	_ =	sdelay $0x1  }
0x301: {  	s16 =	ssub.f32 s16, s17;
	_ =	sdelay $0x1  }
0x302: {  	s16 =	sadd.f32 $9.999999960e-13, s16;
	_ =	sdelay $0x1  }
0x303: {  	s18 =	sshra.s32 s16, $0x1;
	s16 =	smul.f32 $5.000000000e-01, s16  }
0x304: {  	s17 =	ssub.s32 $0x5F3759DF, s18  }
0x305: {  	s18 =	smul.f32 s17, s16;
	_ =	sdelay $0x1  }
0x306: {  	s18 =	smul.f32 s17, s18;
	_ =	sdelay $0x1  }
0x307: {  	s18 =	ssub.f32 $1.500000000e+00, s18;
	_ =	sdelay $0x1  }
0x308: {  	s17 =	smul.f32 s17, s18;
	_ =	sdelay $0x1  }
0x309: {  	s18 =	smul.f32 s17, s16;
	_ =	sdelay $0x1  }
0x30a: {  	s18 =	smul.f32 s18, s17;
	_ =	sdelay $0x1  }
0x30b: {  	s18 =	ssub.f32 $1.500000000e+00, s18;
	_ =	sdelay $0x1  }
0x30c: {  	s17 =	smul.f32 s18, s17;
	_ =	sdelay $0x1  }
0x30d: {  	s16 =	smul.f32 s17, s16;
	_ =	sdelay $0x1  }
0x30e: {  	s16 =	smul.f32 s16, s17;
	_ =	sdelay $0x1  }
0x30f: {  	s16 =	ssub.f32 $1.500000000e+00, s16  }
0x310: {  	v57 =	vld [tilespmem:$0x1000];
	v25 =	vmov s4  }
0x311: {  	v51 =	vsub.f32 v51, v25;
	s19 =	smul.f32 s16, s17  }
0x312: {  	v58 =	vld [tilespmem:$0x1300]  }
0x313: {  	v51 =	vmul.f32 s19, v51;
	_ =	sdelay $0x1  }
0x314: {  	v51 =	vmul.f32 v51, v57;
	_ =	sdelay $0x1  }
0x315: {  	v51 =	vadd.f32 v51, v58;
	_ =	sdelay $0x1  }
0x316: {  	[tilespmem:s2+$0x10600] =	vst v51  }
0x317: {  	v51 =	vld [tilespmem:$0x1010]  }
0x318: {  	v50 =	vsub.f32 v50, v25  }
0x319: {  	v59 =	vld [tilespmem:$0x1310]  }
0x31a: {  	v50 =	vmul.f32 s19, v50;
	_ =	sdelay $0x1  }
0x31b: {  	v50 =	vmul.f32 v50, v51;
	_ =	sdelay $0x1  }
0x31c: {  	v50 =	vadd.f32 v50, v59;
	_ =	sdelay $0x1  }
0x31d: {  	[tilespmem:s2+$0x10610] =	vst v50  }
0x31e: {  	v50 =	vld [tilespmem:$0x1020]  }
0x31f: {  	v49 =	vsub.f32 v49, v25  }
0x320: {  	v60 =	vld [tilespmem:$0x1320]  }
0x321: {  	v49 =	vmul.f32 s19, v49;
	_ =	sdelay $0x1  }
0x322: {  	v49 =	vmul.f32 v49, v50;
	_ =	sdelay $0x1  }
0x323: {  	v49 =	vadd.f32 v49, v60;
	_ =	sdelay $0x1  }
0x324: {  	[tilespmem:s2+$0x10620] =	vst v49  }
0x325: {  	v49 =	vld [tilespmem:$0x1030]  }
0x326: {  	v48 =	vsub.f32 v48, v25  }
0x327: {  	v61 =	vld [tilespmem:$0x1330]  }
0x328: {  	v48 =	vmul.f32 s19, v48;
	_ =	sdelay $0x1  }
0x329: {  	v48 =	vmul.f32 v48, v49;
	_ =	sdelay $0x1  }
0x32a: {  	v48 =	vadd.f32 v48, v61;
	_ =	sdelay $0x1  }
0x32b: {  	[tilespmem:s2+$0x10630] =	vst v48  }
0x32c: {  	v48 =	vld [tilespmem:$0x1040]  }
0x32d: {  	v46 =	vsub.f32 v46, v25  }
0x32e: {  	v62 =	vld [tilespmem:$0x1340]  }
0x32f: {  	v46 =	vmul.f32 s19, v46;
	_ =	sdelay $0x1  }
0x330: {  	v46 =	vmul.f32 v46, v48;
	_ =	sdelay $0x1  }
0x331: {  	v46 =	vadd.f32 v46, v62;
	_ =	sdelay $0x1  }
0x332: {  	[tilespmem:s2+$0x10640] =	vst v46  }
0x333: {  	v46 =	vld [tilespmem:$0x1050]  }
0x334: {  	v47 =	vsub.f32 v47, v25  }
0x335: {  	v63 =	vld [tilespmem:$0x1350]  }
0x336: {  	v47 =	vmul.f32 s19, v47;
	_ =	sdelay $0x1  }
0x337: {  	v46 =	vmul.f32 v47, v46;
	_ =	sdelay $0x1  }
0x338: {  	v46 =	vadd.f32 v46, v63;
	_ =	sdelay $0x1  }
0x339: {  	[tilespmem:s2+$0x10650] =	vst v46  }
0x33a: {  	v46 =	vld [tilespmem:$0x1060]  }
0x33b: {  	v44 =	vsub.f32 v44, v25  }
0x33c: {  	v48 =	vld [tilespmem:$0x1360]  }
0x33d: {  	v44 =	vmul.f32 s19, v44;
	_ =	sdelay $0x1  }
0x33e: {  	v44 =	vmul.f32 v44, v46;
	_ =	sdelay $0x1  }
0x33f: {  	v44 =	vadd.f32 v44, v48;
	_ =	sdelay $0x1  }
0x340: {  	[tilespmem:s2+$0x10660] =	vst v44  }
0x341: {  	v44 =	vld [tilespmem:$0x1070]  }
0x342: {  	v45 =	vsub.f32 v45, v25  }
0x343: {  	v49 =	vld [tilespmem:$0x1370]  }
0x344: {  	v45 =	vmul.f32 s19, v45;
	_ =	sdelay $0x1  }
0x345: {  	v44 =	vmul.f32 v45, v44;
	_ =	sdelay $0x1  }
0x346: {  	v44 =	vadd.f32 v44, v49;
	_ =	sdelay $0x1  }
0x347: {  	[tilespmem:s2+$0x10670] =	vst v44  }
0x348: {  	v44 =	vld [tilespmem:$0x1080]  }
0x349: {  	v42 =	vsub.f32 v42, v25  }
0x34a: {  	v50 =	vld [tilespmem:$0x1380]  }
0x34b: {  	v42 =	vmul.f32 s19, v42;
	_ =	sdelay $0x1  }
0x34c: {  	v42 =	vmul.f32 v42, v44;
	_ =	sdelay $0x1  }
0x34d: {  	v42 =	vadd.f32 v42, v50;
	_ =	sdelay $0x1  }
0x34e: {  	[tilespmem:s2+$0x10A00] =	vst v42  }
0x34f: {  	v42 =	vld [tilespmem:$0x1090]  }
0x350: {  	v43 =	vsub.f32 v43, v25  }
0x351: {  	v51 =	vld [tilespmem:$0x1390]  }
0x352: {  	v43 =	vmul.f32 s19, v43;
	_ =	sdelay $0x1  }
0x353: {  	v42 =	vmul.f32 v43, v42;
	_ =	sdelay $0x1  }
0x354: {  	v42 =	vadd.f32 v42, v51;
	_ =	sdelay $0x1  }
0x355: {  	[tilespmem:s2+$0x10A10] =	vst v42  }
0x356: {  	v42 =	vld [tilespmem:$0x10A0]  }
0x357: {  	v40 =	vsub.f32 v40, v25  }
0x358: {  	v52 =	vld [tilespmem:$0x13A0]  }
0x359: {  	v40 =	vmul.f32 s19, v40;
	_ =	sdelay $0x1  }
0x35a: {  	v40 =	vmul.f32 v42, v40;
	_ =	sdelay $0x1  }
0x35b: {  	v40 =	vadd.f32 v52, v40;
	_ =	sdelay $0x1  }
0x35c: {  	[tilespmem:s2+$0x10A20] =	vst v40  }
0x35d: {  	v40 =	vld [tilespmem:$0x10B0]  }
0x35e: {  	v41 =	vsub.f32 v41, v25  }
0x35f: {  	v53 =	vld [tilespmem:$0x13B0]  }
0x360: {  	v41 =	vmul.f32 s19, v41;
	_ =	sdelay $0x1  }
0x361: {  	v40 =	vmul.f32 v40, v41;
	_ =	sdelay $0x1  }
0x362: {  	v40 =	vadd.f32 v53, v40;
	_ =	sdelay $0x1  }
0x363: {  	[tilespmem:s2+$0x10A30] =	vst v40  }
0x364: {  	v40 =	vld [tilespmem:$0x10C0]  }
0x365: {  	v38 =	vsub.f32 v38, v25  }
0x366: {  	v54 =	vld [tilespmem:$0x13C0]  }
0x367: {  	v38 =	vmul.f32 s19, v38;
	_ =	sdelay $0x1  }
0x368: {  	v38 =	vmul.f32 v40, v38;
	_ =	sdelay $0x1  }
0x369: {  	v38 =	vadd.f32 v54, v38;
	_ =	sdelay $0x1  }
0x36a: {  	[tilespmem:s2+$0x10A40] =	vst v38  }
0x36b: {  	v38 =	vld [tilespmem:$0x10D0]  }
0x36c: {  	v39 =	vsub.f32 v39, v25  }
0x36d: {  	v55 =	vld [tilespmem:$0x13D0]  }
0x36e: {  	v39 =	vmul.f32 s19, v39;
	_ =	sdelay $0x1  }
0x36f: {  	v38 =	vmul.f32 v38, v39;
	_ =	sdelay $0x1  }
0x370: {  	v38 =	vadd.f32 v55, v38;
	_ =	sdelay $0x1  }
0x371: {  	[tilespmem:s2+$0x10A50] =	vst v38  }
0x372: {  	v38 =	vld [tilespmem:$0x10E0]  }
0x373: {  	v36 =	vsub.f32 v36, v25  }
0x374: {  	v56 =	vld [tilespmem:$0x13E0]  }
0x375: {  	v36 =	vmul.f32 s19, v36;
	_ =	sdelay $0x1  }
0x376: {  	v36 =	vmul.f32 v38, v36;
	_ =	sdelay $0x1  }
0x377: {  	v36 =	vadd.f32 v56, v36;
	_ =	sdelay $0x1  }
0x378: {  	[tilespmem:s2+$0x10A60] =	vst v36  }
0x379: {  	v36 =	vld [tilespmem:$0x10F0]  }
0x37a: {  	v37 =	vsub.f32 v37, v25  }
0x37b: {  	v57 =	vld [tilespmem:$0x13F0]  }
0x37c: {  	v37 =	vmul.f32 s19, v37;
	_ =	sdelay $0x1  }
0x37d: {  	v36 =	vmul.f32 v36, v37;
	_ =	sdelay $0x1  }
0x37e: {  	v36 =	vadd.f32 v57, v36;
	_ =	sdelay $0x1  }
0x37f: {  	[tilespmem:s2+$0x10A70] =	vst v36  }
0x380: {  	v36 =	vld [tilespmem:$0x1100]  }
0x381: {  	v34 =	vsub.f32 v34, v25  }
0x382: {  	v58 =	vld [tilespmem:$0x1400]  }
0x383: {  	v34 =	vmul.f32 s19, v34;
	_ =	sdelay $0x1  }
0x384: {  	v34 =	vmul.f32 v36, v34;
	_ =	sdelay $0x1  }
0x385: {  	v34 =	vadd.f32 v58, v34;
	_ =	sdelay $0x1  }
0x386: {  	[tilespmem:s2+$0x10E00] =	vst v34  }
0x387: {  	v34 =	vld [tilespmem:$0x1110]  }
0x388: {  	v35 =	vsub.f32 v35, v25  }
0x389: {  	v59 =	vld [tilespmem:$0x1410]  }
0x38a: {  	v35 =	vmul.f32 s19, v35;
	_ =	sdelay $0x1  }
0x38b: {  	v34 =	vmul.f32 v34, v35;
	_ =	sdelay $0x1  }
0x38c: {  	v34 =	vadd.f32 v59, v34;
	_ =	sdelay $0x1  }
0x38d: {  	[tilespmem:s2+$0x10E10] =	vst v34  }
0x38e: {  	v34 =	vld [tilespmem:$0x1120]  }
0x38f: {  	v32 =	vsub.f32 v32, v25  }
0x390: {  	v60 =	vld [tilespmem:$0x1420]  }
0x391: {  	v32 =	vmul.f32 s19, v32;
	_ =	sdelay $0x1  }
0x392: {  	v32 =	vmul.f32 v34, v32;
	_ =	sdelay $0x1  }
0x393: {  	v32 =	vadd.f32 v60, v32;
	_ =	sdelay $0x1  }
0x394: {  	[tilespmem:s2+$0x10E20] =	vst v32  }
0x395: {  	v32 =	vld [tilespmem:$0x1130]  }
0x396: {  	v33 =	vsub.f32 v33, v25  }
0x397: {  	v61 =	vld [tilespmem:$0x1430]  }
0x398: {  	v33 =	vmul.f32 s19, v33;
	_ =	sdelay $0x1  }
0x399: {  	v32 =	vmul.f32 v32, v33;
	_ =	sdelay $0x1  }
0x39a: {  	v32 =	vadd.f32 v61, v32;
	_ =	sdelay $0x1  }
0x39b: {  	[tilespmem:s2+$0x10E30] =	vst v32  }
0x39c: {  	v32 =	vld [tilespmem:$0x1140]  }
0x39d: {  	v30 =	vsub.f32 v30, v25  }
0x39e: {  	v62 =	vld [tilespmem:$0x1440]  }
0x39f: {  	v30 =	vmul.f32 s19, v30;
	_ =	sdelay $0x1  }
0x3a0: {  	v30 =	vmul.f32 v32, v30;
	_ =	sdelay $0x1  }
0x3a1: {  	v30 =	vadd.f32 v62, v30;
	_ =	sdelay $0x1  }
0x3a2: {  	[tilespmem:s2+$0x10E40] =	vst v30  }
0x3a3: {  	v30 =	vld [tilespmem:$0x1150]  }
0x3a4: {  	v31 =	vsub.f32 v31, v25  }
0x3a5: {  	v63 =	vld [tilespmem:$0x1450]  }
0x3a6: {  	v31 =	vmul.f32 s19, v31;
	_ =	sdelay $0x1  }
0x3a7: {  	v30 =	vmul.f32 v30, v31;
	_ =	sdelay $0x1  }
0x3a8: {  	v30 =	vadd.f32 v63, v30;
	_ =	sdelay $0x1  }
0x3a9: {  	[tilespmem:s2+$0x10E50] =	vst v30  }
0x3aa: {  	v30 =	vld [tilespmem:$0x1160]  }
0x3ab: {  	v28 =	vsub.f32 v28, v25  }
0x3ac: {  	v35 =	vld [tilespmem:$0x1460]  }
0x3ad: {  	v28 =	vmul.f32 s19, v28;
	_ =	sdelay $0x1  }
0x3ae: {  	v28 =	vmul.f32 v30, v28;
	_ =	sdelay $0x1  }
0x3af: {  	v28 =	vadd.f32 v35, v28;
	_ =	sdelay $0x1  }
0x3b0: {  	[tilespmem:s2+$0x10E60] =	vst v28  }
0x3b1: {  	v28 =	vld [tilespmem:$0x1170]  }
0x3b2: {  	v29 =	vsub.f32 v29, v25  }
0x3b3: {  	v36 =	vld [tilespmem:$0x1470]  }
0x3b4: {  	v29 =	vmul.f32 s19, v29;
	_ =	sdelay $0x1  }
0x3b5: {  	v28 =	vmul.f32 v28, v29;
	_ =	sdelay $0x1  }
0x3b6: {  	v28 =	vadd.f32 v36, v28;
	_ =	sdelay $0x1  }
0x3b7: {  	[tilespmem:s2+$0x10E70] =	vst v28  }
0x3b8: {  	v28 =	vld [tilespmem:$0x1180]  }
0x3b9: {  	v26 =	vsub.f32 v26, v25  }
0x3ba: {  	v37 =	vld [tilespmem:$0x1480]  }
0x3bb: {  	v26 =	vmul.f32 s19, v26;
	_ =	sdelay $0x1  }
0x3bc: {  	v26 =	vmul.f32 v28, v26;
	_ =	sdelay $0x1  }
0x3bd: {  	v26 =	vadd.f32 v37, v26;
	_ =	sdelay $0x1  }
0x3be: {  	[tilespmem:s2+$0x11200] =	vst v26  }
0x3bf: {  	v26 =	vld [tilespmem:$0x1190]  }
0x3c0: {  	v27 =	vsub.f32 v27, v25  }
0x3c1: {  	v38 =	vld [tilespmem:$0x1490]  }
0x3c2: {  	v27 =	vmul.f32 s19, v27;
	_ =	sdelay $0x1  }
0x3c3: {  	v26 =	vmul.f32 v26, v27;
	_ =	sdelay $0x1  }
0x3c4: {  	v26 =	vadd.f32 v38, v26;
	_ =	sdelay $0x1  }
0x3c5: {  	[tilespmem:s2+$0x11210] =	vst v26  }
0x3c6: {  	v26 =	vld [tilespmem:$0x11A0]  }
0x3c7: {  	v23 =	vsub.f32 v23, v25  }
0x3c8: {  	v39 =	vld [tilespmem:$0x14A0]  }
0x3c9: {  	v23 =	vmul.f32 s19, v23;
	_ =	sdelay $0x1  }
0x3ca: {  	v23 =	vmul.f32 v26, v23;
	_ =	sdelay $0x1  }
0x3cb: {  	v23 =	vadd.f32 v39, v23;
	_ =	sdelay $0x1  }
0x3cc: {  	[tilespmem:s2+$0x11220] =	vst v23  }
0x3cd: {  	v23 =	vld [tilespmem:$0x11B0]  }
0x3ce: {  	v24 =	vsub.f32 v24, v25  }
0x3cf: {  	v40 =	vld [tilespmem:$0x14B0]  }
0x3d0: {  	v24 =	vmul.f32 s19, v24;
	_ =	sdelay $0x1  }
0x3d1: {  	v23 =	vmul.f32 v23, v24;
	_ =	sdelay $0x1  }
0x3d2: {  	v23 =	vadd.f32 v40, v23;
	_ =	sdelay $0x1  }
0x3d3: {  	[tilespmem:s2+$0x11230] =	vst v23  }
0x3d4: {  	v23 =	vld [tilespmem:$0x11C0]  }
0x3d5: {  	v21 =	vsub.f32 v21, v25  }
0x3d6: {  	v41 =	vld [tilespmem:$0x14C0]  }
0x3d7: {  	v21 =	vmul.f32 s19, v21;
	_ =	sdelay $0x1  }
0x3d8: {  	v21 =	vmul.f32 v23, v21;
	_ =	sdelay $0x1  }
0x3d9: {  	v21 =	vadd.f32 v41, v21;
	_ =	sdelay $0x1  }
0x3da: {  	[tilespmem:s2+$0x11240] =	vst v21  }
0x3db: {  	v21 =	vld [tilespmem:$0x11D0]  }
0x3dc: {  	v22 =	vsub.f32 v22, v25  }
0x3dd: {  	v42 =	vld [tilespmem:$0x14D0]  }
0x3de: {  	v22 =	vmul.f32 s19, v22;
	_ =	sdelay $0x1  }
0x3df: {  	v21 =	vmul.f32 v21, v22;
	_ =	sdelay $0x1  }
0x3e0: {  	v21 =	vadd.f32 v42, v21;
	_ =	sdelay $0x1  }
0x3e1: {  	[tilespmem:s2+$0x11250] =	vst v21  }
0x3e2: {  	v21 =	vld [tilespmem:$0x11E0]  }
0x3e3: {  	v19 =	vsub.f32 v19, v25  }
0x3e4: {  	v43 =	vld [tilespmem:$0x14E0]  }
0x3e5: {  	v19 =	vmul.f32 s19, v19;
	_ =	sdelay $0x1  }
0x3e6: {  	v19 =	vmul.f32 v21, v19;
	_ =	sdelay $0x1  }
0x3e7: {  	v19 =	vadd.f32 v43, v19;
	_ =	sdelay $0x1  }
0x3e8: {  	[tilespmem:s2+$0x11260] =	vst v19  }
0x3e9: {  	v19 =	vld [tilespmem:$0x11F0]  }
0x3ea: {  	v20 =	vsub.f32 v20, v25  }
0x3eb: {  	v44 =	vld [tilespmem:$0x14F0]  }
0x3ec: {  	v20 =	vmul.f32 s19, v20;
	_ =	sdelay $0x1  }
0x3ed: {  	v19 =	vmul.f32 v19, v20;
	_ =	sdelay $0x1  }
0x3ee: {  	v19 =	vadd.f32 v44, v19;
	_ =	sdelay $0x1  }
0x3ef: {  	[tilespmem:s2+$0x11270] =	vst v19  }
0x3f0: {  	v19 =	vld [tilespmem:$0x1200]  }
0x3f1: {  	v17 =	vsub.f32 v17, v25  }
0x3f2: {  	v45 =	vld [tilespmem:$0x1500]  }
0x3f3: {  	v17 =	vmul.f32 s19, v17;
	_ =	sdelay $0x1  }
0x3f4: {  	v17 =	vmul.f32 v19, v17;
	_ =	sdelay $0x1  }
0x3f5: {  	v17 =	vadd.f32 v45, v17;
	_ =	sdelay $0x1  }
0x3f6: {  	[tilespmem:s2+$0x11600] =	vst v17  }
0x3f7: {  	v17 =	vld [tilespmem:$0x1210]  }
0x3f8: {  	v18 =	vsub.f32 v18, v25  }
0x3f9: {  	v46 =	vld [tilespmem:$0x1510]  }
0x3fa: {  	v18 =	vmul.f32 s19, v18;
	_ =	sdelay $0x1  }
0x3fb: {  	v17 =	vmul.f32 v17, v18;
	_ =	sdelay $0x1  }
0x3fc: {  	v17 =	vadd.f32 v46, v17;
	_ =	sdelay $0x1  }
0x3fd: {  	[tilespmem:s2+$0x11610] =	vst v17  }
0x3fe: {  	v17 =	vld [tilespmem:$0x1220]  }
0x3ff: {  	v14 =	vsub.f32 v14, v25  }
0x400: {  	v47 =	vld [tilespmem:$0x1520]  }
0x401: {  	v14 =	vmul.f32 s19, v14;
	_ =	sdelay $0x1  }
0x402: {  	v14 =	vmul.f32 v17, v14;
	_ =	sdelay $0x1  }
0x403: {  	v14 =	vadd.f32 v47, v14;
	_ =	sdelay $0x1  }
0x404: {  	[tilespmem:s2+$0x11620] =	vst v14  }
0x405: {  	v14 =	vld [tilespmem:$0x1230]  }
0x406: {  	v15 =	vsub.f32 v15, v25  }
0x407: {  	v48 =	vld [tilespmem:$0x1530]  }
0x408: {  	v15 =	vmul.f32 s19, v15;
	_ =	sdelay $0x1  }
0x409: {  	v14 =	vmul.f32 v14, v15;
	_ =	sdelay $0x1  }
0x40a: {  	v14 =	vadd.f32 v48, v14;
	_ =	sdelay $0x1  }
0x40b: {  	[tilespmem:s2+$0x11630] =	vst v14  }
0x40c: {  	v14 =	vld [tilespmem:$0x1240]  }
0x40d: {  	v49 =	vsub.f32 v16, v25  }
0x40e: {  	v50 =	vld [tilespmem:$0x1540]  }
0x40f: {  	v15 =	vmul.f32 s19, v49;
	_ =	sdelay $0x1  }
0x410: {  	v14 =	vmul.f32 v14, v15;
	_ =	sdelay $0x1  }
0x411: {  	v14 =	vadd.f32 v50, v14;
	_ =	sdelay $0x1  }
0x412: {  	[tilespmem:s2+$0x11640] =	vst v14  }
0x413: {  	v14 =	vld [tilespmem:$0x1250]  }
0x414: {  	v13 =	vsub.f32 v13, v25  }
0x415: {  	v51 =	vld [tilespmem:$0x1550]  }
0x416: {  	v13 =	vmul.f32 s19, v13;
	_ =	sdelay $0x1  }
0x417: {  	v13 =	vmul.f32 v14, v13;
	_ =	sdelay $0x1  }
0x418: {  	v13 =	vadd.f32 v51, v13;
	_ =	sdelay $0x1  }
0x419: {  	[tilespmem:s2+$0x11650] =	vst v13  }
0x41a: {  	v13 =	vld [tilespmem:$0x1260]  }
0x41b: {  	v12 =	vsub.f32 v12, v25  }
0x41c: {  	v52 =	vld [tilespmem:$0x1560]  }
0x41d: {  	v12 =	vmul.f32 s19, v12;
	_ =	sdelay $0x1  }
0x41e: {  	v12 =	vmul.f32 v13, v12;
	_ =	sdelay $0x1  }
0x41f: {  	v12 =	vadd.f32 v52, v12;
	_ =	sdelay $0x1  }
0x420: {  	[tilespmem:s2+$0x11660] =	vst v12  }
0x421: {  	v12 =	vld [tilespmem:$0x1270]  }
0x422: {  	v11 =	vsub.f32 v11, v25  }
0x423: {  	v53 =	vld [tilespmem:$0x1570]  }
0x424: {  	v11 =	vmul.f32 s19, v11;
	_ =	sdelay $0x1  }
0x425: {  	v11 =	vmul.f32 v12, v11;
	_ =	sdelay $0x1  }
0x426: {  	v11 =	vadd.f32 v53, v11;
	_ =	sdelay $0x1  }
0x427: {  	[tilespmem:s2+$0x11670] =	vst v11  }
0x428: {  	v11 =	vld [tilespmem:$0x1280]  }
0x429: {  	v10 =	vsub.f32 v10, v25  }
0x42a: {  	v54 =	vld [tilespmem:$0x1580]  }
0x42b: {  	v10 =	vmul.f32 s19, v10;
	_ =	sdelay $0x1  }
0x42c: {  	v10 =	vmul.f32 v11, v10;
	_ =	sdelay $0x1  }
0x42d: {  	v10 =	vadd.f32 v54, v10;
	_ =	sdelay $0x1  }
0x42e: {  	[tilespmem:s2+$0x11A00] =	vst v10  }
0x42f: {  	v10 =	vld [tilespmem:$0x1290]  }
0x430: {  	v8 =	vsub.f32 v8, v25  }
0x431: {  	v55 =	vld [tilespmem:$0x1590]  }
0x432: {  	v8 =	vmul.f32 s19, v8;
	_ =	sdelay $0x1  }
0x433: {  	v8 =	vmul.f32 v10, v8;
	_ =	sdelay $0x1  }
0x434: {  	v8 =	vadd.f32 v55, v8;
	_ =	sdelay $0x1  }
0x435: {  	[tilespmem:s2+$0x11A10] =	vst v8  }
0x436: {  	v8 =	vld [tilespmem:$0x12A0]  }
0x437: {  	v6 =	vsub.f32 v6, v25  }
0x438: {  	v56 =	vld [tilespmem:$0x15A0]  }
0x439: {  	v6 =	vmul.f32 s19, v6;
	_ =	sdelay $0x1  }
0x43a: {  	v6 =	vmul.f32 v8, v6;
	_ =	sdelay $0x1  }
0x43b: {  	v6 =	vadd.f32 v56, v6;
	_ =	sdelay $0x1  }
0x43c: {  	[tilespmem:s2+$0x11A20] =	vst v6  }
0x43d: {  	v6 =	vld [tilespmem:$0x12B0]  }
0x43e: {  	v5 =	vsub.f32 v5, v25  }
0x43f: {  	v57 =	vld [tilespmem:$0x15B0]  }
0x440: {  	v5 =	vmul.f32 s19, v5;
	_ =	sdelay $0x1  }
0x441: {  	v5 =	vmul.f32 v6, v5;
	_ =	sdelay $0x1  }
0x442: {  	v5 =	vadd.f32 v57, v5;
	_ =	sdelay $0x1  }
0x443: {  	[tilespmem:s2+$0x11A30] =	vst v5  }
0x444: {  	v5 =	vld [tilespmem:$0x12C0]  }
0x445: {  	v58 =	vsub.f32 v9, v25  }
0x446: {  	v59 =	vld [tilespmem:$0x15C0]  }
0x447: {  	v6 =	vmul.f32 s19, v58;
	_ =	sdelay $0x1  }
0x448: {  	v5 =	vmul.f32 v5, v6;
	_ =	sdelay $0x1  }
0x449: {  	v5 =	vadd.f32 v59, v5;
	_ =	sdelay $0x1  }
0x44a: {  	[tilespmem:s2+$0x11A40] =	vst v5  }
0x44b: {  	v5 =	vld [tilespmem:$0x12D0]  }
0x44c: {  	v60 =	vsub.f32 v7, v25  }
0x44d: {  	v61 =	vld [tilespmem:$0x15D0]  }
0x44e: {  	v6 =	vmul.f32 s19, v60;
	_ =	sdelay $0x1  }
0x44f: {  	v5 =	vmul.f32 v5, v6;
	_ =	sdelay $0x1  }
0x450: {  	v5 =	vadd.f32 v61, v5;
	_ =	sdelay $0x1  }
0x451: {  	[tilespmem:s2+$0x11A50] =	vst v5  }
0x452: {  	v5 =	vld [tilespmem:$0x12E0]  }
0x453: {  	v4 =	vsub.f32 v4, v25  }
0x454: {  	v62 =	vld [tilespmem:$0x15E0]  }
0x455: {  	v4 =	vmul.f32 s19, v4;
	_ =	sdelay $0x1  }
0x456: {  	v4 =	vmul.f32 v5, v4;
	_ =	sdelay $0x1  }
0x457: {  	v4 =	vadd.f32 v62, v4;
	_ =	sdelay $0x1  }
0x458: {  	[tilespmem:s2+$0x11A60] =	vst v4  }
0x459: {  	v4 =	vld [tilespmem:$0x12F0]  }
0x45a: {  	v3 =	vsub.f32 v3, v25  }
0x45b: {  	v63 =	vld [tilespmem:$0x15F0]  }
0x45c: {  	v3 =	vmul.f32 s19, v3  }
0x45d: {  	p0 =	sne.s32 s3, $0xF  }
.Ltmp1:
0x45e: {  	v3 =	vmul.f32 v4, v3;
	(pc) =	sbr.rel @p0 .LBB2_5-.Ltmp1, $3  }
0x45f: {  	_ = 	snop  }
0x460: {  	v3 =	vadd.f32 v63, v3;
	_ =	sdelay $0x1  }
0x461: {  	s15 =	sadd.s32 $0x80, s15;
	s3 =	sadd.s32 $0x1, s3;
	[tilespmem:s2+$0x11A70] =	vst v3  }
0x462: {  	s9 =	sadd.s32 $0x1, s9  }
0x463: {  	s2 =	sor.u32 s7, s10;
	p0 =	sne.s32 s9, $0x40  }
.Ltmp2:
0x464: {  	s2 =	sshrl.u32 s2, $0x3;
	(pc) =	sbr.rel @p0 .LBB2_2-.Ltmp2, $3  }
0x465: {  	s2 =	smul.u32 $0x300, s2;
	_ =	sdelay $0x1  }
0x466: {  	s2 =	sadd.s32 s5, s2  }
0x467: {  	[hbm4b:s2+s6] =	stream.linear.scatter [tilespmem:s0], [sflag:$0x6], $0x3000, $0x38;
	[tilespmem:$0x13600] =	vst v63  }
0x468: {  	s2 =	simm.s32 $0x5  }
0x469: {  	_ =	swait.ge [sflag:s2], $0x3000  }
0x46a: {  	[sflag:s2] =	ssyncset.done $0x0  }
0x46b: {  	s3 =	simm.s32 $0x6;
	[sflag:s2] =	ssyncadd.s32 $0xFFFFD000  }
0x46c: {  	_ =	swait.ge [sflag:s3], $0x3000  }
0x46d: {  	s4 =	rddreg [dreg:$0x9]  }
0x46e: {  	s19 =	rddreg [dreg:$0x8];
	s4 =	sadd.s32 $0x1, s4  }
0x46f: {  	p0 =	sne.s32 s4, s19  }
.Ltmp3:
0x470: {  	_ = 	snop;
	(pc) =	sbr.rel @p0 .LBB2_1-.Ltmp3, $3  }
0x471: {  	_ =	sdelay $0x1  }
0x472: {  	[sflag:s3] =	ssyncset.done $0x0  }
0x473: {  	[sflag:s3] =	ssyncadd.s32 $0xFFFFD000  }
0x474: {  	_ =	sfence.sel $0x180000  }
0x475: {  	[bflag:$0x0] =	sbarrier.arrive $0xFFFF  }
0x476: {  	_ =	strace $0x90000047  }
0x477: {  	s0 =	stileid.u32;
	[bflag:$0x2] =	sbarrier.arrive $0xFFFF  }
0x478: {  	p0 =	sne.s32 s0, $0x0;
	s0 =	rddreg [dreg:$0x5]  }
0x479: {  	s0 =	sadd.s32 @!p0 $0x100000, s0  }
0x47a: {  	[sflag:s0] =	ssyncadd.tile.s32 @!p0 $0x1;
	_ =	shalt  }
.Lfunc_end2:
_tile_overlayer_lowered:
.L_overlay_start_2:
0x47b: {  	(tag) =	ssettag $0x2  }
0x47c: {  	s0 =	rddreg [dreg:$0x0];
	s2 =	stileid.u32  }
0x47d: {  	s1 =	rddreg [dreg:$0x1];
	p0 =	sne.s32 s2, $0x0  }
0x47e: {  	s3 =	rddreg [dreg:$0x2];
	[bflag:$0x3] =	sbarrier.arrive $0xFFFF;
	s2 =	simm.s32 @!p0 $0x1C07  }
0x47f: {  	[timem:s3], [sflag:s2] =	dma.local @!p0 [hbm:s0], s1  }
0x480: {  	s0 =	simm.s32 @!p0 $0x7  }
0x481: {  	_ =	swait.ge @!p0 [sflag:s0], s1  }
0x482: {  	s1 =	ssub.s32 @!p0 $0x0, s1;
	[sflag:s0] =	ssyncset.done @!p0 $0x0  }
0x483: {  	[sflag:s0] =	ssyncadd.s32 @!p0 s1  }
0x484: {  	[bflag:$0x3] =	sbarrier.arrive $0xFFFF  }
0x485: {  	_ =	shalt  }

</sc_bundles>
